<compile_context>
chip_gen: v7x
topology: tpu7x:2x2x1
jax: 0.10.2.dev20260603
libtpu: 0.0.44.dev20260713+nightly
codegen_flags: <defaults>
</compile_context>

<pallas_src>
import functools

import jax
import jax.numpy as jnp
from jax import lax
from jax.experimental import pallas as pl
from jax.experimental.pallas import tpu as pltpu
from jax.experimental.pallas import tpu_sc as plsc

C = 384
H = W = 384
HW = H * W
NM = 1024
NNM = NM * 150
K = NM + NNM
NC = 2
NS = 16
NW = NC * NS
PB = 4864
K_PAD = NW * PB
CH = 64
NCH = PB // CH


def _tr_body(a_ref, b_ref, a0, a1, b0, b1):
    zeros = jnp.zeros((128, 128), jnp.float32)
    for img_ref, outs in ((a_ref, (a0, a1)), (b_ref, (b0, b1))):
        for h in range(8):
            blk = img_ref[0, :, h, :]
            p01 = pltpu.pack_elementwise(
                [blk[0:128], blk[128:256]], packed_dtype=jnp.bfloat16
            )
            p2 = pltpu.pack_elementwise(
                [blk[256:384], zeros], packed_dtype=jnp.bfloat16
            )
            sl = slice(h * 128, (h + 1) * 128)
            outs[0][sl, :] = lax.bitcast_convert_type(p01, jnp.float32).T
            outs[1][sl, :] = lax.bitcast_convert_type(p2, jnp.float32).T


_transpose = pl.pallas_call(
    _tr_body,
    grid=((H // 8) * (W // 128),),
    in_specs=[
        pl.BlockSpec((1, C, 8, 128), lambda i: (0, 0, i // 3, i % 3)),
        pl.BlockSpec((1, C, 8, 128), lambda i: (0, 0, i // 3, i % 3)),
    ],
    out_specs=[pl.BlockSpec((1024, 128), lambda i: (i, 0))] * 4,
    out_shape=[jax.ShapeDtypeStruct((HW, 128), jnp.float32)] * 4,
)

_mesh = plsc.VectorSubcoreMesh(
    core_axis_name="c", subcore_axis_name="s", num_cores=NC, num_subcores=NS
)


@functools.partial(
    pl.kernel,
    out_type=jax.ShapeDtypeStruct((NW, 2, 16), jnp.float32),
    mesh=_mesh,
    scratch_types=[
        pltpu.VMEM((PB,), jnp.int32),
        pltpu.VMEM((PB,), jnp.int32),
    ]
    + [pltpu.VMEM((3, CH, 128), jnp.float32)] * 4
    + [
        pltpu.VMEM((2, 16), jnp.float32),
        pltpu.SemaphoreType.DMA,
        pltpu.SemaphoreType.DMA,
        pltpu.SemaphoreType.DMA,
    ],
    compiler_params=pltpu.CompilerParams(
        use_tc_tiling_on_sc=False, needs_layout_passes=False
    ),
)
def _sc_dist(a0_h, a1_h, b0_h, b1_h, ia_hbm, ib_hbm, out_hbm,
             ia_v, ib_v, a0_v, a1_v, b0_v, b1_v, acc_v, sem0, sem1, sem2):
    wid = lax.axis_index("s") * NC + lax.axis_index("c")
    base = wid * PB
    pltpu.sync_copy(ia_hbm.at[pl.ds(base, PB)], ia_v)
    pltpu.sync_copy(ib_hbm.at[pl.ds(base, PB)], ib_v)
    zero = jnp.zeros((16,), jnp.float32)

    a_tabs = (a0_h, a1_h)
    b_tabs = (b0_h, b1_h)
    a_bufs = (a0_v, a1_v)
    b_bufs = (b0_v, b1_v)
    sems = (sem0, sem1, sem2)

    def fire(ch, par):
        c0 = ch * CH
        ias = ia_v.at[pl.ds(c0, CH)]
        ibs = ib_v.at[pl.ds(c0, CH)]
        for tab, buf in zip(a_tabs, a_bufs):
            pltpu.async_copy(tab.at[ias], buf.at[par], sems[par])
        for tab, buf in zip(b_tabs, b_bufs):
            pltpu.async_copy(tab.at[ibs], buf.at[par], sems[par])

    def drain(par):
        for tab, buf in zip(a_tabs + b_tabs, a_bufs + b_bufs):
            pltpu.make_async_copy(
                tab.at[pl.ds(0, CH)], buf.at[par], sems[par]
            ).wait()

    def compute(ch, par, carry):
        gbase = base + ch * CH
        wm = jnp.full((16,), jnp.where(gbase < NM, 1.0, 0.0), jnp.float32)
        wn = jnp.full(
            (16,),
            jnp.where(
                jnp.logical_and(gbase >= NM, gbase < K), 1.0, 0.0
            ),
            jnp.float32,
        )

        def pair_body(r, c2):
            m, n = c2
            accs = [zero, zero, zero, zero]
            cnt = 0
            for abuf, bbuf in zip(a_bufs, b_bufs):
                for j in range(8):
                    va = abuf[par, r, pl.ds(16 * j, 16)]
                    vb = bbuf[par, r, pl.ds(16 * j, 16)]
                    d = plsc.bitcast(va, jnp.bfloat16) - plsc.bitcast(
                        vb, jnp.bfloat16
                    )
                    dl, dh = plsc.unpack(d, format=plsc.PackFormat.INTERLEAVED)
                    accs[cnt % 2] = accs[cnt % 2] + dl * dl
                    accs[2 + cnt % 2] = accs[2 + cnt % 2] + dh * dh
                    cnt += 1
            acc = (accs[0] + accs[1]) + (accs[2] + accs[3])
            s = plsc.cumsum(acc)
            m = m + s * wm
            n = n + jnp.maximum(0.5 - s, 0.0) * wn
            return m, n

        return lax.fori_loop(0, CH, pair_body, carry, unroll=1)

    fire(0, 0)
    fire(1, 1)

    def body(i, carry):
        ch0 = 3 * i
        fire(ch0 + 2, 2)
        drain(0)
        carry = compute(ch0, 0, carry)
        fire(ch0 + 3, 0)
        drain(1)
        carry = compute(ch0 + 1, 1, carry)

        @pl.when(i < NCH // 3 - 1)
        def _():
            fire(ch0 + 4, 1)

        drain(2)
        carry = compute(ch0 + 2, 2, carry)
        return carry

    m_acc, n_acc = lax.fori_loop(0, NCH // 3, body, (zero, zero))
    drain(0)
    m_acc, n_acc = compute(NCH - 1, 0, (m_acc, n_acc))
    acc_v[0] = m_acc
    acc_v[1] = n_acc
    pltpu.sync_copy(acc_v, out_hbm.at[wid])


def kernel(image_a_pred, image_b_pred, matches_a, matches_b,
           non_matches_a, non_matches_b):
    a0, a1, b0, b1 = _transpose(image_a_pred, image_b_pred)

    def pix(rc):
        r = rc[:, 0].astype(jnp.int32)
        c = rc[:, 1].astype(jnp.int32)
        return (r >> 3) * 3072 + ((c >> 7) << 10) + ((r & 7) << 7) + (c & 127)

    pad = jnp.zeros((K_PAD - K,), jnp.int32)
    ia = jnp.concatenate([pix(matches_a), pix(non_matches_a), pad])
    ib = jnp.concatenate([pix(matches_b), pix(non_matches_b), pad])

    out = _sc_dist(a0, a1, b0, b1, ia, ib)
    match_loss = jnp.sum(out[:, 0, 15]) / NM
    non_match_loss = jnp.sum(out[:, 1, 15]) / NNM
    loss = match_loss + non_match_loss
    return (loss, match_loss, non_match_loss)

# --- scband reference (transcript-rebuilt; emitter-appended) ---
"""Pipeline reference for scband-pixelwise-contrastive-loss-10488310136951 (READ-ONLY COPY).

The authoritative reference and input builder live on the scoring server;
editing this copy changes nothing except your own understanding.
"""

import jax, jax.numpy as jnp
import numpy as np


def setup_inputs(seed: int = 0) -> dict:
    key = jax.random.key(seed)
    k1, k2, k3, k4, k5, k6 = jax.random.split(key, 6)
    H = W = 384
    C = 384
    NM = 1024
    NNM = NM * 150
    image_a_pred = jax.random.normal(k1, (1, C, H, W), dtype=jnp.float32)
    image_b_pred = jax.random.normal(k2, (1, C, H, W), dtype=jnp.float32)
    matches_a = jax.random.randint(k3, (NM, 2), 0, 384, dtype=jnp.int64) if jax.config.jax_enable_x64 else jax.random.randint(k3, (NM, 2), 0, 384).astype(jnp.int32)
    matches_b = jax.random.randint(k4, (NM, 2), 0, 384).astype(matches_a.dtype)
    non_matches_a = jax.random.randint(k5, (NNM, 2), 0, 384).astype(matches_a.dtype)
    non_matches_b = jax.random.randint(k6, (NNM, 2), 0, 384).astype(matches_a.dtype)
    return {
        "image_a_pred": image_a_pred,
        "image_b_pred": image_b_pred,
        "matches_a": matches_a,
        "matches_b": matches_b,
        "non_matches_a": non_matches_a,
        "non_matches_b": non_matches_b,
    }


def reference(image_a_pred, image_b_pred, matches_a, matches_b, non_matches_a, non_matches_b):
    b, c, h, w = image_a_pred.shape
    a_desc = jnp.transpose(image_a_pred.reshape(b, c, h * w), (0, 2, 1))
    b_desc = jnp.transpose(image_b_pred.reshape(b, c, h * w), (0, 2, 1))
    ma = matches_a[:, 0] * w + matches_a[:, 1]
    mb = matches_b[:, 0] * w + matches_b[:, 1]
    na = non_matches_a[:, 0] * w + non_matches_a[:, 1]
    nb = non_matches_b[:, 0] * w + non_matches_b[:, 1]
    matches_a_descriptors = jnp.take(a_desc, ma, axis=1)
    matches_b_descriptors = jnp.take(b_desc, mb, axis=1)
    match_loss = jnp.mean(jnp.sum((matches_a_descriptors - matches_b_descriptors) ** 2, axis=2))
    M_margin = 0.5
    non_matches_a_descriptors = jnp.take(a_desc, na, axis=1)
    non_matches_b_descriptors = jnp.take(b_desc, nb, axis=1)
    pixel_wise_loss = jnp.sum((non_matches_a_descriptors - non_matches_b_descriptors) ** 2, axis=2)
    pixel_wise_loss = M_margin - pixel_wise_loss
    zeros_vec = jnp.zeros_like(pixel_wise_loss)
    non_match_loss = jnp.mean(jnp.maximum(zeros_vec, pixel_wise_loss))
    loss = match_loss + non_match_loss
    return (loss, match_loss, non_match_loss)

if __name__ == "__main__":
    import jax
    _d = setup_inputs()
    print(jax.jit(kernel)(*tuple(_d.values())))

</pallas_src>

<mosaic_0001>
#map = affine_map<(d0, d1) -> (0, 0)>
#map1 = affine_map<(d0, d1) -> (0)>
#map2 = affine_map<(d0, d1) -> (0, 0, 0)>
module attributes {stable_mosaic.version = 14 : i64} {
  func.func @_sc_dist(%arg0: i32, %arg1: i32, %arg2: memref<147456x128xf32, #tpu.memory_space<hbm>>, %arg3: memref<147456x128xf32, #tpu.memory_space<hbm>>, %arg4: memref<147456x128xf32, #tpu.memory_space<hbm>>, %arg5: memref<147456x128xf32, #tpu.memory_space<hbm>>, %arg6: memref<155648xi32, #tpu.memory_space<hbm>>, %arg7: memref<155648xi32, #tpu.memory_space<hbm>>, %arg8: memref<32x2x16xf32, #tpu.memory_space<hbm>>, %arg9: memref<4864xi32, #tpu.memory_space<vmem>>, %arg10: memref<4864xi32, #tpu.memory_space<vmem>>, %arg11: memref<3x64x128xf32, #tpu.memory_space<vmem>>, %arg12: memref<3x64x128xf32, #tpu.memory_space<vmem>>, %arg13: memref<3x64x128xf32, #tpu.memory_space<vmem>>, %arg14: memref<3x64x128xf32, #tpu.memory_space<vmem>>, %arg15: memref<2x16xf32, #tpu.memory_space<vmem>>, %arg16: memref<!tpu.dma_semaphore, #tpu.memory_space<semaphore_mem>>, %arg17: memref<!tpu.dma_semaphore, #tpu.memory_space<semaphore_mem>>, %arg18: memref<!tpu.dma_semaphore, #tpu.memory_space<semaphore_mem>>) attributes {dimension_semantics = [#tpu.dimension_semantics<core_parallel>, #tpu.dimension_semantics<subcore_parallel>], iteration_bounds = array<i64: 2, 16>, scalar_prefetch = 0 : i64, scratch_operands = 10 : i64, tpu.core_type = #tpu.core_type<sc_vector_subcore>, window_params = [{transform_indices = #map}, {transform_indices = #map}, {transform_indices = #map}, {transform_indices = #map}, {transform_indices = #map1}, {transform_indices = #map1}, {transform_indices = #map2}]} {
    %mul3A = arith.constant 2 : i32
    %mul3A_0 = arith.muli %arg1, %mul3A : i32
    %add3A = arith.addi %mul3A_0, %arg0 : i32
    %mul3A_1 = arith.constant 4864 : i32
    %mul3A_2 = arith.muli %add3A, %mul3A_1 : i32
    "tpu.region"() ({
      %run_scoped3A = tpu.sem_alloc : memref<!tpu.dma_semaphore, #tpu.memory_space<semaphore_mem>>
      %dma_start3A_172 = tpu.memref_slice %arg6[%mul3A_2] : memref<155648xi32, #tpu.memory_space<hbm>> -> memref<4864xi32, #tpu.memory_space<hbm>>
      %dma_start3A_173 = tpu.memref_slice %arg6[%mul3A_2] : memref<155648xi32, #tpu.memory_space<hbm>> -> memref<4864xi32, #tpu.memory_space<hbm>>
      tpu.enqueue_dma source(%dma_start3A_173 : memref<4864xi32, #tpu.memory_space<hbm>>) target(%arg9 : memref<4864xi32, #tpu.memory_space<vmem>>) target_semaphore(%run_scoped3A : memref<!tpu.dma_semaphore, #tpu.memory_space<semaphore_mem>>)
      %dma_wait3A_174 = tpu.memref_slice %arg6[%mul3A_2] : memref<155648xi32, #tpu.memory_space<hbm>> -> memref<4864xi32, #tpu.memory_space<hbm>>
      %dma_wait3A_175 = tpu.memref_slice %arg6[%mul3A_2] : memref<155648xi32, #tpu.memory_space<hbm>> -> memref<4864xi32, #tpu.memory_space<hbm>>
      tpu.wait_dma2 semaphore(%run_scoped3A : memref<!tpu.dma_semaphore, #tpu.memory_space<semaphore_mem>>) src(%dma_wait3A_175 : memref<4864xi32, #tpu.memory_space<hbm>>) dst(%arg9 : memref<4864xi32, #tpu.memory_space<vmem>>)
      tpu.yield
    }) : () -> ()
    "tpu.region"() ({
      %run_scoped3A = tpu.sem_alloc : memref<!tpu.dma_semaphore, #tpu.memory_space<semaphore_mem>>
      %dma_start3A_172 = tpu.memref_slice %arg7[%mul3A_2] : memref<155648xi32, #tpu.memory_space<hbm>> -> memref<4864xi32, #tpu.memory_space<hbm>>
      %dma_start3A_173 = tpu.memref_slice %arg7[%mul3A_2] : memref<155648xi32, #tpu.memory_space<hbm>> -> memref<4864xi32, #tpu.memory_space<hbm>>
      tpu.enqueue_dma source(%dma_start3A_173 : memref<4864xi32, #tpu.memory_space<hbm>>) target(%arg10 : memref<4864xi32, #tpu.memory_space<vmem>>) target_semaphore(%run_scoped3A : memref<!tpu.dma_semaphore, #tpu.memory_space<semaphore_mem>>)
      %dma_wait3A_174 = tpu.memref_slice %arg7[%mul3A_2] : memref<155648xi32, #tpu.memory_space<hbm>> -> memref<4864xi32, #tpu.memory_space<hbm>>
      %dma_wait3A_175 = tpu.memref_slice %arg7[%mul3A_2] : memref<155648xi32, #tpu.memory_space<hbm>> -> memref<4864xi32, #tpu.memory_space<hbm>>
      tpu.wait_dma2 semaphore(%run_scoped3A : memref<!tpu.dma_semaphore, #tpu.memory_space<semaphore_mem>>) src(%dma_wait3A_175 : memref<4864xi32, #tpu.memory_space<hbm>>) dst(%arg10 : memref<4864xi32, #tpu.memory_space<vmem>>)
      tpu.yield
    }) : () -> ()
    %broadcast_in_dim3A = arith.constant 0.000000e+00 : f32
    %broadcast_in_dim3A_3 = vector.broadcast %broadcast_in_dim3A : f32 to vector<16xf32>
    %dma_start3A = arith.constant 0 : i32
    %dma_start3A_4 = arith.constant 0 : i32
    %dma_start3A_5 = arith.constant 0 : i32
    %dma_start3A_6 = tpu.memref_slice %arg11[%dma_start3A, %dma_start3A_4, %dma_start3A_5] : memref<3x64x128xf32, #tpu.memory_space<vmem>> -> memref<1x64x128xf32, #tpu.memory_space<vmem>>
    %dma_start3A_7 = tpu.memref_squeeze %dma_start3A_6 : memref<1x64x128xf32, #tpu.memory_space<vmem>> -> memref<64x128xf32, #tpu.memory_space<vmem>>
    %dma_start3A_8 = arith.constant 0 : i32
    %dma_start3A_9 = tpu.memref_slice %arg9[%dma_start3A_8] : memref<4864xi32, #tpu.memory_space<vmem>> -> memref<64xi32, #tpu.memory_space<vmem>>
    %dma_start3A_10 = arith.constant 0 : i32
    %dma_start3A_11 = arith.constant 0 : i32
    %dma_start3A_12 = tpu.memref_slice %arg2[%dma_start3A_10, %dma_start3A_11] : memref<147456x128xf32, #tpu.memory_space<hbm>> -> memref<147456x128xf32, #tpu.memory_space<hbm>>
    tpu.enqueue_indirect_dma source(%dma_start3A_12 : memref<147456x128xf32, #tpu.memory_space<hbm>>) target(%dma_start3A_7 : memref<64x128xf32, #tpu.memory_space<vmem>>) offsets(%dma_start3A_9 : memref<64xi32, #tpu.memory_space<vmem>>) semaphore(%arg16 : memref<!tpu.dma_semaphore, #tpu.memory_space<semaphore_mem>>)
    %dma_start3A_13 = arith.constant 0 : i32
    %dma_start3A_14 = arith.constant 0 : i32
    %dma_start3A_15 = arith.constant 0 : i32
    %dma_start3A_16 = tpu.memref_slice %arg12[%dma_start3A_13, %dma_start3A_14, %dma_start3A_15] : memref<3x64x128xf32, #tpu.memory_space<vmem>> -> memref<1x64x128xf32, #tpu.memory_space<vmem>>
    %dma_start3A_17 = tpu.memref_squeeze %dma_start3A_16 : memref<1x64x128xf32, #tpu.memory_space<vmem>> -> memref<64x128xf32, #tpu.memory_space<vmem>>
    %dma_start3A_18 = arith.constant 0 : i32
    %dma_start3A_19 = tpu.memref_slice %arg9[%dma_start3A_18] : memref<4864xi32, #tpu.memory_space<vmem>> -> memref<64xi32, #tpu.memory_space<vmem>>
    %dma_start3A_20 = arith.constant 0 : i32
    %dma_start3A_21 = arith.constant 0 : i32
    %dma_start3A_22 = tpu.memref_slice %arg3[%dma_start3A_20, %dma_start3A_21] : memref<147456x128xf32, #tpu.memory_space<hbm>> -> memref<147456x128xf32, #tpu.memory_space<hbm>>
    tpu.enqueue_indirect_dma source(%dma_start3A_22 : memref<147456x128xf32, #tpu.memory_space<hbm>>) target(%dma_start3A_17 : memref<64x128xf32, #tpu.memory_space<vmem>>) offsets(%dma_start3A_19 : memref<64xi32, #tpu.memory_space<vmem>>) semaphore(%arg16 : memref<!tpu.dma_semaphore, #tpu.memory_space<semaphore_mem>>)
    %dma_start3A_23 = arith.constant 0 : i32
    %dma_start3A_24 = arith.constant 0 : i32
    %dma_start3A_25 = arith.constant 0 : i32
    %dma_start3A_26 = tpu.memref_slice %arg13[%dma_start3A_23, %dma_start3A_24, %dma_start3A_25] : memref<3x64x128xf32, #tpu.memory_space<vmem>> -> memref<1x64x128xf32, #tpu.memory_space<vmem>>
    %dma_start3A_27 = tpu.memref_squeeze %dma_start3A_26 : memref<1x64x128xf32, #tpu.memory_space<vmem>> -> memref<64x128xf32, #tpu.memory_space<vmem>>
    %dma_start3A_28 = arith.constant 0 : i32
    %dma_start3A_29 = tpu.memref_slice %arg10[%dma_start3A_28] : memref<4864xi32, #tpu.memory_space<vmem>> -> memref<64xi32, #tpu.memory_space<vmem>>
    %dma_start3A_30 = arith.constant 0 : i32
    %dma_start3A_31 = arith.constant 0 : i32
    %dma_start3A_32 = tpu.memref_slice %arg4[%dma_start3A_30, %dma_start3A_31] : memref<147456x128xf32, #tpu.memory_space<hbm>> -> memref<147456x128xf32, #tpu.memory_space<hbm>>
    tpu.enqueue_indirect_dma source(%dma_start3A_32 : memref<147456x128xf32, #tpu.memory_space<hbm>>) target(%dma_start3A_27 : memref<64x128xf32, #tpu.memory_space<vmem>>) offsets(%dma_start3A_29 : memref<64xi32, #tpu.memory_space<vmem>>) semaphore(%arg16 : memref<!tpu.dma_semaphore, #tpu.memory_space<semaphore_mem>>)
    %dma_start3A_33 = arith.constant 0 : i32
    %dma_start3A_34 = arith.constant 0 : i32
    %dma_start3A_35 = arith.constant 0 : i32
    %dma_start3A_36 = tpu.memref_slice %arg14[%dma_start3A_33, %dma_start3A_34, %dma_start3A_35] : memref<3x64x128xf32, #tpu.memory_space<vmem>> -> memref<1x64x128xf32, #tpu.memory_space<vmem>>
    %dma_start3A_37 = tpu.memref_squeeze %dma_start3A_36 : memref<1x64x128xf32, #tpu.memory_space<vmem>> -> memref<64x128xf32, #tpu.memory_space<vmem>>
    %dma_start3A_38 = arith.constant 0 : i32
    %dma_start3A_39 = tpu.memref_slice %arg10[%dma_start3A_38] : memref<4864xi32, #tpu.memory_space<vmem>> -> memref<64xi32, #tpu.memory_space<vmem>>
    %dma_start3A_40 = arith.constant 0 : i32
    %dma_start3A_41 = arith.constant 0 : i32
    %dma_start3A_42 = tpu.memref_slice %arg5[%dma_start3A_40, %dma_start3A_41] : memref<147456x128xf32, #tpu.memory_space<hbm>> -> memref<147456x128xf32, #tpu.memory_space<hbm>>
    tpu.enqueue_indirect_dma source(%dma_start3A_42 : memref<147456x128xf32, #tpu.memory_space<hbm>>) target(%dma_start3A_37 : memref<64x128xf32, #tpu.memory_space<vmem>>) offsets(%dma_start3A_39 : memref<64xi32, #tpu.memory_space<vmem>>) semaphore(%arg16 : memref<!tpu.dma_semaphore, #tpu.memory_space<semaphore_mem>>)
    %dma_start3A_43 = arith.constant 1 : i32
    %dma_start3A_44 = arith.constant 0 : i32
    %dma_start3A_45 = arith.constant 0 : i32
    %dma_start3A_46 = tpu.memref_slice %arg11[%dma_start3A_43, %dma_start3A_44, %dma_start3A_45] : memref<3x64x128xf32, #tpu.memory_space<vmem>> -> memref<1x64x128xf32, #tpu.memory_space<vmem>>
    %dma_start3A_47 = tpu.memref_squeeze %dma_start3A_46 : memref<1x64x128xf32, #tpu.memory_space<vmem>> -> memref<64x128xf32, #tpu.memory_space<vmem>>
    %dma_start3A_48 = arith.constant 64 : i32
    %dma_start3A_49 = tpu.memref_slice %arg9[%dma_start3A_48] : memref<4864xi32, #tpu.memory_space<vmem>> -> memref<64xi32, #tpu.memory_space<vmem>>
    %dma_start3A_50 = arith.constant 0 : i32
    %dma_start3A_51 = arith.constant 0 : i32
    %dma_start3A_52 = tpu.memref_slice %arg2[%dma_start3A_50, %dma_start3A_51] : memref<147456x128xf32, #tpu.memory_space<hbm>> -> memref<147456x128xf32, #tpu.memory_space<hbm>>
    tpu.enqueue_indirect_dma source(%dma_start3A_52 : memref<147456x128xf32, #tpu.memory_space<hbm>>) target(%dma_start3A_47 : memref<64x128xf32, #tpu.memory_space<vmem>>) offsets(%dma_start3A_49 : memref<64xi32, #tpu.memory_space<vmem>>) semaphore(%arg17 : memref<!tpu.dma_semaphore, #tpu.memory_space<semaphore_mem>>)
    %dma_start3A_53 = arith.constant 1 : i32
    %dma_start3A_54 = arith.constant 0 : i32
    %dma_start3A_55 = arith.constant 0 : i32
    %dma_start3A_56 = tpu.memref_slice %arg12[%dma_start3A_53, %dma_start3A_54, %dma_start3A_55] : memref<3x64x128xf32, #tpu.memory_space<vmem>> -> memref<1x64x128xf32, #tpu.memory_space<vmem>>
    %dma_start3A_57 = tpu.memref_squeeze %dma_start3A_56 : memref<1x64x128xf32, #tpu.memory_space<vmem>> -> memref<64x128xf32, #tpu.memory_space<vmem>>
    %dma_start3A_58 = arith.constant 64 : i32
    %dma_start3A_59 = tpu.memref_slice %arg9[%dma_start3A_58] : memref<4864xi32, #tpu.memory_space<vmem>> -> memref<64xi32, #tpu.memory_space<vmem>>
    %dma_start3A_60 = arith.constant 0 : i32
    %dma_start3A_61 = arith.constant 0 : i32
    %dma_start3A_62 = tpu.memref_slice %arg3[%dma_start3A_60, %dma_start3A_61] : memref<147456x128xf32, #tpu.memory_space<hbm>> -> memref<147456x128xf32, #tpu.memory_space<hbm>>
    tpu.enqueue_indirect_dma source(%dma_start3A_62 : memref<147456x128xf32, #tpu.memory_space<hbm>>) target(%dma_start3A_57 : memref<64x128xf32, #tpu.memory_space<vmem>>) offsets(%dma_start3A_59 : memref<64xi32, #tpu.memory_space<vmem>>) semaphore(%arg17 : memref<!tpu.dma_semaphore, #tpu.memory_space<semaphore_mem>>)
    %dma_start3A_63 = arith.constant 1 : i32
    %dma_start3A_64 = arith.constant 0 : i32
    %dma_start3A_65 = arith.constant 0 : i32
    %dma_start3A_66 = tpu.memref_slice %arg13[%dma_start3A_63, %dma_start3A_64, %dma_start3A_65] : memref<3x64x128xf32, #tpu.memory_space<vmem>> -> memref<1x64x128xf32, #tpu.memory_space<vmem>>
    %dma_start3A_67 = tpu.memref_squeeze %dma_start3A_66 : memref<1x64x128xf32, #tpu.memory_space<vmem>> -> memref<64x128xf32, #tpu.memory_space<vmem>>
    %dma_start3A_68 = arith.constant 64 : i32
    %dma_start3A_69 = tpu.memref_slice %arg10[%dma_start3A_68] : memref<4864xi32, #tpu.memory_space<vmem>> -> memref<64xi32, #tpu.memory_space<vmem>>
    %dma_start3A_70 = arith.constant 0 : i32
    %dma_start3A_71 = arith.constant 0 : i32
    %dma_start3A_72 = tpu.memref_slice %arg4[%dma_start3A_70, %dma_start3A_71] : memref<147456x128xf32, #tpu.memory_space<hbm>> -> memref<147456x128xf32, #tpu.memory_space<hbm>>
    tpu.enqueue_indirect_dma source(%dma_start3A_72 : memref<147456x128xf32, #tpu.memory_space<hbm>>) target(%dma_start3A_67 : memref<64x128xf32, #tpu.memory_space<vmem>>) offsets(%dma_start3A_69 : memref<64xi32, #tpu.memory_space<vmem>>) semaphore(%arg17 : memref<!tpu.dma_semaphore, #tpu.memory_space<semaphore_mem>>)
    %dma_start3A_73 = arith.constant 1 : i32
    %dma_start3A_74 = arith.constant 0 : i32
    %dma_start3A_75 = arith.constant 0 : i32
    %dma_start3A_76 = tpu.memref_slice %arg14[%dma_start3A_73, %dma_start3A_74, %dma_start3A_75] : memref<3x64x128xf32, #tpu.memory_space<vmem>> -> memref<1x64x128xf32, #tpu.memory_space<vmem>>
    %dma_start3A_77 = tpu.memref_squeeze %dma_start3A_76 : memref<1x64x128xf32, #tpu.memory_space<vmem>> -> memref<64x128xf32, #tpu.memory_space<vmem>>
    %dma_start3A_78 = arith.constant 64 : i32
    %dma_start3A_79 = tpu.memref_slice %arg10[%dma_start3A_78] : memref<4864xi32, #tpu.memory_space<vmem>> -> memref<64xi32, #tpu.memory_space<vmem>>
    %dma_start3A_80 = arith.constant 0 : i32
    %dma_start3A_81 = arith.constant 0 : i32
    %dma_start3A_82 = tpu.memref_slice %arg5[%dma_start3A_80, %dma_start3A_81] : memref<147456x128xf32, #tpu.memory_space<hbm>> -> memref<147456x128xf32, #tpu.memory_space<hbm>>
    tpu.enqueue_indirect_dma source(%dma_start3A_82 : memref<147456x128xf32, #tpu.memory_space<hbm>>) target(%dma_start3A_77 : memref<64x128xf32, #tpu.memory_space<vmem>>) offsets(%dma_start3A_79 : memref<64xi32, #tpu.memory_space<vmem>>) semaphore(%arg17 : memref<!tpu.dma_semaphore, #tpu.memory_space<semaphore_mem>>)
    %scan3A = arith.constant 0 : i32
    %scan3A_83 = arith.constant 25 : i32
    %scan3A_84 = arith.addi %scan3A, %scan3A_83 : i32
    %scan3A_85 = arith.constant 1 : i32
    %scan3A_86:2 = scf.for %scan3A_172 = %scan3A to %scan3A_84 step %scan3A_85 iter_args(%scan3A_173 = %broadcast_in_dim3A_3, %scan3A_174 = %broadcast_in_dim3A_3) -> (vector<16xf32>, vector<16xf32>)  : i32 {
      %mul3A_175 = arith.constant 3 : i32
      %mul3A_176 = arith.muli %mul3A_175, %scan3A_172 : i32
      %add3A_177 = arith.constant 2 : i32
      %add3A_178 = arith.addi %mul3A_176, %add3A_177 : i32
      %mul3A_179 = arith.constant 64 : i32
      %mul3A_180 = arith.muli %add3A_178, %mul3A_179 : i32
      %dma_start3A_181 = arith.constant 2 : i32
      %dma_start3A_182 = arith.constant 0 : i32
      %dma_start3A_183 = arith.constant 0 : i32
      %dma_start3A_184 = tpu.memref_slice %arg11[%dma_start3A_181, %dma_start3A_182, %dma_start3A_183] : memref<3x64x128xf32, #tpu.memory_space<vmem>> -> memref<1x64x128xf32, #tpu.memory_space<vmem>>
      %dma_start3A_185 = tpu.memref_squeeze %dma_start3A_184 : memref<1x64x128xf32, #tpu.memory_space<vmem>> -> memref<64x128xf32, #tpu.memory_space<vmem>>
      %dma_start3A_186 = tpu.memref_slice %arg9[%mul3A_180] : memref<4864xi32, #tpu.memory_space<vmem>> -> memref<64xi32, #tpu.memory_space<vmem>>
      %dma_start3A_187 = arith.constant 0 : i32
      %dma_start3A_188 = arith.constant 0 : i32
      %dma_start3A_189 = tpu.memref_slice %arg2[%dma_start3A_187, %dma_start3A_188] : memref<147456x128xf32, #tpu.memory_space<hbm>> -> memref<147456x128xf32, #tpu.memory_space<hbm>>
      tpu.enqueue_indirect_dma source(%dma_start3A_189 : memref<147456x128xf32, #tpu.memory_space<hbm>>) target(%dma_start3A_185 : memref<64x128xf32, #tpu.memory_space<vmem>>) offsets(%dma_start3A_186 : memref<64xi32, #tpu.memory_space<vmem>>) semaphore(%arg18 : memref<!tpu.dma_semaphore, #tpu.memory_space<semaphore_mem>>)
      %dma_start3A_190 = arith.constant 2 : i32
      %dma_start3A_191 = arith.constant 0 : i32
      %dma_start3A_192 = arith.constant 0 : i32
      %dma_start3A_193 = tpu.memref_slice %arg12[%dma_start3A_190, %dma_start3A_191, %dma_start3A_192] : memref<3x64x128xf32, #tpu.memory_space<vmem>> -> memref<1x64x128xf32, #tpu.memory_space<vmem>>
      %dma_start3A_194 = tpu.memref_squeeze %dma_start3A_193 : memref<1x64x128xf32, #tpu.memory_space<vmem>> -> memref<64x128xf32, #tpu.memory_space<vmem>>
      %dma_start3A_195 = tpu.memref_slice %arg9[%mul3A_180] : memref<4864xi32, #tpu.memory_space<vmem>> -> memref<64xi32, #tpu.memory_space<vmem>>
      %dma_start3A_196 = arith.constant 0 : i32
      %dma_start3A_197 = arith.constant 0 : i32
      %dma_start3A_198 = tpu.memref_slice %arg3[%dma_start3A_196, %dma_start3A_197] : memref<147456x128xf32, #tpu.memory_space<hbm>> -> memref<147456x128xf32, #tpu.memory_space<hbm>>
      tpu.enqueue_indirect_dma source(%dma_start3A_198 : memref<147456x128xf32, #tpu.memory_space<hbm>>) target(%dma_start3A_194 : memref<64x128xf32, #tpu.memory_space<vmem>>) offsets(%dma_start3A_195 : memref<64xi32, #tpu.memory_space<vmem>>) semaphore(%arg18 : memref<!tpu.dma_semaphore, #tpu.memory_space<semaphore_mem>>)
      %dma_start3A_199 = arith.constant 2 : i32
      %dma_start3A_200 = arith.constant 0 : i32
      %dma_start3A_201 = arith.constant 0 : i32
      %dma_start3A_202 = tpu.memref_slice %arg13[%dma_start3A_199, %dma_start3A_200, %dma_start3A_201] : memref<3x64x128xf32, #tpu.memory_space<vmem>> -> memref<1x64x128xf32, #tpu.memory_space<vmem>>
      %dma_start3A_203 = tpu.memref_squeeze %dma_start3A_202 : memref<1x64x128xf32, #tpu.memory_space<vmem>> -> memref<64x128xf32, #tpu.memory_space<vmem>>
      %dma_start3A_204 = tpu.memref_slice %arg10[%mul3A_180] : memref<4864xi32, #tpu.memory_space<vmem>> -> memref<64xi32, #tpu.memory_space<vmem>>
      %dma_start3A_205 = arith.constant 0 : i32
      %dma_start3A_206 = arith.constant 0 : i32
      %dma_start3A_207 = tpu.memref_slice %arg4[%dma_start3A_205, %dma_start3A_206] : memref<147456x128xf32, #tpu.memory_space<hbm>> -> memref<147456x128xf32, #tpu.memory_space<hbm>>
      tpu.enqueue_indirect_dma source(%dma_start3A_207 : memref<147456x128xf32, #tpu.memory_space<hbm>>) target(%dma_start3A_203 : memref<64x128xf32, #tpu.memory_space<vmem>>) offsets(%dma_start3A_204 : memref<64xi32, #tpu.memory_space<vmem>>) semaphore(%arg18 : memref<!tpu.dma_semaphore, #tpu.memory_space<semaphore_mem>>)
      %dma_start3A_208 = arith.constant 2 : i32
      %dma_start3A_209 = arith.constant 0 : i32
      %dma_start3A_210 = arith.constant 0 : i32
      %dma_start3A_211 = tpu.memref_slice %arg14[%dma_start3A_208, %dma_start3A_209, %dma_start3A_210] : memref<3x64x128xf32, #tpu.memory_space<vmem>> -> memref<1x64x128xf32, #tpu.memory_space<vmem>>
      %dma_start3A_212 = tpu.memref_squeeze %dma_start3A_211 : memref<1x64x128xf32, #tpu.memory_space<vmem>> -> memref<64x128xf32, #tpu.memory_space<vmem>>
      %dma_start3A_213 = tpu.memref_slice %arg10[%mul3A_180] : memref<4864xi32, #tpu.memory_space<vmem>> -> memref<64xi32, #tpu.memory_space<vmem>>
      %dma_start3A_214 = arith.constant 0 : i32
      %dma_start3A_215 = arith.constant 0 : i32
      %dma_start3A_216 = tpu.memref_slice %arg5[%dma_start3A_214, %dma_start3A_215] : memref<147456x128xf32, #tpu.memory_space<hbm>> -> memref<147456x128xf32, #tpu.memory_space<hbm>>
      tpu.enqueue_indirect_dma source(%dma_start3A_216 : memref<147456x128xf32, #tpu.memory_space<hbm>>) target(%dma_start3A_212 : memref<64x128xf32, #tpu.memory_space<vmem>>) offsets(%dma_start3A_213 : memref<64xi32, #tpu.memory_space<vmem>>) semaphore(%arg18 : memref<!tpu.dma_semaphore, #tpu.memory_space<semaphore_mem>>)
      %dma_wait3A_217 = arith.constant 0 : i32
      %dma_wait3A_218 = arith.constant 0 : i32
      %dma_wait3A_219 = arith.constant 0 : i32
      %dma_wait3A_220 = tpu.memref_slice %arg11[%dma_wait3A_217, %dma_wait3A_218, %dma_wait3A_219] : memref<3x64x128xf32, #tpu.memory_space<vmem>> -> memref<1x64x128xf32, #tpu.memory_space<vmem>>
      %dma_wait3A_221 = tpu.memref_squeeze %dma_wait3A_220 : memref<1x64x128xf32, #tpu.memory_space<vmem>> -> memref<64x128xf32, #tpu.memory_space<vmem>>
      %dma_wait3A_222 = arith.constant 0 : i32
      %dma_wait3A_223 = arith.constant 0 : i32
      %dma_wait3A_224 = tpu.memref_slice %arg2[%dma_wait3A_222, %dma_wait3A_223] : memref<147456x128xf32, #tpu.memory_space<hbm>> -> memref<64x128xf32, #tpu.memory_space<hbm>>
      %dma_wait3A_225 = arith.constant 0 : i32
      %dma_wait3A_226 = arith.constant 0 : i32
      %dma_wait3A_227 = tpu.memref_slice %arg11[%dma_wait3A_217, %dma_wait3A_225, %dma_wait3A_226] : memref<3x64x128xf32, #tpu.memory_space<vmem>> -> memref<1x64x128xf32, #tpu.memory_space<vmem>>
      %dma_wait3A_228 = tpu.memref_squeeze %dma_wait3A_227 : memref<1x64x128xf32, #tpu.memory_space<vmem>> -> memref<64x128xf32, #tpu.memory_space<vmem>>
      %dma_wait3A_229 = arith.constant 0 : i32
      %dma_wait3A_230 = arith.constant 0 : i32
      %dma_wait3A_231 = tpu.memref_slice %arg2[%dma_wait3A_229, %dma_wait3A_230] : memref<147456x128xf32, #tpu.memory_space<hbm>> -> memref<64x128xf32, #tpu.memory_space<hbm>>
      tpu.wait_dma2 semaphore(%arg16 : memref<!tpu.dma_semaphore, #tpu.memory_space<semaphore_mem>>) src(%dma_wait3A_231 : memref<64x128xf32, #tpu.memory_space<hbm>>) dst(%dma_wait3A_228 : memref<64x128xf32, #tpu.memory_space<vmem>>)
      %dma_wait3A_232 = arith.constant 0 : i32
      %dma_wait3A_233 = arith.constant 0 : i32
      %dma_wait3A_234 = arith.constant 0 : i32
      %dma_wait3A_235 = tpu.memref_slice %arg12[%dma_wait3A_232, %dma_wait3A_233, %dma_wait3A_234] : memref<3x64x128xf32, #tpu.memory_space<vmem>> -> memref<1x64x128xf32, #tpu.memory_space<vmem>>
      %dma_wait3A_236 = tpu.memref_squeeze %dma_wait3A_235 : memref<1x64x128xf32, #tpu.memory_space<vmem>> -> memref<64x128xf32, #tpu.memory_space<vmem>>
      %dma_wait3A_237 = arith.constant 0 : i32
      %dma_wait3A_238 = arith.constant 0 : i32
      %dma_wait3A_239 = tpu.memref_slice %arg3[%dma_wait3A_237, %dma_wait3A_238] : memref<147456x128xf32, #tpu.memory_space<hbm>> -> memref<64x128xf32, #tpu.memory_space<hbm>>
      %dma_wait3A_240 = arith.constant 0 : i32
      %dma_wait3A_241 = arith.constant 0 : i32
      %dma_wait3A_242 = tpu.memref_slice %arg12[%dma_wait3A_232, %dma_wait3A_240, %dma_wait3A_241] : memref<3x64x128xf32, #tpu.memory_space<vmem>> -> memref<1x64x128xf32, #tpu.memory_space<vmem>>
      %dma_wait3A_243 = tpu.memref_squeeze %dma_wait3A_242 : memref<1x64x128xf32, #tpu.memory_space<vmem>> -> memref<64x128xf32, #tpu.memory_space<vmem>>
      %dma_wait3A_244 = arith.constant 0 : i32
      %dma_wait3A_245 = arith.constant 0 : i32
      %dma_wait3A_246 = tpu.memref_slice %arg3[%dma_wait3A_244, %dma_wait3A_245] : memref<147456x128xf32, #tpu.memory_space<hbm>> -> memref<64x128xf32, #tpu.memory_space<hbm>>
      tpu.wait_dma2 semaphore(%arg16 : memref<!tpu.dma_semaphore, #tpu.memory_space<semaphore_mem>>) src(%dma_wait3A_246 : memref<64x128xf32, #tpu.memory_space<hbm>>) dst(%dma_wait3A_243 : memref<64x128xf32, #tpu.memory_space<vmem>>)
      %dma_wait3A_247 = arith.constant 0 : i32
      %dma_wait3A_248 = arith.constant 0 : i32
      %dma_wait3A_249 = arith.constant 0 : i32
      %dma_wait3A_250 = tpu.memref_slice %arg13[%dma_wait3A_247, %dma_wait3A_248, %dma_wait3A_249] : memref<3x64x128xf32, #tpu.memory_space<vmem>> -> memref<1x64x128xf32, #tpu.memory_space<vmem>>
      %dma_wait3A_251 = tpu.memref_squeeze %dma_wait3A_250 : memref<1x64x128xf32, #tpu.memory_space<vmem>> -> memref<64x128xf32, #tpu.memory_space<vmem>>
      %dma_wait3A_252 = arith.constant 0 : i32
      %dma_wait3A_253 = arith.constant 0 : i32
      %dma_wait3A_254 = tpu.memref_slice %arg4[%dma_wait3A_252, %dma_wait3A_253] : memref<147456x128xf32, #tpu.memory_space<hbm>> -> memref<64x128xf32, #tpu.memory_space<hbm>>
      %dma_wait3A_255 = arith.constant 0 : i32
      %dma_wait3A_256 = arith.constant 0 : i32
      %dma_wait3A_257 = tpu.memref_slice %arg13[%dma_wait3A_247, %dma_wait3A_255, %dma_wait3A_256] : memref<3x64x128xf32, #tpu.memory_space<vmem>> -> memref<1x64x128xf32, #tpu.memory_space<vmem>>
      %dma_wait3A_258 = tpu.memref_squeeze %dma_wait3A_257 : memref<1x64x128xf32, #tpu.memory_space<vmem>> -> memref<64x128xf32, #tpu.memory_space<vmem>>
      %dma_wait3A_259 = arith.constant 0 : i32
      %dma_wait3A_260 = arith.constant 0 : i32
      %dma_wait3A_261 = tpu.memref_slice %arg4[%dma_wait3A_259, %dma_wait3A_260] : memref<147456x128xf32, #tpu.memory_space<hbm>> -> memref<64x128xf32, #tpu.memory_space<hbm>>
      tpu.wait_dma2 semaphore(%arg16 : memref<!tpu.dma_semaphore, #tpu.memory_space<semaphore_mem>>) src(%dma_wait3A_261 : memref<64x128xf32, #tpu.memory_space<hbm>>) dst(%dma_wait3A_258 : memref<64x128xf32, #tpu.memory_space<vmem>>)
      %dma_wait3A_262 = arith.constant 0 : i32
      %dma_wait3A_263 = arith.constant 0 : i32
      %dma_wait3A_264 = arith.constant 0 : i32
      %dma_wait3A_265 = tpu.memref_slice %arg14[%dma_wait3A_262, %dma_wait3A_263, %dma_wait3A_264] : memref<3x64x128xf32, #tpu.memory_space<vmem>> -> memref<1x64x128xf32, #tpu.memory_space<vmem>>
      %dma_wait3A_266 = tpu.memref_squeeze %dma_wait3A_265 : memref<1x64x128xf32, #tpu.memory_space<vmem>> -> memref<64x128xf32, #tpu.memory_space<vmem>>
      %dma_wait3A_267 = arith.constant 0 : i32
      %dma_wait3A_268 = arith.constant 0 : i32
      %dma_wait3A_269 = tpu.memref_slice %arg5[%dma_wait3A_267, %dma_wait3A_268] : memref<147456x128xf32, #tpu.memory_space<hbm>> -> memref<64x128xf32, #tpu.memory_space<hbm>>
      %dma_wait3A_270 = arith.constant 0 : i32
      %dma_wait3A_271 = arith.constant 0 : i32
      %dma_wait3A_272 = tpu.memref_slice %arg14[%dma_wait3A_262, %dma_wait3A_270, %dma_wait3A_271] : memref<3x64x128xf32, #tpu.memory_space<vmem>> -> memref<1x64x128xf32, #tpu.memory_space<vmem>>
      %dma_wait3A_273 = tpu.memref_squeeze %dma_wait3A_272 : memref<1x64x128xf32, #tpu.memory_space<vmem>> -> memref<64x128xf32, #tpu.memory_space<vmem>>
      %dma_wait3A_274 = arith.constant 0 : i32
      %dma_wait3A_275 = arith.constant 0 : i32
      %dma_wait3A_276 = tpu.memref_slice %arg5[%dma_wait3A_274, %dma_wait3A_275] : memref<147456x128xf32, #tpu.memory_space<hbm>> -> memref<64x128xf32, #tpu.memory_space<hbm>>
      tpu.wait_dma2 semaphore(%arg16 : memref<!tpu.dma_semaphore, #tpu.memory_space<semaphore_mem>>) src(%dma_wait3A_276 : memref<64x128xf32, #tpu.memory_space<hbm>>) dst(%dma_wait3A_273 : memref<64x128xf32, #tpu.memory_space<vmem>>)
      %mul3A_277 = arith.constant 64 : i32
      %mul3A_278 = arith.muli %mul3A_176, %mul3A_277 : i32
      %add3A_279 = arith.addi %mul3A_2, %mul3A_278 : i32
      %lt3A_280 = arith.constant 1024 : i32
      %lt3A_281 = arith.cmpi slt, %add3A_279, %lt3A_280 : i32
      %jit3A_282 = arith.constant 1.000000e+00 : f32
      %jit3A_283 = arith.constant 0.000000e+00 : f32
      %select_n3A_284 = arith.select %lt3A_281, %jit3A_282, %jit3A_283 : f32
      %broadcast_in_dim3A_285 = vector.broadcast %select_n3A_284 : f32 to vector<16xf32>
      %ge3A_286 = arith.constant 1024 : i32
      %ge3A_287 = arith.cmpi sge, %add3A_279, %ge3A_286 : i32
      %lt3A_288 = arith.constant 154624 : i32
      %lt3A_289 = arith.cmpi slt, %add3A_279, %lt3A_288 : i32
      %and3A_290 = arith.andi %ge3A_287, %lt3A_289 : i1
      %jit3A_291 = arith.constant 1.000000e+00 : f32
      %jit3A_292 = arith.constant 0.000000e+00 : f32
      %select_n3A_293 = arith.select %and3A_290, %jit3A_291, %jit3A_292 : f32
      %broadcast_in_dim3A_294 = vector.broadcast %select_n3A_293 : f32 to vector<16xf32>
      %scan3A_295 = arith.constant 0 : i32
      %scan3A_296 = arith.constant 64 : i32
      %scan3A_297 = arith.addi %scan3A_295, %scan3A_296 : i32
      %scan3A_298 = arith.constant 1 : i32
      %scan3A_299:2 = scf.for %scan3A_516 = %scan3A_295 to %scan3A_297 step %scan3A_298 iter_args(%scan3A_517 = %scan3A_173, %scan3A_518 = %scan3A_174) -> (vector<16xf32>, vector<16xf32>)  : i32 {
        %get3A = arith.constant 0 : i32
        %get3A_519 = arith.index_cast %get3A : i32 to index
        %get3A_520 = arith.index_cast %scan3A_516 : i32 to index
        %get3A_521 = arith.constant 0 : index
        %get3A_522 = tpu.vector_load %arg11[%get3A_519, %get3A_520, %get3A_521] {strides = array<i32>} : memref<3x64x128xf32, #tpu.memory_space<vmem>>, vector<16xf32>,
        %get3A_523 = arith.constant 0 : i32
        %get3A_524 = arith.index_cast %get3A_523 : i32 to index
        %get3A_525 = arith.index_cast %scan3A_516 : i32 to index
        %get3A_526 = arith.constant 0 : index
        %get3A_527 = tpu.vector_load %arg13[%get3A_524, %get3A_525, %get3A_526] {strides = array<i32>} : memref<3x64x128xf32, #tpu.memory_space<vmem>>, vector<16xf32>,
        %bitcast3A = vector.bitcast %get3A_522 : vector<16xf32> to vector<32xbf16>
        %bitcast3A_528 = vector.bitcast %get3A_527 : vector<16xf32> to vector<32xbf16>
        %sub3A = arith.subf %bitcast3A, %bitcast3A_528 : vector<32xbf16>
        %unpack3A = tpu.unpack_subelements %sub3A, 0 {pack_format = #tpu.pack_format<interleaved>} : vector<32xbf16> -> vector<16xf32>
        %unpack3A_529 = tpu.unpack_subelements %sub3A, 1 {pack_format = #tpu.pack_format<interleaved>} : vector<32xbf16> -> vector<16xf32>
        %mul3A_530 = arith.mulf %unpack3A, %unpack3A : vector<16xf32>
        %add3A_531 = arith.addf %broadcast_in_dim3A_3, %mul3A_530 : vector<16xf32>
        %mul3A_532 = arith.mulf %unpack3A_529, %unpack3A_529 : vector<16xf32>
        %add3A_533 = arith.addf %broadcast_in_dim3A_3, %mul3A_532 : vector<16xf32>
        %get3A_534 = arith.constant 0 : i32
        %get3A_535 = arith.index_cast %get3A_534 : i32 to index
        %get3A_536 = arith.index_cast %scan3A_516 : i32 to index
        %get3A_537 = arith.constant 16 : index
        %get3A_538 = tpu.vector_load %arg11[%get3A_535, %get3A_536, %get3A_537] {strides = array<i32>} : memref<3x64x128xf32, #tpu.memory_space<vmem>>, vector<16xf32>,
        %get3A_539 = arith.constant 0 : i32
        %get3A_540 = arith.index_cast %get3A_539 : i32 to index
        %get3A_541 = arith.index_cast %scan3A_516 : i32 to index
        %get3A_542 = arith.constant 16 : index
        %get3A_543 = tpu.vector_load %arg13[%get3A_540, %get3A_541, %get3A_542] {strides = array<i32>} : memref<3x64x128xf32, #tpu.memory_space<vmem>>, vector<16xf32>,
        %bitcast3A_544 = vector.bitcast %get3A_538 : vector<16xf32> to vector<32xbf16>
        %bitcast3A_545 = vector.bitcast %get3A_543 : vector<16xf32> to vector<32xbf16>
        %sub3A_546 = arith.subf %bitcast3A_544, %bitcast3A_545 : vector<32xbf16>
        %unpack3A_547 = tpu.unpack_subelements %sub3A_546, 0 {pack_format = #tpu.pack_format<interleaved>} : vector<32xbf16> -> vector<16xf32>
        %unpack3A_548 = tpu.unpack_subelements %sub3A_546, 1 {pack_format = #tpu.pack_format<interleaved>} : vector<32xbf16> -> vector<16xf32>
        %mul3A_549 = arith.mulf %unpack3A_547, %unpack3A_547 : vector<16xf32>
        %add3A_550 = arith.addf %broadcast_in_dim3A_3, %mul3A_549 : vector<16xf32>
        %mul3A_551 = arith.mulf %unpack3A_548, %unpack3A_548 : vector<16xf32>
        %add3A_552 = arith.addf %broadcast_in_dim3A_3, %mul3A_551 : vector<16xf32>
        %get3A_553 = arith.constant 0 : i32
        %get3A_554 = arith.index_cast %get3A_553 : i32 to index
        %get3A_555 = arith.index_cast %scan3A_516 : i32 to index
        %get3A_556 = arith.constant 32 : index
        %get3A_557 = tpu.vector_load %arg11[%get3A_554, %get3A_555, %get3A_556] {strides = array<i32>} : memref<3x64x128xf32, #tpu.memory_space<vmem>>, vector<16xf32>,
        %get3A_558 = arith.constant 0 : i32
        %get3A_559 = arith.index_cast %get3A_558 : i32 to index
        %get3A_560 = arith.index_cast %scan3A_516 : i32 to index
        %get3A_561 = arith.constant 32 : index
        %get3A_562 = tpu.vector_load %arg13[%get3A_559, %get3A_560, %get3A_561] {strides = array<i32>} : memref<3x64x128xf32, #tpu.memory_space<vmem>>, vector<16xf32>,
        %bitcast3A_563 = vector.bitcast %get3A_557 : vector<16xf32> to vector<32xbf16>
        %bitcast3A_564 = vector.bitcast %get3A_562 : vector<16xf32> to vector<32xbf16>
        %sub3A_565 = arith.subf %bitcast3A_563, %bitcast3A_564 : vector<32xbf16>
        %unpack3A_566 = tpu.unpack_subelements %sub3A_565, 0 {pack_format = #tpu.pack_format<interleaved>} : vector<32xbf16> -> vector<16xf32>
        %unpack3A_567 = tpu.unpack_subelements %sub3A_565, 1 {pack_format = #tpu.pack_format<interleaved>} : vector<32xbf16> -> vector<16xf32>
        %mul3A_568 = arith.mulf %unpack3A_566, %unpack3A_566 : vector<16xf32>
        %add3A_569 = arith.addf %add3A_531, %mul3A_568 : vector<16xf32>
        %mul3A_570 = arith.mulf %unpack3A_567, %unpack3A_567 : vector<16xf32>
        %add3A_571 = arith.addf %add3A_533, %mul3A_570 : vector<16xf32>
        %get3A_572 = arith.constant 0 : i32
        %get3A_573 = arith.index_cast %get3A_572 : i32 to index
        %get3A_574 = arith.index_cast %scan3A_516 : i32 to index
        %get3A_575 = arith.constant 48 : index
        %get3A_576 = tpu.vector_load %arg11[%get3A_573, %get3A_574, %get3A_575] {strides = array<i32>} : memref<3x64x128xf32, #tpu.memory_space<vmem>>, vector<16xf32>,
        %get3A_577 = arith.constant 0 : i32
        %get3A_578 = arith.index_cast %get3A_577 : i32 to index
        %get3A_579 = arith.index_cast %scan3A_516 : i32 to index
        %get3A_580 = arith.constant 48 : index
        %get3A_581 = tpu.vector_load %arg13[%get3A_578, %get3A_579, %get3A_580] {strides = array<i32>} : memref<3x64x128xf32, #tpu.memory_space<vmem>>, vector<16xf32>,
        %bitcast3A_582 = vector.bitcast %get3A_576 : vector<16xf32> to vector<32xbf16>
        %bitcast3A_583 = vector.bitcast %get3A_581 : vector<16xf32> to vector<32xbf16>
        %sub3A_584 = arith.subf %bitcast3A_582, %bitcast3A_583 : vector<32xbf16>
        %unpack3A_585 = tpu.unpack_subelements %sub3A_584, 0 {pack_format = #tpu.pack_format<interleaved>} : vector<32xbf16> -> vector<16xf32>
        %unpack3A_586 = tpu.unpack_subelements %sub3A_584, 1 {pack_format = #tpu.pack_format<interleaved>} : vector<32xbf16> -> vector<16xf32>
        %mul3A_587 = arith.mulf %unpack3A_585, %unpack3A_585 : vector<16xf32>
        %add3A_588 = arith.addf %add3A_550, %mul3A_587 : vector<16xf32>
        %mul3A_589 = arith.mulf %unpack3A_586, %unpack3A_586 : vector<16xf32>
        %add3A_590 = arith.addf %add3A_552, %mul3A_589 : vector<16xf32>
        %get3A_591 = arith.constant 0 : i32
        %get3A_592 = arith.index_cast %get3A_591 : i32 to index
        %get3A_593 = arith.index_cast %scan3A_516 : i32 to index
        %get3A_594 = arith.constant 64 : index
        %get3A_595 = tpu.vector_load %arg11[%get3A_592, %get3A_593, %get3A_594] {strides = array<i32>} : memref<3x64x128xf32, #tpu.memory_space<vmem>>, vector<16xf32>,
        %get3A_596 = arith.constant 0 : i32
        %get3A_597 = arith.index_cast %get3A_596 : i32 to index
        %get3A_598 = arith.index_cast %scan3A_516 : i32 to index
        %get3A_599 = arith.constant 64 : index
        %get3A_600 = tpu.vector_load %arg13[%get3A_597, %get3A_598, %get3A_599] {strides = array<i32>} : memref<3x64x128xf32, #tpu.memory_space<vmem>>, vector<16xf32>,
        %bitcast3A_601 = vector.bitcast %get3A_595 : vector<16xf32> to vector<32xbf16>
        %bitcast3A_602 = vector.bitcast %get3A_600 : vector<16xf32> to vector<32xbf16>
        %sub3A_603 = arith.subf %bitcast3A_601, %bitcast3A_602 : vector<32xbf16>
        %unpack3A_604 = tpu.unpack_subelements %sub3A_603, 0 {pack_format = #tpu.pack_format<interleaved>} : vector<32xbf16> -> vector<16xf32>
        %unpack3A_605 = tpu.unpack_subelements %sub3A_603, 1 {pack_format = #tpu.pack_format<interleaved>} : vector<32xbf16> -> vector<16xf32>
        %mul3A_606 = arith.mulf %unpack3A_604, %unpack3A_604 : vector<16xf32>
        %add3A_607 = arith.addf %add3A_569, %mul3A_606 : vector<16xf32>
        %mul3A_608 = arith.mulf %unpack3A_605, %unpack3A_605 : vector<16xf32>
        %add3A_609 = arith.addf %add3A_571, %mul3A_608 : vector<16xf32>
        %get3A_610 = arith.constant 0 : i32
        %get3A_611 = arith.index_cast %get3A_610 : i32 to index
        %get3A_612 = arith.index_cast %scan3A_516 : i32 to index
        %get3A_613 = arith.constant 80 : index
        %get3A_614 = tpu.vector_load %arg11[%get3A_611, %get3A_612, %get3A_613] {strides = array<i32>} : memref<3x64x128xf32, #tpu.memory_space<vmem>>, vector<16xf32>,
        %get3A_615 = arith.constant 0 : i32
        %get3A_616 = arith.index_cast %get3A_615 : i32 to index
        %get3A_617 = arith.index_cast %scan3A_516 : i32 to index
        %get3A_618 = arith.constant 80 : index
        %get3A_619 = tpu.vector_load %arg13[%get3A_616, %get3A_617, %get3A_618] {strides = array<i32>} : memref<3x64x128xf32, #tpu.memory_space<vmem>>, vector<16xf32>,
        %bitcast3A_620 = vector.bitcast %get3A_614 : vector<16xf32> to vector<32xbf16>
        %bitcast3A_621 = vector.bitcast %get3A_619 : vector<16xf32> to vector<32xbf16>
        %sub3A_622 = arith.subf %bitcast3A_620, %bitcast3A_621 : vector<32xbf16>
        %unpack3A_623 = tpu.unpack_subelements %sub3A_622, 0 {pack_format = #tpu.pack_format<interleaved>} : vector<32xbf16> -> vector<16xf32>
        %unpack3A_624 = tpu.unpack_subelements %sub3A_622, 1 {pack_format = #tpu.pack_format<interleaved>} : vector<32xbf16> -> vector<16xf32>
        %mul3A_625 = arith.mulf %unpack3A_623, %unpack3A_623 : vector<16xf32>
        %add3A_626 = arith.addf %add3A_588, %mul3A_625 : vector<16xf32>
        %mul3A_627 = arith.mulf %unpack3A_624, %unpack3A_624 : vector<16xf32>
        %add3A_628 = arith.addf %add3A_590, %mul3A_627 : vector<16xf32>
        %get3A_629 = arith.constant 0 : i32
        %get3A_630 = arith.index_cast %get3A_629 : i32 to index
        %get3A_631 = arith.index_cast %scan3A_516 : i32 to index
        %get3A_632 = arith.constant 96 : index
        %get3A_633 = tpu.vector_load %arg11[%get3A_630, %get3A_631, %get3A_632] {strides = array<i32>} : memref<3x64x128xf32, #tpu.memory_space<vmem>>, vector<16xf32>,
        %get3A_634 = arith.constant 0 : i32
        %get3A_635 = arith.index_cast %get3A_634 : i32 to index
        %get3A_636 = arith.index_cast %scan3A_516 : i32 to index
        %get3A_637 = arith.constant 96 : index
        %get3A_638 = tpu.vector_load %arg13[%get3A_635, %get3A_636, %get3A_637] {strides = array<i32>} : memref<3x64x128xf32, #tpu.memory_space<vmem>>, vector<16xf32>,
        %bitcast3A_639 = vector.bitcast %get3A_633 : vector<16xf32> to vector<32xbf16>
        %bitcast3A_640 = vector.bitcast %get3A_638 : vector<16xf32> to vector<32xbf16>
        %sub3A_641 = arith.subf %bitcast3A_639, %bitcast3A_640 : vector<32xbf16>
        %unpack3A_642 = tpu.unpack_subelements %sub3A_641, 0 {pack_format = #tpu.pack_format<interleaved>} : vector<32xbf16> -> vector<16xf32>
        %unpack3A_643 = tpu.unpack_subelements %sub3A_641, 1 {pack_format = #tpu.pack_format<interleaved>} : vector<32xbf16> -> vector<16xf32>
        %mul3A_644 = arith.mulf %unpack3A_642, %unpack3A_642 : vector<16xf32>
        %add3A_645 = arith.addf %add3A_607, %mul3A_644 : vector<16xf32>
        %mul3A_646 = arith.mulf %unpack3A_643, %unpack3A_643 : vector<16xf32>
        %add3A_647 = arith.addf %add3A_609, %mul3A_646 : vector<16xf32>
        %get3A_648 = arith.constant 0 : i32
        %get3A_649 = arith.index_cast %get3A_648 : i32 to index
        %get3A_650 = arith.index_cast %scan3A_516 : i32 to index
        %get3A_651 = arith.constant 112 : index
        %get3A_652 = tpu.vector_load %arg11[%get3A_649, %get3A_650, %get3A_651] {strides = array<i32>} : memref<3x64x128xf32, #tpu.memory_space<vmem>>, vector<16xf32>,
        %get3A_653 = arith.constant 0 : i32
        %get3A_654 = arith.index_cast %get3A_653 : i32 to index
        %get3A_655 = arith.index_cast %scan3A_516 : i32 to index
        %get3A_656 = arith.constant 112 : index
        %get3A_657 = tpu.vector_load %arg13[%get3A_654, %get3A_655, %get3A_656] {strides = array<i32>} : memref<3x64x128xf32, #tpu.memory_space<vmem>>, vector<16xf32>,
        %bitcast3A_658 = vector.bitcast %get3A_652 : vector<16xf32> to vector<32xbf16>
        %bitcast3A_659 = vector.bitcast %get3A_657 : vector<16xf32> to vector<32xbf16>
        %sub3A_660 = arith.subf %bitcast3A_658, %bitcast3A_659 : vector<32xbf16>
        %unpack3A_661 = tpu.unpack_subelements %sub3A_660, 0 {pack_format = #tpu.pack_format<interleaved>} : vector<32xbf16> -> vector<16xf32>
        %unpack3A_662 = tpu.unpack_subelements %sub3A_660, 1 {pack_format = #tpu.pack_format<interleaved>} : vector<32xbf16> -> vector<16xf32>
        %mul3A_663 = arith.mulf %unpack3A_661, %unpack3A_661 : vector<16xf32>
        %add3A_664 = arith.addf %add3A_626, %mul3A_663 : vector<16xf32>
        %mul3A_665 = arith.mulf %unpack3A_662, %unpack3A_662 : vector<16xf32>
        %add3A_666 = arith.addf %add3A_628, %mul3A_665 : vector<16xf32>
        %get3A_667 = arith.constant 0 : i32
        %get3A_668 = arith.index_cast %get3A_667 : i32 to index
        %get3A_669 = arith.index_cast %scan3A_516 : i32 to index
        %get3A_670 = arith.constant 0 : index
        %get3A_671 = tpu.vector_load %arg12[%get3A_668, %get3A_669, %get3A_670] {strides = array<i32>} : memref<3x64x128xf32, #tpu.memory_space<vmem>>, vector<16xf32>,
        %get3A_672 = arith.constant 0 : i32
        %get3A_673 = arith.index_cast %get3A_672 : i32 to index
        %get3A_674 = arith.index_cast %scan3A_516 : i32 to index
        %get3A_675 = arith.constant 0 : index
        %get3A_676 = tpu.vector_load %arg14[%get3A_673, %get3A_674, %get3A_675] {strides = array<i32>} : memref<3x64x128xf32, #tpu.memory_space<vmem>>, vector<16xf32>,
        %bitcast3A_677 = vector.bitcast %get3A_671 : vector<16xf32> to vector<32xbf16>
        %bitcast3A_678 = vector.bitcast %get3A_676 : vector<16xf32> to vector<32xbf16>
        %sub3A_679 = arith.subf %bitcast3A_677, %bitcast3A_678 : vector<32xbf16>
        %unpack3A_680 = tpu.unpack_subelements %sub3A_679, 0 {pack_format = #tpu.pack_format<interleaved>} : vector<32xbf16> -> vector<16xf32>
        %unpack3A_681 = tpu.unpack_subelements %sub3A_679, 1 {pack_format = #tpu.pack_format<interleaved>} : vector<32xbf16> -> vector<16xf32>
        %mul3A_682 = arith.mulf %unpack3A_680, %unpack3A_680 : vector<16xf32>
        %add3A_683 = arith.addf %add3A_645, %mul3A_682 : vector<16xf32>
        %mul3A_684 = arith.mulf %unpack3A_681, %unpack3A_681 : vector<16xf32>
        %add3A_685 = arith.addf %add3A_647, %mul3A_684 : vector<16xf32>
        %get3A_686 = arith.constant 0 : i32
        %get3A_687 = arith.index_cast %get3A_686 : i32 to index
        %get3A_688 = arith.index_cast %scan3A_516 : i32 to index
        %get3A_689 = arith.constant 16 : index
        %get3A_690 = tpu.vector_load %arg12[%get3A_687, %get3A_688, %get3A_689] {strides = array<i32>} : memref<3x64x128xf32, #tpu.memory_space<vmem>>, vector<16xf32>,
        %get3A_691 = arith.constant 0 : i32
        %get3A_692 = arith.index_cast %get3A_691 : i32 to index
        %get3A_693 = arith.index_cast %scan3A_516 : i32 to index
        %get3A_694 = arith.constant 16 : index
        %get3A_695 = tpu.vector_load %arg14[%get3A_692, %get3A_693, %get3A_694] {strides = array<i32>} : memref<3x64x128xf32, #tpu.memory_space<vmem>>, vector<16xf32>,
        %bitcast3A_696 = vector.bitcast %get3A_690 : vector<16xf32> to vector<32xbf16>
        %bitcast3A_697 = vector.bitcast %get3A_695 : vector<16xf32> to vector<32xbf16>
        %sub3A_698 = arith.subf %bitcast3A_696, %bitcast3A_697 : vector<32xbf16>
        %unpack3A_699 = tpu.unpack_subelements %sub3A_698, 0 {pack_format = #tpu.pack_format<interleaved>} : vector<32xbf16> -> vector<16xf32>
        %unpack3A_700 = tpu.unpack_subelements %sub3A_698, 1 {pack_format = #tpu.pack_format<interleaved>} : vector<32xbf16> -> vector<16xf32>
        %mul3A_701 = arith.mulf %unpack3A_699, %unpack3A_699 : vector<16xf32>
        %add3A_702 = arith.addf %add3A_664, %mul3A_701 : vector<16xf32>
        %mul3A_703 = arith.mulf %unpack3A_700, %unpack3A_700 : vector<16xf32>
        %add3A_704 = arith.addf %add3A_666, %mul3A_703 : vector<16xf32>
        %get3A_705 = arith.constant 0 : i32
        %get3A_706 = arith.index_cast %get3A_705 : i32 to index
        %get3A_707 = arith.index_cast %scan3A_516 : i32 to index
        %get3A_708 = arith.constant 32 : index
        %get3A_709 = tpu.vector_load %arg12[%get3A_706, %get3A_707, %get3A_708] {strides = array<i32>} : memref<3x64x128xf32, #tpu.memory_space<vmem>>, vector<16xf32>,
        %get3A_710 = arith.constant 0 : i32
        %get3A_711 = arith.index_cast %get3A_710 : i32 to index
        %get3A_712 = arith.index_cast %scan3A_516 : i32 to index
        %get3A_713 = arith.constant 32 : index
        %get3A_714 = tpu.vector_load %arg14[%get3A_711, %get3A_712, %get3A_713] {strides = array<i32>} : memref<3x64x128xf32, #tpu.memory_space<vmem>>, vector<16xf32>,
        %bitcast3A_715 = vector.bitcast %get3A_709 : vector<16xf32> to vector<32xbf16>
        %bitcast3A_716 = vector.bitcast %get3A_714 : vector<16xf32> to vector<32xbf16>
        %sub3A_717 = arith.subf %bitcast3A_715, %bitcast3A_716 : vector<32xbf16>
        %unpack3A_718 = tpu.unpack_subelements %sub3A_717, 0 {pack_format = #tpu.pack_format<interleaved>} : vector<32xbf16> -> vector<16xf32>
        %unpack3A_719 = tpu.unpack_subelements %sub3A_717, 1 {pack_format = #tpu.pack_format<interleaved>} : vector<32xbf16> -> vector<16xf32>
        %mul3A_720 = arith.mulf %unpack3A_718, %unpack3A_718 : vector<16xf32>
        %add3A_721 = arith.addf %add3A_683, %mul3A_720 : vector<16xf32>
        %mul3A_722 = arith.mulf %unpack3A_719, %unpack3A_719 : vector<16xf32>
        %add3A_723 = arith.addf %add3A_685, %mul3A_722 : vector<16xf32>
        %get3A_724 = arith.constant 0 : i32
        %get3A_725 = arith.index_cast %get3A_724 : i32 to index
        %get3A_726 = arith.index_cast %scan3A_516 : i32 to index
        %get3A_727 = arith.constant 48 : index
        %get3A_728 = tpu.vector_load %arg12[%get3A_725, %get3A_726, %get3A_727] {strides = array<i32>} : memref<3x64x128xf32, #tpu.memory_space<vmem>>, vector<16xf32>,
        %get3A_729 = arith.constant 0 : i32
        %get3A_730 = arith.index_cast %get3A_729 : i32 to index
        %get3A_731 = arith.index_cast %scan3A_516 : i32 to index
        %get3A_732 = arith.constant 48 : index
        %get3A_733 = tpu.vector_load %arg14[%get3A_730, %get3A_731, %get3A_732] {strides = array<i32>} : memref<3x64x128xf32, #tpu.memory_space<vmem>>, vector<16xf32>,
        %bitcast3A_734 = vector.bitcast %get3A_728 : vector<16xf32> to vector<32xbf16>
        %bitcast3A_735 = vector.bitcast %get3A_733 : vector<16xf32> to vector<32xbf16>
        %sub3A_736 = arith.subf %bitcast3A_734, %bitcast3A_735 : vector<32xbf16>
        %unpack3A_737 = tpu.unpack_subelements %sub3A_736, 0 {pack_format = #tpu.pack_format<interleaved>} : vector<32xbf16> -> vector<16xf32>
        %unpack3A_738 = tpu.unpack_subelements %sub3A_736, 1 {pack_format = #tpu.pack_format<interleaved>} : vector<32xbf16> -> vector<16xf32>
        %mul3A_739 = arith.mulf %unpack3A_737, %unpack3A_737 : vector<16xf32>
        %add3A_740 = arith.addf %add3A_702, %mul3A_739 : vector<16xf32>
        %mul3A_741 = arith.mulf %unpack3A_738, %unpack3A_738 : vector<16xf32>
        %add3A_742 = arith.addf %add3A_704, %mul3A_741 : vector<16xf32>
        %get3A_743 = arith.constant 0 : i32
        %get3A_744 = arith.index_cast %get3A_743 : i32 to index
        %get3A_745 = arith.index_cast %scan3A_516 : i32 to index
        %get3A_746 = arith.constant 64 : index
        %get3A_747 = tpu.vector_load %arg12[%get3A_744, %get3A_745, %get3A_746] {strides = array<i32>} : memref<3x64x128xf32, #tpu.memory_space<vmem>>, vector<16xf32>,
        %get3A_748 = arith.constant 0 : i32
        %get3A_749 = arith.index_cast %get3A_748 : i32 to index
        %get3A_750 = arith.index_cast %scan3A_516 : i32 to index
        %get3A_751 = arith.constant 64 : index
        %get3A_752 = tpu.vector_load %arg14[%get3A_749, %get3A_750, %get3A_751] {strides = array<i32>} : memref<3x64x128xf32, #tpu.memory_space<vmem>>, vector<16xf32>,
        %bitcast3A_753 = vector.bitcast %get3A_747 : vector<16xf32> to vector<32xbf16>
        %bitcast3A_754 = vector.bitcast %get3A_752 : vector<16xf32> to vector<32xbf16>
        %sub3A_755 = arith.subf %bitcast3A_753, %bitcast3A_754 : vector<32xbf16>
        %unpack3A_756 = tpu.unpack_subelements %sub3A_755, 0 {pack_format = #tpu.pack_format<interleaved>} : vector<32xbf16> -> vector<16xf32>
        %unpack3A_757 = tpu.unpack_subelements %sub3A_755, 1 {pack_format = #tpu.pack_format<interleaved>} : vector<32xbf16> -> vector<16xf32>
        %mul3A_758 = arith.mulf %unpack3A_756, %unpack3A_756 : vector<16xf32>
        %add3A_759 = arith.addf %add3A_721, %mul3A_758 : vector<16xf32>
        %mul3A_760 = arith.mulf %unpack3A_757, %unpack3A_757 : vector<16xf32>
        %add3A_761 = arith.addf %add3A_723, %mul3A_760 : vector<16xf32>
        %get3A_762 = arith.constant 0 : i32
        %get3A_763 = arith.index_cast %get3A_762 : i32 to index
        %get3A_764 = arith.index_cast %scan3A_516 : i32 to index
        %get3A_765 = arith.constant 80 : index
        %get3A_766 = tpu.vector_load %arg12[%get3A_763, %get3A_764, %get3A_765] {strides = array<i32>} : memref<3x64x128xf32, #tpu.memory_space<vmem>>, vector<16xf32>,
        %get3A_767 = arith.constant 0 : i32
        %get3A_768 = arith.index_cast %get3A_767 : i32 to index
        %get3A_769 = arith.index_cast %scan3A_516 : i32 to index
        %get3A_770 = arith.constant 80 : index
        %get3A_771 = tpu.vector_load %arg14[%get3A_768, %get3A_769, %get3A_770] {strides = array<i32>} : memref<3x64x128xf32, #tpu.memory_space<vmem>>, vector<16xf32>,
        %bitcast3A_772 = vector.bitcast %get3A_766 : vector<16xf32> to vector<32xbf16>
        %bitcast3A_773 = vector.bitcast %get3A_771 : vector<16xf32> to vector<32xbf16>
        %sub3A_774 = arith.subf %bitcast3A_772, %bitcast3A_773 : vector<32xbf16>
        %unpack3A_775 = tpu.unpack_subelements %sub3A_774, 0 {pack_format = #tpu.pack_format<interleaved>} : vector<32xbf16> -> vector<16xf32>
        %unpack3A_776 = tpu.unpack_subelements %sub3A_774, 1 {pack_format = #tpu.pack_format<interleaved>} : vector<32xbf16> -> vector<16xf32>
        %mul3A_777 = arith.mulf %unpack3A_775, %unpack3A_775 : vector<16xf32>
        %add3A_778 = arith.addf %add3A_740, %mul3A_777 : vector<16xf32>
        %mul3A_779 = arith.mulf %unpack3A_776, %unpack3A_776 : vector<16xf32>
        %add3A_780 = arith.addf %add3A_742, %mul3A_779 : vector<16xf32>
        %get3A_781 = arith.constant 0 : i32
        %get3A_782 = arith.index_cast %get3A_781 : i32 to index
        %get3A_783 = arith.index_cast %scan3A_516 : i32 to index
        %get3A_784 = arith.constant 96 : index
        %get3A_785 = tpu.vector_load %arg12[%get3A_782, %get3A_783, %get3A_784] {strides = array<i32>} : memref<3x64x128xf32, #tpu.memory_space<vmem>>, vector<16xf32>,
        %get3A_786 = arith.constant 0 : i32
        %get3A_787 = arith.index_cast %get3A_786 : i32 to index
        %get3A_788 = arith.index_cast %scan3A_516 : i32 to index
        %get3A_789 = arith.constant 96 : index
        %get3A_790 = tpu.vector_load %arg14[%get3A_787, %get3A_788, %get3A_789] {strides = array<i32>} : memref<3x64x128xf32, #tpu.memory_space<vmem>>, vector<16xf32>,
        %bitcast3A_791 = vector.bitcast %get3A_785 : vector<16xf32> to vector<32xbf16>
        %bitcast3A_792 = vector.bitcast %get3A_790 : vector<16xf32> to vector<32xbf16>
        %sub3A_793 = arith.subf %bitcast3A_791, %bitcast3A_792 : vector<32xbf16>
        %unpack3A_794 = tpu.unpack_subelements %sub3A_793, 0 {pack_format = #tpu.pack_format<interleaved>} : vector<32xbf16> -> vector<16xf32>
        %unpack3A_795 = tpu.unpack_subelements %sub3A_793, 1 {pack_format = #tpu.pack_format<interleaved>} : vector<32xbf16> -> vector<16xf32>
        %mul3A_796 = arith.mulf %unpack3A_794, %unpack3A_794 : vector<16xf32>
        %add3A_797 = arith.addf %add3A_759, %mul3A_796 : vector<16xf32>
        %mul3A_798 = arith.mulf %unpack3A_795, %unpack3A_795 : vector<16xf32>
        %add3A_799 = arith.addf %add3A_761, %mul3A_798 : vector<16xf32>
        %get3A_800 = arith.constant 0 : i32
        %get3A_801 = arith.index_cast %get3A_800 : i32 to index
        %get3A_802 = arith.index_cast %scan3A_516 : i32 to index
        %get3A_803 = arith.constant 112 : index
        %get3A_804 = tpu.vector_load %arg12[%get3A_801, %get3A_802, %get3A_803] {strides = array<i32>} : memref<3x64x128xf32, #tpu.memory_space<vmem>>, vector<16xf32>,
        %get3A_805 = arith.constant 0 : i32
        %get3A_806 = arith.index_cast %get3A_805 : i32 to index
        %get3A_807 = arith.index_cast %scan3A_516 : i32 to index
        %get3A_808 = arith.constant 112 : index
        %get3A_809 = tpu.vector_load %arg14[%get3A_806, %get3A_807, %get3A_808] {strides = array<i32>} : memref<3x64x128xf32, #tpu.memory_space<vmem>>, vector<16xf32>,
        %bitcast3A_810 = vector.bitcast %get3A_804 : vector<16xf32> to vector<32xbf16>
        %bitcast3A_811 = vector.bitcast %get3A_809 : vector<16xf32> to vector<32xbf16>
        %sub3A_812 = arith.subf %bitcast3A_810, %bitcast3A_811 : vector<32xbf16>
        %unpack3A_813 = tpu.unpack_subelements %sub3A_812, 0 {pack_format = #tpu.pack_format<interleaved>} : vector<32xbf16> -> vector<16xf32>
        %unpack3A_814 = tpu.unpack_subelements %sub3A_812, 1 {pack_format = #tpu.pack_format<interleaved>} : vector<32xbf16> -> vector<16xf32>
        %mul3A_815 = arith.mulf %unpack3A_813, %unpack3A_813 : vector<16xf32>
        %add3A_816 = arith.addf %add3A_778, %mul3A_815 : vector<16xf32>
        %mul3A_817 = arith.mulf %unpack3A_814, %unpack3A_814 : vector<16xf32>
        %add3A_818 = arith.addf %add3A_780, %mul3A_817 : vector<16xf32>
        %add3A_819 = arith.addf %add3A_797, %add3A_816 : vector<16xf32>
        %add3A_820 = arith.addf %add3A_799, %add3A_818 : vector<16xf32>
        %add3A_821 = arith.addf %add3A_819, %add3A_820 : vector<16xf32>
        %broadcast_in_dim3A_822 = arith.constant true
        %broadcast_in_dim3A_823 = vector.broadcast %broadcast_in_dim3A_822 : i1 to vector<16xi1>
        %masked_cumsum3A = tpu.scan <sum>, %add3A_821 masked %broadcast_in_dim3A_823 : vector<16xf32>, vector<16xi1> -> vector<16xf32>
        %mul3A_824 = arith.mulf %masked_cumsum3A, %broadcast_in_dim3A_285 : vector<16xf32>
        %add3A_825 = arith.addf %scan3A_517, %mul3A_824 : vector<16xf32>
        %sub3A_826 = arith.constant 5.000000e-01 : f32
        %sub3A_827 = vector.broadcast %sub3A_826 : f32 to vector<16xf32>
        %sub3A_828 = arith.subf %sub3A_827, %masked_cumsum3A : vector<16xf32>
        %max3A = arith.constant 0.000000e+00 : f32
        %max3A_829 = vector.broadcast %max3A : f32 to vector<16xf32>
        %max3A_830 = arith.maximumf %sub3A_828, %max3A_829 : vector<16xf32>
        %mul3A_831 = arith.mulf %max3A_830, %broadcast_in_dim3A_294 : vector<16xf32>
        %add3A_832 = arith.addf %scan3A_518, %mul3A_831 : vector<16xf32>
        scf.yield %add3A_825, %add3A_832 : vector<16xf32>, vector<16xf32>
      }
      %scan3A_300 = arith.constant 64 : i32
      %add3A_301 = arith.constant 3 : i32
      %add3A_302 = arith.addi %mul3A_176, %add3A_301 : i32
      %mul3A_303 = arith.constant 64 : i32
      %mul3A_304 = arith.muli %add3A_302, %mul3A_303 : i32
      %dma_start3A_305 = arith.constant 0 : i32
      %dma_start3A_306 = arith.constant 0 : i32
      %dma_start3A_307 = arith.constant 0 : i32
      %dma_start3A_308 = tpu.memref_slice %arg11[%dma_start3A_305, %dma_start3A_306, %dma_start3A_307] : memref<3x64x128xf32, #tpu.memory_space<vmem>> -> memref<1x64x128xf32, #tpu.memory_space<vmem>>
      %dma_start3A_309 = tpu.memref_squeeze %dma_start3A_308 : memref<1x64x128xf32, #tpu.memory_space<vmem>> -> memref<64x128xf32, #tpu.memory_space<vmem>>
      %dma_start3A_310 = tpu.memref_slice %arg9[%mul3A_304] : memref<4864xi32, #tpu.memory_space<vmem>> -> memref<64xi32, #tpu.memory_space<vmem>>
      %dma_start3A_311 = arith.constant 0 : i32
      %dma_start3A_312 = arith.constant 0 : i32
      %dma_start3A_313 = tpu.memref_slice %arg2[%dma_start3A_311, %dma_start3A_312] : memref<147456x128xf32, #tpu.memory_space<hbm>> -> memref<147456x128xf32, #tpu.memory_space<hbm>>
      tpu.enqueue_indirect_dma source(%dma_start3A_313 : memref<147456x128xf32, #tpu.memory_space<hbm>>) target(%dma_start3A_309 : memref<64x128xf32, #tpu.memory_space<vmem>>) offsets(%dma_start3A_310 : memref<64xi32, #tpu.memory_space<vmem>>) semaphore(%arg16 : memref<!tpu.dma_semaphore, #tpu.memory_space<semaphore_mem>>)
      %dma_start3A_314 = arith.constant 0 : i32
      %dma_start3A_315 = arith.constant 0 : i32
      %dma_start3A_316 = arith.constant 0 : i32
      %dma_start3A_317 = tpu.memref_slice %arg12[%dma_start3A_314, %dma_start3A_315, %dma_start3A_316] : memref<3x64x128xf32, #tpu.memory_space<vmem>> -> memref<1x64x128xf32, #tpu.memory_space<vmem>>
      %dma_start3A_318 = tpu.memref_squeeze %dma_start3A_317 : memref<1x64x128xf32, #tpu.memory_space<vmem>> -> memref<64x128xf32, #tpu.memory_space<vmem>>
      %dma_start3A_319 = tpu.memref_slice %arg9[%mul3A_304] : memref<4864xi32, #tpu.memory_space<vmem>> -> memref<64xi32, #tpu.memory_space<vmem>>
      %dma_start3A_320 = arith.constant 0 : i32
      %dma_start3A_321 = arith.constant 0 : i32
      %dma_start3A_322 = tpu.memref_slice %arg3[%dma_start3A_320, %dma_start3A_321] : memref<147456x128xf32, #tpu.memory_space<hbm>> -> memref<147456x128xf32, #tpu.memory_space<hbm>>
      tpu.enqueue_indirect_dma source(%dma_start3A_322 : memref<147456x128xf32, #tpu.memory_space<hbm>>) target(%dma_start3A_318 : memref<64x128xf32, #tpu.memory_space<vmem>>) offsets(%dma_start3A_319 : memref<64xi32, #tpu.memory_space<vmem>>) semaphore(%arg16 : memref<!tpu.dma_semaphore, #tpu.memory_space<semaphore_mem>>)
      %dma_start3A_323 = arith.constant 0 : i32
      %dma_start3A_324 = arith.constant 0 : i32
      %dma_start3A_325 = arith.constant 0 : i32
      %dma_start3A_326 = tpu.memref_slice %arg13[%dma_start3A_323, %dma_start3A_324, %dma_start3A_325] : memref<3x64x128xf32, #tpu.memory_space<vmem>> -> memref<1x64x128xf32, #tpu.memory_space<vmem>>
      %dma_start3A_327 = tpu.memref_squeeze %dma_start3A_326 : memref<1x64x128xf32, #tpu.memory_space<vmem>> -> memref<64x128xf32, #tpu.memory_space<vmem>>
      %dma_start3A_328 = tpu.memref_slice %arg10[%mul3A_304] : memref<4864xi32, #tpu.memory_space<vmem>> -> memref<64xi32, #tpu.memory_space<vmem>>
      %dma_start3A_329 = arith.constant 0 : i32
      %dma_start3A_330 = arith.constant 0 : i32
      %dma_start3A_331 = tpu.memref_slice %arg4[%dma_start3A_329, %dma_start3A_330] : memref<147456x128xf32, #tpu.memory_space<hbm>> -> memref<147456x128xf32, #tpu.memory_space<hbm>>
      tpu.enqueue_indirect_dma source(%dma_start3A_331 : memref<147456x128xf32, #tpu.memory_space<hbm>>) target(%dma_start3A_327 : memref<64x128xf32, #tpu.memory_space<vmem>>) offsets(%dma_start3A_328 : memref<64xi32, #tpu.memory_space<vmem>>) semaphore(%arg16 : memref<!tpu.dma_semaphore, #tpu.memory_space<semaphore_mem>>)
      %dma_start3A_332 = arith.constant 0 : i32
      %dma_start3A_333 = arith.constant 0 : i32
      %dma_start3A_334 = arith.constant 0 : i32
      %dma_start3A_335 = tpu.memref_slice %arg14[%dma_start3A_332, %dma_start3A_333, %dma_start3A_334] : memref<3x64x128xf32, #tpu.memory_space<vmem>> -> memref<1x64x128xf32, #tpu.memory_space<vmem>>
      %dma_start3A_336 = tpu.memref_squeeze %dma_start3A_335 : memref<1x64x128xf32, #tpu.memory_space<vmem>> -> memref<64x128xf32, #tpu.memory_space<vmem>>
      %dma_start3A_337 = tpu.memref_slice %arg10[%mul3A_304] : memref<4864xi32, #tpu.memory_space<vmem>> -> memref<64xi32, #tpu.memory_space<vmem>>
      %dma_start3A_338 = arith.constant 0 : i32
      %dma_start3A_339 = arith.constant 0 : i32
      %dma_start3A_340 = tpu.memref_slice %arg5[%dma_start3A_338, %dma_start3A_339] : memref<147456x128xf32, #tpu.memory_space<hbm>> -> memref<147456x128xf32, #tpu.memory_space<hbm>>
      tpu.enqueue_indirect_dma source(%dma_start3A_340 : memref<147456x128xf32, #tpu.memory_space<hbm>>) target(%dma_start3A_336 : memref<64x128xf32, #tpu.memory_space<vmem>>) offsets(%dma_start3A_337 : memref<64xi32, #tpu.memory_space<vmem>>) semaphore(%arg16 : memref<!tpu.dma_semaphore, #tpu.memory_space<semaphore_mem>>)
      %dma_wait3A_341 = arith.constant 1 : i32
      %dma_wait3A_342 = arith.constant 0 : i32
      %dma_wait3A_343 = arith.constant 0 : i32
      %dma_wait3A_344 = tpu.memref_slice %arg11[%dma_wait3A_341, %dma_wait3A_342, %dma_wait3A_343] : memref<3x64x128xf32, #tpu.memory_space<vmem>> -> memref<1x64x128xf32, #tpu.memory_space<vmem>>
      %dma_wait3A_345 = tpu.memref_squeeze %dma_wait3A_344 : memref<1x64x128xf32, #tpu.memory_space<vmem>> -> memref<64x128xf32, #tpu.memory_space<vmem>>
      %dma_wait3A_346 = arith.constant 0 : i32
      %dma_wait3A_347 = arith.constant 0 : i32
      %dma_wait3A_348 = tpu.memref_slice %arg2[%dma_wait3A_346, %dma_wait3A_347] : memref<147456x128xf32, #tpu.memory_space<hbm>> -> memref<64x128xf32, #tpu.memory_space<hbm>>
      %dma_wait3A_349 = arith.constant 0 : i32
      %dma_wait3A_350 = arith.constant 0 : i32
      %dma_wait3A_351 = tpu.memref_slice %arg11[%dma_wait3A_341, %dma_wait3A_349, %dma_wait3A_350] : memref<3x64x128xf32, #tpu.memory_space<vmem>> -> memref<1x64x128xf32, #tpu.memory_space<vmem>>
      %dma_wait3A_352 = tpu.memref_squeeze %dma_wait3A_351 : memref<1x64x128xf32, #tpu.memory_space<vmem>> -> memref<64x128xf32, #tpu.memory_space<vmem>>
      %dma_wait3A_353 = arith.constant 0 : i32
      %dma_wait3A_354 = arith.constant 0 : i32
      %dma_wait3A_355 = tpu.memref_slice %arg2[%dma_wait3A_353, %dma_wait3A_354] : memref<147456x128xf32, #tpu.memory_space<hbm>> -> memref<64x128xf32, #tpu.memory_space<hbm>>
      tpu.wait_dma2 semaphore(%arg17 : memref<!tpu.dma_semaphore, #tpu.memory_space<semaphore_mem>>) src(%dma_wait3A_355 : memref<64x128xf32, #tpu.memory_space<hbm>>) dst(%dma_wait3A_352 : memref<64x128xf32, #tpu.memory_space<vmem>>)
      %dma_wait3A_356 = arith.constant 1 : i32
      %dma_wait3A_357 = arith.constant 0 : i32
      %dma_wait3A_358 = arith.constant 0 : i32
      %dma_wait3A_359 = tpu.memref_slice %arg12[%dma_wait3A_356, %dma_wait3A_357, %dma_wait3A_358] : memref<3x64x128xf32, #tpu.memory_space<vmem>> -> memref<1x64x128xf32, #tpu.memory_space<vmem>>
      %dma_wait3A_360 = tpu.memref_squeeze %dma_wait3A_359 : memref<1x64x128xf32, #tpu.memory_space<vmem>> -> memref<64x128xf32, #tpu.memory_space<vmem>>
      %dma_wait3A_361 = arith.constant 0 : i32
      %dma_wait3A_362 = arith.constant 0 : i32
      %dma_wait3A_363 = tpu.memref_slice %arg3[%dma_wait3A_361, %dma_wait3A_362] : memref<147456x128xf32, #tpu.memory_space<hbm>> -> memref<64x128xf32, #tpu.memory_space<hbm>>
      %dma_wait3A_364 = arith.constant 0 : i32
      %dma_wait3A_365 = arith.constant 0 : i32
      %dma_wait3A_366 = tpu.memref_slice %arg12[%dma_wait3A_356, %dma_wait3A_364, %dma_wait3A_365] : memref<3x64x128xf32, #tpu.memory_space<vmem>> -> memref<1x64x128xf32, #tpu.memory_space<vmem>>
      %dma_wait3A_367 = tpu.memref_squeeze %dma_wait3A_366 : memref<1x64x128xf32, #tpu.memory_space<vmem>> -> memref<64x128xf32, #tpu.memory_space<vmem>>
      %dma_wait3A_368 = arith.constant 0 : i32
      %dma_wait3A_369 = arith.constant 0 : i32
      %dma_wait3A_370 = tpu.memref_slice %arg3[%dma_wait3A_368, %dma_wait3A_369] : memref<147456x128xf32, #tpu.memory_space<hbm>> -> memref<64x128xf32, #tpu.memory_space<hbm>>
      tpu.wait_dma2 semaphore(%arg17 : memref<!tpu.dma_semaphore, #tpu.memory_space<semaphore_mem>>) src(%dma_wait3A_370 : memref<64x128xf32, #tpu.memory_space<hbm>>) dst(%dma_wait3A_367 : memref<64x128xf32, #tpu.memory_space<vmem>>)
      %dma_wait3A_371 = arith.constant 1 : i32
      %dma_wait3A_372 = arith.constant 0 : i32
      %dma_wait3A_373 = arith.constant 0 : i32
      %dma_wait3A_374 = tpu.memref_slice %arg13[%dma_wait3A_371, %dma_wait3A_372, %dma_wait3A_373] : memref<3x64x128xf32, #tpu.memory_space<vmem>> -> memref<1x64x128xf32, #tpu.memory_space<vmem>>
      %dma_wait3A_375 = tpu.memref_squeeze %dma_wait3A_374 : memref<1x64x128xf32, #tpu.memory_space<vmem>> -> memref<64x128xf32, #tpu.memory_space<vmem>>
      %dma_wait3A_376 = arith.constant 0 : i32
      %dma_wait3A_377 = arith.constant 0 : i32
      %dma_wait3A_378 = tpu.memref_slice %arg4[%dma_wait3A_376, %dma_wait3A_377] : memref<147456x128xf32, #tpu.memory_space<hbm>> -> memref<64x128xf32, #tpu.memory_space<hbm>>
      %dma_wait3A_379 = arith.constant 0 : i32
      %dma_wait3A_380 = arith.constant 0 : i32
      %dma_wait3A_381 = tpu.memref_slice %arg13[%dma_wait3A_371, %dma_wait3A_379, %dma_wait3A_380] : memref<3x64x128xf32, #tpu.memory_space<vmem>> -> memref<1x64x128xf32, #tpu.memory_space<vmem>>
      %dma_wait3A_382 = tpu.memref_squeeze %dma_wait3A_381 : memref<1x64x128xf32, #tpu.memory_space<vmem>> -> memref<64x128xf32, #tpu.memory_space<vmem>>
      %dma_wait3A_383 = arith.constant 0 : i32
      %dma_wait3A_384 = arith.constant 0 : i32
      %dma_wait3A_385 = tpu.memref_slice %arg4[%dma_wait3A_383, %dma_wait3A_384] : memref<147456x128xf32, #tpu.memory_space<hbm>> -> memref<64x128xf32, #tpu.memory_space<hbm>>
      tpu.wait_dma2 semaphore(%arg17 : memref<!tpu.dma_semaphore, #tpu.memory_space<semaphore_mem>>) src(%dma_wait3A_385 : memref<64x128xf32, #tpu.memory_space<hbm>>) dst(%dma_wait3A_382 : memref<64x128xf32, #tpu.memory_space<vmem>>)
      %dma_wait3A_386 = arith.constant 1 : i32
      %dma_wait3A_387 = arith.constant 0 : i32
      %dma_wait3A_388 = arith.constant 0 : i32
      %dma_wait3A_389 = tpu.memref_slice %arg14[%dma_wait3A_386, %dma_wait3A_387, %dma_wait3A_388] : memref<3x64x128xf32, #tpu.memory_space<vmem>> -> memref<1x64x128xf32, #tpu.memory_space<vmem>>
      %dma_wait3A_390 = tpu.memref_squeeze %dma_wait3A_389 : memref<1x64x128xf32, #tpu.memory_space<vmem>> -> memref<64x128xf32, #tpu.memory_space<vmem>>
      %dma_wait3A_391 = arith.constant 0 : i32
      %dma_wait3A_392 = arith.constant 0 : i32
      %dma_wait3A_393 = tpu.memref_slice %arg5[%dma_wait3A_391, %dma_wait3A_392] : memref<147456x128xf32, #tpu.memory_space<hbm>> -> memref<64x128xf32, #tpu.memory_space<hbm>>
      %dma_wait3A_394 = arith.constant 0 : i32
      %dma_wait3A_395 = arith.constant 0 : i32
      %dma_wait3A_396 = tpu.memref_slice %arg14[%dma_wait3A_386, %dma_wait3A_394, %dma_wait3A_395] : memref<3x64x128xf32, #tpu.memory_space<vmem>> -> memref<1x64x128xf32, #tpu.memory_space<vmem>>
      %dma_wait3A_397 = tpu.memref_squeeze %dma_wait3A_396 : memref<1x64x128xf32, #tpu.memory_space<vmem>> -> memref<64x128xf32, #tpu.memory_space<vmem>>
      %dma_wait3A_398 = arith.constant 0 : i32
      %dma_wait3A_399 = arith.constant 0 : i32
      %dma_wait3A_400 = tpu.memref_slice %arg5[%dma_wait3A_398, %dma_wait3A_399] : memref<147456x128xf32, #tpu.memory_space<hbm>> -> memref<64x128xf32, #tpu.memory_space<hbm>>
      tpu.wait_dma2 semaphore(%arg17 : memref<!tpu.dma_semaphore, #tpu.memory_space<semaphore_mem>>) src(%dma_wait3A_400 : memref<64x128xf32, #tpu.memory_space<hbm>>) dst(%dma_wait3A_397 : memref<64x128xf32, #tpu.memory_space<vmem>>)
      %add3A_401 = arith.constant 1 : i32
      %add3A_402 = arith.addi %mul3A_176, %add3A_401 : i32
      %mul3A_403 = arith.constant 64 : i32
      %mul3A_404 = arith.muli %add3A_402, %mul3A_403 : i32
      %add3A_405 = arith.addi %mul3A_2, %mul3A_404 : i32
      %lt3A_406 = arith.constant 1024 : i32
      %lt3A_407 = arith.cmpi slt, %add3A_405, %lt3A_406 : i32
      %jit3A_408 = arith.constant 1.000000e+00 : f32
      %jit3A_409 = arith.constant 0.000000e+00 : f32
      %select_n3A_410 = arith.select %lt3A_407, %jit3A_408, %jit3A_409 : f32
      %broadcast_in_dim3A_411 = vector.broadcast %select_n3A_410 : f32 to vector<16xf32>
      %ge3A_412 = arith.constant 1024 : i32
      %ge3A_413 = arith.cmpi sge, %add3A_405, %ge3A_412 : i32
      %lt3A_414 = arith.constant 154624 : i32
      %lt3A_415 = arith.cmpi slt, %add3A_405, %lt3A_414 : i32
      %and3A_416 = arith.andi %ge3A_413, %lt3A_415 : i1
      %jit3A_417 = arith.constant 1.000000e+00 : f32
      %jit3A_418 = arith.constant 0.000000e+00 : f32
      %select_n3A_419 = arith.select %and3A_416, %jit3A_417, %jit3A_418 : f32
      %broadcast_in_dim3A_420 = vector.broadcast %select_n3A_419 : f32 to vector<16xf32>
      %scan3A_421 = arith.constant 0 : i32
      %scan3A_422 = arith.constant 64 : i32
      %scan3A_423 = arith.addi %scan3A_421, %scan3A_422 : i32
      %scan3A_424 = arith.constant 1 : i32
      %scan3A_425:2 = scf.for %scan3A_516 = %scan3A_421 to %scan3A_423 step %scan3A_424 iter_args(%scan3A_517 = %scan3A_299#0, %scan3A_518 = %scan3A_299#1) -> (vector<16xf32>, vector<16xf32>)  : i32 {
        %get3A = arith.constant 1 : i32
        %get3A_519 = arith.index_cast %get3A : i32 to index
        %get3A_520 = arith.index_cast %scan3A_516 : i32 to index
        %get3A_521 = arith.constant 0 : index
        %get3A_522 = tpu.vector_load %arg11[%get3A_519, %get3A_520, %get3A_521] {strides = array<i32>} : memref<3x64x128xf32, #tpu.memory_space<vmem>>, vector<16xf32>,
        %get3A_523 = arith.constant 1 : i32
        %get3A_524 = arith.index_cast %get3A_523 : i32 to index
        %get3A_525 = arith.index_cast %scan3A_516 : i32 to index
        %get3A_526 = arith.constant 0 : index
        %get3A_527 = tpu.vector_load %arg13[%get3A_524, %get3A_525, %get3A_526] {strides = array<i32>} : memref<3x64x128xf32, #tpu.memory_space<vmem>>, vector<16xf32>,
        %bitcast3A = vector.bitcast %get3A_522 : vector<16xf32> to vector<32xbf16>
        %bitcast3A_528 = vector.bitcast %get3A_527 : vector<16xf32> to vector<32xbf16>
        %sub3A = arith.subf %bitcast3A, %bitcast3A_528 : vector<32xbf16>
        %unpack3A = tpu.unpack_subelements %sub3A, 0 {pack_format = #tpu.pack_format<interleaved>} : vector<32xbf16> -> vector<16xf32>
        %unpack3A_529 = tpu.unpack_subelements %sub3A, 1 {pack_format = #tpu.pack_format<interleaved>} : vector<32xbf16> -> vector<16xf32>
        %mul3A_530 = arith.mulf %unpack3A, %unpack3A : vector<16xf32>
        %add3A_531 = arith.addf %broadcast_in_dim3A_3, %mul3A_530 : vector<16xf32>
        %mul3A_532 = arith.mulf %unpack3A_529, %unpack3A_529 : vector<16xf32>
        %add3A_533 = arith.addf %broadcast_in_dim3A_3, %mul3A_532 : vector<16xf32>
        %get3A_534 = arith.constant 1 : i32
        %get3A_535 = arith.index_cast %get3A_534 : i32 to index
        %get3A_536 = arith.index_cast %scan3A_516 : i32 to index
        %get3A_537 = arith.constant 16 : index
        %get3A_538 = tpu.vector_load %arg11[%get3A_535, %get3A_536, %get3A_537] {strides = array<i32>} : memref<3x64x128xf32, #tpu.memory_space<vmem>>, vector<16xf32>,
        %get3A_539 = arith.constant 1 : i32
        %get3A_540 = arith.index_cast %get3A_539 : i32 to index
        %get3A_541 = arith.index_cast %scan3A_516 : i32 to index
        %get3A_542 = arith.constant 16 : index
        %get3A_543 = tpu.vector_load %arg13[%get3A_540, %get3A_541, %get3A_542] {strides = array<i32>} : memref<3x64x128xf32, #tpu.memory_space<vmem>>, vector<16xf32>,
        %bitcast3A_544 = vector.bitcast %get3A_538 : vector<16xf32> to vector<32xbf16>
        %bitcast3A_545 = vector.bitcast %get3A_543 : vector<16xf32> to vector<32xbf16>
        %sub3A_546 = arith.subf %bitcast3A_544, %bitcast3A_545 : vector<32xbf16>
        %unpack3A_547 = tpu.unpack_subelements %sub3A_546, 0 {pack_format = #tpu.pack_format<interleaved>} : vector<32xbf16> -> vector<16xf32>
        %unpack3A_548 = tpu.unpack_subelements %sub3A_546, 1 {pack_format = #tpu.pack_format<interleaved>} : vector<32xbf16> -> vector<16xf32>
        %mul3A_549 = arith.mulf %unpack3A_547, %unpack3A_547 : vector<16xf32>
        %add3A_550 = arith.addf %broadcast_in_dim3A_3, %mul3A_549 : vector<16xf32>
        %mul3A_551 = arith.mulf %unpack3A_548, %unpack3A_548 : vector<16xf32>
        %add3A_552 = arith.addf %broadcast_in_dim3A_3, %mul3A_551 : vector<16xf32>
        %get3A_553 = arith.constant 1 : i32
        %get3A_554 = arith.index_cast %get3A_553 : i32 to index
        %get3A_555 = arith.index_cast %scan3A_516 : i32 to index
        %get3A_556 = arith.constant 32 : index
        %get3A_557 = tpu.vector_load %arg11[%get3A_554, %get3A_555, %get3A_556] {strides = array<i32>} : memref<3x64x128xf32, #tpu.memory_space<vmem>>, vector<16xf32>,
        %get3A_558 = arith.constant 1 : i32
        %get3A_559 = arith.index_cast %get3A_558 : i32 to index
        %get3A_560 = arith.index_cast %scan3A_516 : i32 to index
        %get3A_561 = arith.constant 32 : index
        %get3A_562 = tpu.vector_load %arg13[%get3A_559, %get3A_560, %get3A_561] {strides = array<i32>} : memref<3x64x128xf32, #tpu.memory_space<vmem>>, vector<16xf32>,
        %bitcast3A_563 = vector.bitcast %get3A_557 : vector<16xf32> to vector<32xbf16>
        %bitcast3A_564 = vector.bitcast %get3A_562 : vector<16xf32> to vector<32xbf16>
        %sub3A_565 = arith.subf %bitcast3A_563, %bitcast3A_564 : vector<32xbf16>
        %unpack3A_566 = tpu.unpack_subelements %sub3A_565, 0 {pack_format = #tpu.pack_format<interleaved>} : vector<32xbf16> -> vector<16xf32>
        %unpack3A_567 = tpu.unpack_subelements %sub3A_565, 1 {pack_format = #tpu.pack_format<interleaved>} : vector<32xbf16> -> vector<16xf32>
        %mul3A_568 = arith.mulf %unpack3A_566, %unpack3A_566 : vector<16xf32>
        %add3A_569 = arith.addf %add3A_531, %mul3A_568 : vector<16xf32>
        %mul3A_570 = arith.mulf %unpack3A_567, %unpack3A_567 : vector<16xf32>
        %add3A_571 = arith.addf %add3A_533, %mul3A_570 : vector<16xf32>
        %get3A_572 = arith.constant 1 : i32
        %get3A_573 = arith.index_cast %get3A_572 : i32 to index
        %get3A_574 = arith.index_cast %scan3A_516 : i32 to index
        %get3A_575 = arith.constant 48 : index
        %get3A_576 = tpu.vector_load %arg11[%get3A_573, %get3A_574, %get3A_575] {strides = array<i32>} : memref<3x64x128xf32, #tpu.memory_space<vmem>>, vector<16xf32>,
        %get3A_577 = arith.constant 1 : i32
        %get3A_578 = arith.index_cast %get3A_577 : i32 to index
        %get3A_579 = arith.index_cast %scan3A_516 : i32 to index
        %get3A_580 = arith.constant 48 : index
        %get3A_581 = tpu.vector_load %arg13[%get3A_578, %get3A_579, %get3A_580] {strides = array<i32>} : memref<3x64x128xf32, #tpu.memory_space<vmem>>, vector<16xf32>,
        %bitcast3A_582 = vector.bitcast %get3A_576 : vector<16xf32> to vector<32xbf16>
        %bitcast3A_583 = vector.bitcast %get3A_581 : vector<16xf32> to vector<32xbf16>
        %sub3A_584 = arith.subf %bitcast3A_582, %bitcast3A_583 : vector<32xbf16>
        %unpack3A_585 = tpu.unpack_subelements %sub3A_584, 0 {pack_format = #tpu.pack_format<interleaved>} : vector<32xbf16> -> vector<16xf32>
        %unpack3A_586 = tpu.unpack_subelements %sub3A_584, 1 {pack_format = #tpu.pack_format<interleaved>} : vector<32xbf16> -> vector<16xf32>
        %mul3A_587 = arith.mulf %unpack3A_585, %unpack3A_585 : vector<16xf32>
        %add3A_588 = arith.addf %add3A_550, %mul3A_587 : vector<16xf32>
        %mul3A_589 = arith.mulf %unpack3A_586, %unpack3A_586 : vector<16xf32>
        %add3A_590 = arith.addf %add3A_552, %mul3A_589 : vector<16xf32>
        %get3A_591 = arith.constant 1 : i32
        %get3A_592 = arith.index_cast %get3A_591 : i32 to index
        %get3A_593 = arith.index_cast %scan3A_516 : i32 to index
        %get3A_594 = arith.constant 64 : index
        %get3A_595 = tpu.vector_load %arg11[%get3A_592, %get3A_593, %get3A_594] {strides = array<i32>} : memref<3x64x128xf32, #tpu.memory_space<vmem>>, vector<16xf32>,
        %get3A_596 = arith.constant 1 : i32
        %get3A_597 = arith.index_cast %get3A_596 : i32 to index
        %get3A_598 = arith.index_cast %scan3A_516 : i32 to index
        %get3A_599 = arith.constant 64 : index
        %get3A_600 = tpu.vector_load %arg13[%get3A_597, %get3A_598, %get3A_599] {strides = array<i32>} : memref<3x64x128xf32, #tpu.memory_space<vmem>>, vector<16xf32>,
        %bitcast3A_601 = vector.bitcast %get3A_595 : vector<16xf32> to vector<32xbf16>
        %bitcast3A_602 = vector.bitcast %get3A_600 : vector<16xf32> to vector<32xbf16>
        %sub3A_603 = arith.subf %bitcast3A_601, %bitcast3A_602 : vector<32xbf16>
        %unpack3A_604 = tpu.unpack_subelements %sub3A_603, 0 {pack_format = #tpu.pack_format<interleaved>} : vector<32xbf16> -> vector<16xf32>
        %unpack3A_605 = tpu.unpack_subelements %sub3A_603, 1 {pack_format = #tpu.pack_format<interleaved>} : vector<32xbf16> -> vector<16xf32>
        %mul3A_606 = arith.mulf %unpack3A_604, %unpack3A_604 : vector<16xf32>
        %add3A_607 = arith.addf %add3A_569, %mul3A_606 : vector<16xf32>
        %mul3A_608 = arith.mulf %unpack3A_605, %unpack3A_605 : vector<16xf32>
        %add3A_609 = arith.addf %add3A_571, %mul3A_608 : vector<16xf32>
        %get3A_610 = arith.constant 1 : i32
        %get3A_611 = arith.index_cast %get3A_610 : i32 to index
        %get3A_612 = arith.index_cast %scan3A_516 : i32 to index
        %get3A_613 = arith.constant 80 : index
        %get3A_614 = tpu.vector_load %arg11[%get3A_611, %get3A_612, %get3A_613] {strides = array<i32>} : memref<3x64x128xf32, #tpu.memory_space<vmem>>, vector<16xf32>,
        %get3A_615 = arith.constant 1 : i32
        %get3A_616 = arith.index_cast %get3A_615 : i32 to index
        %get3A_617 = arith.index_cast %scan3A_516 : i32 to index
        %get3A_618 = arith.constant 80 : index
        %get3A_619 = tpu.vector_load %arg13[%get3A_616, %get3A_617, %get3A_618] {strides = array<i32>} : memref<3x64x128xf32, #tpu.memory_space<vmem>>, vector<16xf32>,
        %bitcast3A_620 = vector.bitcast %get3A_614 : vector<16xf32> to vector<32xbf16>
        %bitcast3A_621 = vector.bitcast %get3A_619 : vector<16xf32> to vector<32xbf16>
        %sub3A_622 = arith.subf %bitcast3A_620, %bitcast3A_621 : vector<32xbf16>
        %unpack3A_623 = tpu.unpack_subelements %sub3A_622, 0 {pack_format = #tpu.pack_format<interleaved>} : vector<32xbf16> -> vector<16xf32>
        %unpack3A_624 = tpu.unpack_subelements %sub3A_622, 1 {pack_format = #tpu.pack_format<interleaved>} : vector<32xbf16> -> vector<16xf32>
        %mul3A_625 = arith.mulf %unpack3A_623, %unpack3A_623 : vector<16xf32>
        %add3A_626 = arith.addf %add3A_588, %mul3A_625 : vector<16xf32>
        %mul3A_627 = arith.mulf %unpack3A_624, %unpack3A_624 : vector<16xf32>
        %add3A_628 = arith.addf %add3A_590, %mul3A_627 : vector<16xf32>
        %get3A_629 = arith.constant 1 : i32
        %get3A_630 = arith.index_cast %get3A_629 : i32 to index
        %get3A_631 = arith.index_cast %scan3A_516 : i32 to index
        %get3A_632 = arith.constant 96 : index
        %get3A_633 = tpu.vector_load %arg11[%get3A_630, %get3A_631, %get3A_632] {strides = array<i32>} : memref<3x64x128xf32, #tpu.memory_space<vmem>>, vector<16xf32>,
        %get3A_634 = arith.constant 1 : i32
        %get3A_635 = arith.index_cast %get3A_634 : i32 to index
        %get3A_636 = arith.index_cast %scan3A_516 : i32 to index
        %get3A_637 = arith.constant 96 : index
        %get3A_638 = tpu.vector_load %arg13[%get3A_635, %get3A_636, %get3A_637] {strides = array<i32>} : memref<3x64x128xf32, #tpu.memory_space<vmem>>, vector<16xf32>,
        %bitcast3A_639 = vector.bitcast %get3A_633 : vector<16xf32> to vector<32xbf16>
        %bitcast3A_640 = vector.bitcast %get3A_638 : vector<16xf32> to vector<32xbf16>
        %sub3A_641 = arith.subf %bitcast3A_639, %bitcast3A_640 : vector<32xbf16>
        %unpack3A_642 = tpu.unpack_subelements %sub3A_641, 0 {pack_format = #tpu.pack_format<interleaved>} : vector<32xbf16> -> vector<16xf32>
        %unpack3A_643 = tpu.unpack_subelements %sub3A_641, 1 {pack_format = #tpu.pack_format<interleaved>} : vector<32xbf16> -> vector<16xf32>
        %mul3A_644 = arith.mulf %unpack3A_642, %unpack3A_642 : vector<16xf32>
        %add3A_645 = arith.addf %add3A_607, %mul3A_644 : vector<16xf32>
        %mul3A_646 = arith.mulf %unpack3A_643, %unpack3A_643 : vector<16xf32>
        %add3A_647 = arith.addf %add3A_609, %mul3A_646 : vector<16xf32>
        %get3A_648 = arith.constant 1 : i32
        %get3A_649 = arith.index_cast %get3A_648 : i32 to index
        %get3A_650 = arith.index_cast %scan3A_516 : i32 to index
        %get3A_651 = arith.constant 112 : index
        %get3A_652 = tpu.vector_load %arg11[%get3A_649, %get3A_650, %get3A_651] {strides = array<i32>} : memref<3x64x128xf32, #tpu.memory_space<vmem>>, vector<16xf32>,
        %get3A_653 = arith.constant 1 : i32
        %get3A_654 = arith.index_cast %get3A_653 : i32 to index
        %get3A_655 = arith.index_cast %scan3A_516 : i32 to index
        %get3A_656 = arith.constant 112 : index
        %get3A_657 = tpu.vector_load %arg13[%get3A_654, %get3A_655, %get3A_656] {strides = array<i32>} : memref<3x64x128xf32, #tpu.memory_space<vmem>>, vector<16xf32>,
        %bitcast3A_658 = vector.bitcast %get3A_652 : vector<16xf32> to vector<32xbf16>
        %bitcast3A_659 = vector.bitcast %get3A_657 : vector<16xf32> to vector<32xbf16>
        %sub3A_660 = arith.subf %bitcast3A_658, %bitcast3A_659 : vector<32xbf16>
        %unpack3A_661 = tpu.unpack_subelements %sub3A_660, 0 {pack_format = #tpu.pack_format<interleaved>} : vector<32xbf16> -> vector<16xf32>
        %unpack3A_662 = tpu.unpack_subelements %sub3A_660, 1 {pack_format = #tpu.pack_format<interleaved>} : vector<32xbf16> -> vector<16xf32>
        %mul3A_663 = arith.mulf %unpack3A_661, %unpack3A_661 : vector<16xf32>
        %add3A_664 = arith.addf %add3A_626, %mul3A_663 : vector<16xf32>
        %mul3A_665 = arith.mulf %unpack3A_662, %unpack3A_662 : vector<16xf32>
        %add3A_666 = arith.addf %add3A_628, %mul3A_665 : vector<16xf32>
        %get3A_667 = arith.constant 1 : i32
        %get3A_668 = arith.index_cast %get3A_667 : i32 to index
        %get3A_669 = arith.index_cast %scan3A_516 : i32 to index
        %get3A_670 = arith.constant 0 : index
        %get3A_671 = tpu.vector_load %arg12[%get3A_668, %get3A_669, %get3A_670] {strides = array<i32>} : memref<3x64x128xf32, #tpu.memory_space<vmem>>, vector<16xf32>,
        %get3A_672 = arith.constant 1 : i32
        %get3A_673 = arith.index_cast %get3A_672 : i32 to index
        %get3A_674 = arith.index_cast %scan3A_516 : i32 to index
        %get3A_675 = arith.constant 0 : index
        %get3A_676 = tpu.vector_load %arg14[%get3A_673, %get3A_674, %get3A_675] {strides = array<i32>} : memref<3x64x128xf32, #tpu.memory_space<vmem>>, vector<16xf32>,
        %bitcast3A_677 = vector.bitcast %get3A_671 : vector<16xf32> to vector<32xbf16>
        %bitcast3A_678 = vector.bitcast %get3A_676 : vector<16xf32> to vector<32xbf16>
        %sub3A_679 = arith.subf %bitcast3A_677, %bitcast3A_678 : vector<32xbf16>
        %unpack3A_680 = tpu.unpack_subelements %sub3A_679, 0 {pack_format = #tpu.pack_format<interleaved>} : vector<32xbf16> -> vector<16xf32>
        %unpack3A_681 = tpu.unpack_subelements %sub3A_679, 1 {pack_format = #tpu.pack_format<interleaved>} : vector<32xbf16> -> vector<16xf32>
        %mul3A_682 = arith.mulf %unpack3A_680, %unpack3A_680 : vector<16xf32>
        %add3A_683 = arith.addf %add3A_645, %mul3A_682 : vector<16xf32>
        %mul3A_684 = arith.mulf %unpack3A_681, %unpack3A_681 : vector<16xf32>
        %add3A_685 = arith.addf %add3A_647, %mul3A_684 : vector<16xf32>
        %get3A_686 = arith.constant 1 : i32
        %get3A_687 = arith.index_cast %get3A_686 : i32 to index
        %get3A_688 = arith.index_cast %scan3A_516 : i32 to index
        %get3A_689 = arith.constant 16 : index
        %get3A_690 = tpu.vector_load %arg12[%get3A_687, %get3A_688, %get3A_689] {strides = array<i32>} : memref<3x64x128xf32, #tpu.memory_space<vmem>>, vector<16xf32>,
        %get3A_691 = arith.constant 1 : i32
        %get3A_692 = arith.index_cast %get3A_691 : i32 to index
        %get3A_693 = arith.index_cast %scan3A_516 : i32 to index
        %get3A_694 = arith.constant 16 : index
        %get3A_695 = tpu.vector_load %arg14[%get3A_692, %get3A_693, %get3A_694] {strides = array<i32>} : memref<3x64x128xf32, #tpu.memory_space<vmem>>, vector<16xf32>,
        %bitcast3A_696 = vector.bitcast %get3A_690 : vector<16xf32> to vector<32xbf16>
        %bitcast3A_697 = vector.bitcast %get3A_695 : vector<16xf32> to vector<32xbf16>
        %sub3A_698 = arith.subf %bitcast3A_696, %bitcast3A_697 : vector<32xbf16>
        %unpack3A_699 = tpu.unpack_subelements %sub3A_698, 0 {pack_format = #tpu.pack_format<interleaved>} : vector<32xbf16> -> vector<16xf32>
        %unpack3A_700 = tpu.unpack_subelements %sub3A_698, 1 {pack_format = #tpu.pack_format<interleaved>} : vector<32xbf16> -> vector<16xf32>
        %mul3A_701 = arith.mulf %unpack3A_699, %unpack3A_699 : vector<16xf32>
        %add3A_702 = arith.addf %add3A_664, %mul3A_701 : vector<16xf32>
        %mul3A_703 = arith.mulf %unpack3A_700, %unpack3A_700 : vector<16xf32>
        %add3A_704 = arith.addf %add3A_666, %mul3A_703 : vector<16xf32>
        %get3A_705 = arith.constant 1 : i32
        %get3A_706 = arith.index_cast %get3A_705 : i32 to index
        %get3A_707 = arith.index_cast %scan3A_516 : i32 to index
        %get3A_708 = arith.constant 32 : index
        %get3A_709 = tpu.vector_load %arg12[%get3A_706, %get3A_707, %get3A_708] {strides = array<i32>} : memref<3x64x128xf32, #tpu.memory_space<vmem>>, vector<16xf32>,
        %get3A_710 = arith.constant 1 : i32
        %get3A_711 = arith.index_cast %get3A_710 : i32 to index
        %get3A_712 = arith.index_cast %scan3A_516 : i32 to index
        %get3A_713 = arith.constant 32 : index
        %get3A_714 = tpu.vector_load %arg14[%get3A_711, %get3A_712, %get3A_713] {strides = array<i32>} : memref<3x64x128xf32, #tpu.memory_space<vmem>>, vector<16xf32>,
        %bitcast3A_715 = vector.bitcast %get3A_709 : vector<16xf32> to vector<32xbf16>
        %bitcast3A_716 = vector.bitcast %get3A_714 : vector<16xf32> to vector<32xbf16>
        %sub3A_717 = arith.subf %bitcast3A_715, %bitcast3A_716 : vector<32xbf16>
        %unpack3A_718 = tpu.unpack_subelements %sub3A_717, 0 {pack_format = #tpu.pack_format<interleaved>} : vector<32xbf16> -> vector<16xf32>
        %unpack3A_719 = tpu.unpack_subelements %sub3A_717, 1 {pack_format = #tpu.pack_format<interleaved>} : vector<32xbf16> -> vector<16xf32>
        %mul3A_720 = arith.mulf %unpack3A_718, %unpack3A_718 : vector<16xf32>
        %add3A_721 = arith.addf %add3A_683, %mul3A_720 : vector<16xf32>
        %mul3A_722 = arith.mulf %unpack3A_719, %unpack3A_719 : vector<16xf32>
        %add3A_723 = arith.addf %add3A_685, %mul3A_722 : vector<16xf32>
        %get3A_724 = arith.constant 1 : i32
        %get3A_725 = arith.index_cast %get3A_724 : i32 to index
        %get3A_726 = arith.index_cast %scan3A_516 : i32 to index
        %get3A_727 = arith.constant 48 : index
        %get3A_728 = tpu.vector_load %arg12[%get3A_725, %get3A_726, %get3A_727] {strides = array<i32>} : memref<3x64x128xf32, #tpu.memory_space<vmem>>, vector<16xf32>,
        %get3A_729 = arith.constant 1 : i32
        %get3A_730 = arith.index_cast %get3A_729 : i32 to index
        %get3A_731 = arith.index_cast %scan3A_516 : i32 to index
        %get3A_732 = arith.constant 48 : index
        %get3A_733 = tpu.vector_load %arg14[%get3A_730, %get3A_731, %get3A_732] {strides = array<i32>} : memref<3x64x128xf32, #tpu.memory_space<vmem>>, vector<16xf32>,
        %bitcast3A_734 = vector.bitcast %get3A_728 : vector<16xf32> to vector<32xbf16>
        %bitcast3A_735 = vector.bitcast %get3A_733 : vector<16xf32> to vector<32xbf16>
        %sub3A_736 = arith.subf %bitcast3A_734, %bitcast3A_735 : vector<32xbf16>
        %unpack3A_737 = tpu.unpack_subelements %sub3A_736, 0 {pack_format = #tpu.pack_format<interleaved>} : vector<32xbf16> -> vector<16xf32>
        %unpack3A_738 = tpu.unpack_subelements %sub3A_736, 1 {pack_format = #tpu.pack_format<interleaved>} : vector<32xbf16> -> vector<16xf32>
        %mul3A_739 = arith.mulf %unpack3A_737, %unpack3A_737 : vector<16xf32>
        %add3A_740 = arith.addf %add3A_702, %mul3A_739 : vector<16xf32>
        %mul3A_741 = arith.mulf %unpack3A_738, %unpack3A_738 : vector<16xf32>
        %add3A_742 = arith.addf %add3A_704, %mul3A_741 : vector<16xf32>
        %get3A_743 = arith.constant 1 : i32
        %get3A_744 = arith.index_cast %get3A_743 : i32 to index
        %get3A_745 = arith.index_cast %scan3A_516 : i32 to index
        %get3A_746 = arith.constant 64 : index
        %get3A_747 = tpu.vector_load %arg12[%get3A_744, %get3A_745, %get3A_746] {strides = array<i32>} : memref<3x64x128xf32, #tpu.memory_space<vmem>>, vector<16xf32>,
        %get3A_748 = arith.constant 1 : i32
        %get3A_749 = arith.index_cast %get3A_748 : i32 to index
        %get3A_750 = arith.index_cast %scan3A_516 : i32 to index
        %get3A_751 = arith.constant 64 : index
        %get3A_752 = tpu.vector_load %arg14[%get3A_749, %get3A_750, %get3A_751] {strides = array<i32>} : memref<3x64x128xf32, #tpu.memory_space<vmem>>, vector<16xf32>,
        %bitcast3A_753 = vector.bitcast %get3A_747 : vector<16xf32> to vector<32xbf16>
        %bitcast3A_754 = vector.bitcast %get3A_752 : vector<16xf32> to vector<32xbf16>
        %sub3A_755 = arith.subf %bitcast3A_753, %bitcast3A_754 : vector<32xbf16>
        %unpack3A_756 = tpu.unpack_subelements %sub3A_755, 0 {pack_format = #tpu.pack_format<interleaved>} : vector<32xbf16> -> vector<16xf32>
        %unpack3A_757 = tpu.unpack_subelements %sub3A_755, 1 {pack_format = #tpu.pack_format<interleaved>} : vector<32xbf16> -> vector<16xf32>
        %mul3A_758 = arith.mulf %unpack3A_756, %unpack3A_756 : vector<16xf32>
        %add3A_759 = arith.addf %add3A_721, %mul3A_758 : vector<16xf32>
        %mul3A_760 = arith.mulf %unpack3A_757, %unpack3A_757 : vector<16xf32>
        %add3A_761 = arith.addf %add3A_723, %mul3A_760 : vector<16xf32>
        %get3A_762 = arith.constant 1 : i32
        %get3A_763 = arith.index_cast %get3A_762 : i32 to index
        %get3A_764 = arith.index_cast %scan3A_516 : i32 to index
        %get3A_765 = arith.constant 80 : index
        %get3A_766 = tpu.vector_load %arg12[%get3A_763, %get3A_764, %get3A_765] {strides = array<i32>} : memref<3x64x128xf32, #tpu.memory_space<vmem>>, vector<16xf32>,
        %get3A_767 = arith.constant 1 : i32
        %get3A_768 = arith.index_cast %get3A_767 : i32 to index
        %get3A_769 = arith.index_cast %scan3A_516 : i32 to index
        %get3A_770 = arith.constant 80 : index
        %get3A_771 = tpu.vector_load %arg14[%get3A_768, %get3A_769, %get3A_770] {strides = array<i32>} : memref<3x64x128xf32, #tpu.memory_space<vmem>>, vector<16xf32>,
        %bitcast3A_772 = vector.bitcast %get3A_766 : vector<16xf32> to vector<32xbf16>
        %bitcast3A_773 = vector.bitcast %get3A_771 : vector<16xf32> to vector<32xbf16>
        %sub3A_774 = arith.subf %bitcast3A_772, %bitcast3A_773 : vector<32xbf16>
        %unpack3A_775 = tpu.unpack_subelements %sub3A_774, 0 {pack_format = #tpu.pack_format<interleaved>} : vector<32xbf16> -> vector<16xf32>
        %unpack3A_776 = tpu.unpack_subelements %sub3A_774, 1 {pack_format = #tpu.pack_format<interleaved>} : vector<32xbf16> -> vector<16xf32>
        %mul3A_777 = arith.mulf %unpack3A_775, %unpack3A_775 : vector<16xf32>
        %add3A_778 = arith.addf %add3A_740, %mul3A_777 : vector<16xf32>
        %mul3A_779 = arith.mulf %unpack3A_776, %unpack3A_776 : vector<16xf32>
        %add3A_780 = arith.addf %add3A_742, %mul3A_779 : vector<16xf32>
        %get3A_781 = arith.constant 1 : i32
        %get3A_782 = arith.index_cast %get3A_781 : i32 to index
        %get3A_783 = arith.index_cast %scan3A_516 : i32 to index
        %get3A_784 = arith.constant 96 : index
        %get3A_785 = tpu.vector_load %arg12[%get3A_782, %get3A_783, %get3A_784] {strides = array<i32>} : memref<3x64x128xf32, #tpu.memory_space<vmem>>, vector<16xf32>,
        %get3A_786 = arith.constant 1 : i32
        %get3A_787 = arith.index_cast %get3A_786 : i32 to index
        %get3A_788 = arith.index_cast %scan3A_516 : i32 to index
        %get3A_789 = arith.constant 96 : index
        %get3A_790 = tpu.vector_load %arg14[%get3A_787, %get3A_788, %get3A_789] {strides = array<i32>} : memref<3x64x128xf32, #tpu.memory_space<vmem>>, vector<16xf32>,
        %bitcast3A_791 = vector.bitcast %get3A_785 : vector<16xf32> to vector<32xbf16>
        %bitcast3A_792 = vector.bitcast %get3A_790 : vector<16xf32> to vector<32xbf16>
        %sub3A_793 = arith.subf %bitcast3A_791, %bitcast3A_792 : vector<32xbf16>
        %unpack3A_794 = tpu.unpack_subelements %sub3A_793, 0 {pack_format = #tpu.pack_format<interleaved>} : vector<32xbf16> -> vector<16xf32>
        %unpack3A_795 = tpu.unpack_subelements %sub3A_793, 1 {pack_format = #tpu.pack_format<interleaved>} : vector<32xbf16> -> vector<16xf32>
        %mul3A_796 = arith.mulf %unpack3A_794, %unpack3A_794 : vector<16xf32>
        %add3A_797 = arith.addf %add3A_759, %mul3A_796 : vector<16xf32>
        %mul3A_798 = arith.mulf %unpack3A_795, %unpack3A_795 : vector<16xf32>
        %add3A_799 = arith.addf %add3A_761, %mul3A_798 : vector<16xf32>
        %get3A_800 = arith.constant 1 : i32
        %get3A_801 = arith.index_cast %get3A_800 : i32 to index
        %get3A_802 = arith.index_cast %scan3A_516 : i32 to index
        %get3A_803 = arith.constant 112 : index
        %get3A_804 = tpu.vector_load %arg12[%get3A_801, %get3A_802, %get3A_803] {strides = array<i32>} : memref<3x64x128xf32, #tpu.memory_space<vmem>>, vector<16xf32>,
        %get3A_805 = arith.constant 1 : i32
        %get3A_806 = arith.index_cast %get3A_805 : i32 to index
        %get3A_807 = arith.index_cast %scan3A_516 : i32 to index
        %get3A_808 = arith.constant 112 : index
        %get3A_809 = tpu.vector_load %arg14[%get3A_806, %get3A_807, %get3A_808] {strides = array<i32>} : memref<3x64x128xf32, #tpu.memory_space<vmem>>, vector<16xf32>,
        %bitcast3A_810 = vector.bitcast %get3A_804 : vector<16xf32> to vector<32xbf16>
        %bitcast3A_811 = vector.bitcast %get3A_809 : vector<16xf32> to vector<32xbf16>
        %sub3A_812 = arith.subf %bitcast3A_810, %bitcast3A_811 : vector<32xbf16>
        %unpack3A_813 = tpu.unpack_subelements %sub3A_812, 0 {pack_format = #tpu.pack_format<interleaved>} : vector<32xbf16> -> vector<16xf32>
        %unpack3A_814 = tpu.unpack_subelements %sub3A_812, 1 {pack_format = #tpu.pack_format<interleaved>} : vector<32xbf16> -> vector<16xf32>
        %mul3A_815 = arith.mulf %unpack3A_813, %unpack3A_813 : vector<16xf32>
        %add3A_816 = arith.addf %add3A_778, %mul3A_815 : vector<16xf32>
        %mul3A_817 = arith.mulf %unpack3A_814, %unpack3A_814 : vector<16xf32>
        %add3A_818 = arith.addf %add3A_780, %mul3A_817 : vector<16xf32>
        %add3A_819 = arith.addf %add3A_797, %add3A_816 : vector<16xf32>
        %add3A_820 = arith.addf %add3A_799, %add3A_818 : vector<16xf32>
        %add3A_821 = arith.addf %add3A_819, %add3A_820 : vector<16xf32>
        %broadcast_in_dim3A_822 = arith.constant true
        %broadcast_in_dim3A_823 = vector.broadcast %broadcast_in_dim3A_822 : i1 to vector<16xi1>
        %masked_cumsum3A = tpu.scan <sum>, %add3A_821 masked %broadcast_in_dim3A_823 : vector<16xf32>, vector<16xi1> -> vector<16xf32>
        %mul3A_824 = arith.mulf %masked_cumsum3A, %broadcast_in_dim3A_411 : vector<16xf32>
        %add3A_825 = arith.addf %scan3A_517, %mul3A_824 : vector<16xf32>
        %sub3A_826 = arith.constant 5.000000e-01 : f32
        %sub3A_827 = vector.broadcast %sub3A_826 : f32 to vector<16xf32>
        %sub3A_828 = arith.subf %sub3A_827, %masked_cumsum3A : vector<16xf32>
        %max3A = arith.constant 0.000000e+00 : f32
        %max3A_829 = vector.broadcast %max3A : f32 to vector<16xf32>
        %max3A_830 = arith.maximumf %sub3A_828, %max3A_829 : vector<16xf32>
        %mul3A_831 = arith.mulf %max3A_830, %broadcast_in_dim3A_420 : vector<16xf32>
        %add3A_832 = arith.addf %scan3A_518, %mul3A_831 : vector<16xf32>
        scf.yield %add3A_825, %add3A_832 : vector<16xf32>, vector<16xf32>
      }
      %scan3A_426 = arith.constant 64 : i32
      %lt3A_427 = arith.constant 24 : i32
      %lt3A_428 = arith.cmpi slt, %scan3A_172, %lt3A_427 : i32
      %convert_element_type3A = arith.extui %lt3A_428 : i1 to i32
      %cond3A = arith.constant 0 : i32
      %cond3A_429 = arith.cmpi ne, %convert_element_type3A, %cond3A : i32
      scf.if %cond3A_429 {
        %add3A_516 = arith.constant 4 : i32
        %add3A_517 = arith.addi %mul3A_176, %add3A_516 : i32
        %mul3A_518 = arith.constant 64 : i32
        %mul3A_519 = arith.muli %add3A_517, %mul3A_518 : i32
        %dma_start3A_520 = arith.constant 1 : i32
        %dma_start3A_521 = arith.constant 0 : i32
        %dma_start3A_522 = arith.constant 0 : i32
        %dma_start3A_523 = tpu.memref_slice %arg11[%dma_start3A_520, %dma_start3A_521, %dma_start3A_522] : memref<3x64x128xf32, #tpu.memory_space<vmem>> -> memref<1x64x128xf32, #tpu.memory_space<vmem>>
        %dma_start3A_524 = tpu.memref_squeeze %dma_start3A_523 : memref<1x64x128xf32, #tpu.memory_space<vmem>> -> memref<64x128xf32, #tpu.memory_space<vmem>>
        %dma_start3A_525 = tpu.memref_slice %arg9[%mul3A_519] : memref<4864xi32, #tpu.memory_space<vmem>> -> memref<64xi32, #tpu.memory_space<vmem>>
        %dma_start3A_526 = arith.constant 0 : i32
        %dma_start3A_527 = arith.constant 0 : i32
        %dma_start3A_528 = tpu.memref_slice %arg2[%dma_start3A_526, %dma_start3A_527] : memref<147456x128xf32, #tpu.memory_space<hbm>> -> memref<147456x128xf32, #tpu.memory_space<hbm>>
        tpu.enqueue_indirect_dma source(%dma_start3A_528 : memref<147456x128xf32, #tpu.memory_space<hbm>>) target(%dma_start3A_524 : memref<64x128xf32, #tpu.memory_space<vmem>>) offsets(%dma_start3A_525 : memref<64xi32, #tpu.memory_space<vmem>>) semaphore(%arg17 : memref<!tpu.dma_semaphore, #tpu.memory_space<semaphore_mem>>)
        %dma_start3A_529 = arith.constant 1 : i32
        %dma_start3A_530 = arith.constant 0 : i32
        %dma_start3A_531 = arith.constant 0 : i32
        %dma_start3A_532 = tpu.memref_slice %arg12[%dma_start3A_529, %dma_start3A_530, %dma_start3A_531] : memref<3x64x128xf32, #tpu.memory_space<vmem>> -> memref<1x64x128xf32, #tpu.memory_space<vmem>>
        %dma_start3A_533 = tpu.memref_squeeze %dma_start3A_532 : memref<1x64x128xf32, #tpu.memory_space<vmem>> -> memref<64x128xf32, #tpu.memory_space<vmem>>
        %dma_start3A_534 = tpu.memref_slice %arg9[%mul3A_519] : memref<4864xi32, #tpu.memory_space<vmem>> -> memref<64xi32, #tpu.memory_space<vmem>>
        %dma_start3A_535 = arith.constant 0 : i32
        %dma_start3A_536 = arith.constant 0 : i32
        %dma_start3A_537 = tpu.memref_slice %arg3[%dma_start3A_535, %dma_start3A_536] : memref<147456x128xf32, #tpu.memory_space<hbm>> -> memref<147456x128xf32, #tpu.memory_space<hbm>>
        tpu.enqueue_indirect_dma source(%dma_start3A_537 : memref<147456x128xf32, #tpu.memory_space<hbm>>) target(%dma_start3A_533 : memref<64x128xf32, #tpu.memory_space<vmem>>) offsets(%dma_start3A_534 : memref<64xi32, #tpu.memory_space<vmem>>) semaphore(%arg17 : memref<!tpu.dma_semaphore, #tpu.memory_space<semaphore_mem>>)
        %dma_start3A_538 = arith.constant 1 : i32
        %dma_start3A_539 = arith.constant 0 : i32
        %dma_start3A_540 = arith.constant 0 : i32
        %dma_start3A_541 = tpu.memref_slice %arg13[%dma_start3A_538, %dma_start3A_539, %dma_start3A_540] : memref<3x64x128xf32, #tpu.memory_space<vmem>> -> memref<1x64x128xf32, #tpu.memory_space<vmem>>
        %dma_start3A_542 = tpu.memref_squeeze %dma_start3A_541 : memref<1x64x128xf32, #tpu.memory_space<vmem>> -> memref<64x128xf32, #tpu.memory_space<vmem>>
        %dma_start3A_543 = tpu.memref_slice %arg10[%mul3A_519] : memref<4864xi32, #tpu.memory_space<vmem>> -> memref<64xi32, #tpu.memory_space<vmem>>
        %dma_start3A_544 = arith.constant 0 : i32
        %dma_start3A_545 = arith.constant 0 : i32
        %dma_start3A_546 = tpu.memref_slice %arg4[%dma_start3A_544, %dma_start3A_545] : memref<147456x128xf32, #tpu.memory_space<hbm>> -> memref<147456x128xf32, #tpu.memory_space<hbm>>
        tpu.enqueue_indirect_dma source(%dma_start3A_546 : memref<147456x128xf32, #tpu.memory_space<hbm>>) target(%dma_start3A_542 : memref<64x128xf32, #tpu.memory_space<vmem>>) offsets(%dma_start3A_543 : memref<64xi32, #tpu.memory_space<vmem>>) semaphore(%arg17 : memref<!tpu.dma_semaphore, #tpu.memory_space<semaphore_mem>>)
        %dma_start3A_547 = arith.constant 1 : i32
        %dma_start3A_548 = arith.constant 0 : i32
        %dma_start3A_549 = arith.constant 0 : i32
        %dma_start3A_550 = tpu.memref_slice %arg14[%dma_start3A_547, %dma_start3A_548, %dma_start3A_549] : memref<3x64x128xf32, #tpu.memory_space<vmem>> -> memref<1x64x128xf32, #tpu.memory_space<vmem>>
        %dma_start3A_551 = tpu.memref_squeeze %dma_start3A_550 : memref<1x64x128xf32, #tpu.memory_space<vmem>> -> memref<64x128xf32, #tpu.memory_space<vmem>>
        %dma_start3A_552 = tpu.memref_slice %arg10[%mul3A_519] : memref<4864xi32, #tpu.memory_space<vmem>> -> memref<64xi32, #tpu.memory_space<vmem>>
        %dma_start3A_553 = arith.constant 0 : i32
        %dma_start3A_554 = arith.constant 0 : i32
        %dma_start3A_555 = tpu.memref_slice %arg5[%dma_start3A_553, %dma_start3A_554] : memref<147456x128xf32, #tpu.memory_space<hbm>> -> memref<147456x128xf32, #tpu.memory_space<hbm>>
        tpu.enqueue_indirect_dma source(%dma_start3A_555 : memref<147456x128xf32, #tpu.memory_space<hbm>>) target(%dma_start3A_551 : memref<64x128xf32, #tpu.memory_space<vmem>>) offsets(%dma_start3A_552 : memref<64xi32, #tpu.memory_space<vmem>>) semaphore(%arg17 : memref<!tpu.dma_semaphore, #tpu.memory_space<semaphore_mem>>)
      } else {
      }
      %dma_wait3A_430 = arith.constant 2 : i32
      %dma_wait3A_431 = arith.constant 0 : i32
      %dma_wait3A_432 = arith.constant 0 : i32
      %dma_wait3A_433 = tpu.memref_slice %arg11[%dma_wait3A_430, %dma_wait3A_431, %dma_wait3A_432] : memref<3x64x128xf32, #tpu.memory_space<vmem>> -> memref<1x64x128xf32, #tpu.memory_space<vmem>>
      %dma_wait3A_434 = tpu.memref_squeeze %dma_wait3A_433 : memref<1x64x128xf32, #tpu.memory_space<vmem>> -> memref<64x128xf32, #tpu.memory_space<vmem>>
      %dma_wait3A_435 = arith.constant 0 : i32
      %dma_wait3A_436 = arith.constant 0 : i32
      %dma_wait3A_437 = tpu.memref_slice %arg2[%dma_wait3A_435, %dma_wait3A_436] : memref<147456x128xf32, #tpu.memory_space<hbm>> -> memref<64x128xf32, #tpu.memory_space<hbm>>
      %dma_wait3A_438 = arith.constant 0 : i32
      %dma_wait3A_439 = arith.constant 0 : i32
      %dma_wait3A_440 = tpu.memref_slice %arg11[%dma_wait3A_430, %dma_wait3A_438, %dma_wait3A_439] : memref<3x64x128xf32, #tpu.memory_space<vmem>> -> memref<1x64x128xf32, #tpu.memory_space<vmem>>
      %dma_wait3A_441 = tpu.memref_squeeze %dma_wait3A_440 : memref<1x64x128xf32, #tpu.memory_space<vmem>> -> memref<64x128xf32, #tpu.memory_space<vmem>>
      %dma_wait3A_442 = arith.constant 0 : i32
      %dma_wait3A_443 = arith.constant 0 : i32
      %dma_wait3A_444 = tpu.memref_slice %arg2[%dma_wait3A_442, %dma_wait3A_443] : memref<147456x128xf32, #tpu.memory_space<hbm>> -> memref<64x128xf32, #tpu.memory_space<hbm>>
      tpu.wait_dma2 semaphore(%arg18 : memref<!tpu.dma_semaphore, #tpu.memory_space<semaphore_mem>>) src(%dma_wait3A_444 : memref<64x128xf32, #tpu.memory_space<hbm>>) dst(%dma_wait3A_441 : memref<64x128xf32, #tpu.memory_space<vmem>>)
      %dma_wait3A_445 = arith.constant 2 : i32
      %dma_wait3A_446 = arith.constant 0 : i32
      %dma_wait3A_447 = arith.constant 0 : i32
      %dma_wait3A_448 = tpu.memref_slice %arg12[%dma_wait3A_445, %dma_wait3A_446, %dma_wait3A_447] : memref<3x64x128xf32, #tpu.memory_space<vmem>> -> memref<1x64x128xf32, #tpu.memory_space<vmem>>
      %dma_wait3A_449 = tpu.memref_squeeze %dma_wait3A_448 : memref<1x64x128xf32, #tpu.memory_space<vmem>> -> memref<64x128xf32, #tpu.memory_space<vmem>>
      %dma_wait3A_450 = arith.constant 0 : i32
      %dma_wait3A_451 = arith.constant 0 : i32
      %dma_wait3A_452 = tpu.memref_slice %arg3[%dma_wait3A_450, %dma_wait3A_451] : memref<147456x128xf32, #tpu.memory_space<hbm>> -> memref<64x128xf32, #tpu.memory_space<hbm>>
      %dma_wait3A_453 = arith.constant 0 : i32
      %dma_wait3A_454 = arith.constant 0 : i32
      %dma_wait3A_455 = tpu.memref_slice %arg12[%dma_wait3A_445, %dma_wait3A_453, %dma_wait3A_454] : memref<3x64x128xf32, #tpu.memory_space<vmem>> -> memref<1x64x128xf32, #tpu.memory_space<vmem>>
      %dma_wait3A_456 = tpu.memref_squeeze %dma_wait3A_455 : memref<1x64x128xf32, #tpu.memory_space<vmem>> -> memref<64x128xf32, #tpu.memory_space<vmem>>
      %dma_wait3A_457 = arith.constant 0 : i32
      %dma_wait3A_458 = arith.constant 0 : i32
      %dma_wait3A_459 = tpu.memref_slice %arg3[%dma_wait3A_457, %dma_wait3A_458] : memref<147456x128xf32, #tpu.memory_space<hbm>> -> memref<64x128xf32, #tpu.memory_space<hbm>>
      tpu.wait_dma2 semaphore(%arg18 : memref<!tpu.dma_semaphore, #tpu.memory_space<semaphore_mem>>) src(%dma_wait3A_459 : memref<64x128xf32, #tpu.memory_space<hbm>>) dst(%dma_wait3A_456 : memref<64x128xf32, #tpu.memory_space<vmem>>)
      %dma_wait3A_460 = arith.constant 2 : i32
      %dma_wait3A_461 = arith.constant 0 : i32
      %dma_wait3A_462 = arith.constant 0 : i32
      %dma_wait3A_463 = tpu.memref_slice %arg13[%dma_wait3A_460, %dma_wait3A_461, %dma_wait3A_462] : memref<3x64x128xf32, #tpu.memory_space<vmem>> -> memref<1x64x128xf32, #tpu.memory_space<vmem>>
      %dma_wait3A_464 = tpu.memref_squeeze %dma_wait3A_463 : memref<1x64x128xf32, #tpu.memory_space<vmem>> -> memref<64x128xf32, #tpu.memory_space<vmem>>
      %dma_wait3A_465 = arith.constant 0 : i32
      %dma_wait3A_466 = arith.constant 0 : i32
      %dma_wait3A_467 = tpu.memref_slice %arg4[%dma_wait3A_465, %dma_wait3A_466] : memref<147456x128xf32, #tpu.memory_space<hbm>> -> memref<64x128xf32, #tpu.memory_space<hbm>>
      %dma_wait3A_468 = arith.constant 0 : i32
      %dma_wait3A_469 = arith.constant 0 : i32
      %dma_wait3A_470 = tpu.memref_slice %arg13[%dma_wait3A_460, %dma_wait3A_468, %dma_wait3A_469] : memref<3x64x128xf32, #tpu.memory_space<vmem>> -> memref<1x64x128xf32, #tpu.memory_space<vmem>>
      %dma_wait3A_471 = tpu.memref_squeeze %dma_wait3A_470 : memref<1x64x128xf32, #tpu.memory_space<vmem>> -> memref<64x128xf32, #tpu.memory_space<vmem>>
      %dma_wait3A_472 = arith.constant 0 : i32
      %dma_wait3A_473 = arith.constant 0 : i32
      %dma_wait3A_474 = tpu.memref_slice %arg4[%dma_wait3A_472, %dma_wait3A_473] : memref<147456x128xf32, #tpu.memory_space<hbm>> -> memref<64x128xf32, #tpu.memory_space<hbm>>
      tpu.wait_dma2 semaphore(%arg18 : memref<!tpu.dma_semaphore, #tpu.memory_space<semaphore_mem>>) src(%dma_wait3A_474 : memref<64x128xf32, #tpu.memory_space<hbm>>) dst(%dma_wait3A_471 : memref<64x128xf32, #tpu.memory_space<vmem>>)
      %dma_wait3A_475 = arith.constant 2 : i32
      %dma_wait3A_476 = arith.constant 0 : i32
      %dma_wait3A_477 = arith.constant 0 : i32
      %dma_wait3A_478 = tpu.memref_slice %arg14[%dma_wait3A_475, %dma_wait3A_476, %dma_wait3A_477] : memref<3x64x128xf32, #tpu.memory_space<vmem>> -> memref<1x64x128xf32, #tpu.memory_space<vmem>>
      %dma_wait3A_479 = tpu.memref_squeeze %dma_wait3A_478 : memref<1x64x128xf32, #tpu.memory_space<vmem>> -> memref<64x128xf32, #tpu.memory_space<vmem>>
      %dma_wait3A_480 = arith.constant 0 : i32
      %dma_wait3A_481 = arith.constant 0 : i32
      %dma_wait3A_482 = tpu.memref_slice %arg5[%dma_wait3A_480, %dma_wait3A_481] : memref<147456x128xf32, #tpu.memory_space<hbm>> -> memref<64x128xf32, #tpu.memory_space<hbm>>
      %dma_wait3A_483 = arith.constant 0 : i32
      %dma_wait3A_484 = arith.constant 0 : i32
      %dma_wait3A_485 = tpu.memref_slice %arg14[%dma_wait3A_475, %dma_wait3A_483, %dma_wait3A_484] : memref<3x64x128xf32, #tpu.memory_space<vmem>> -> memref<1x64x128xf32, #tpu.memory_space<vmem>>
      %dma_wait3A_486 = tpu.memref_squeeze %dma_wait3A_485 : memref<1x64x128xf32, #tpu.memory_space<vmem>> -> memref<64x128xf32, #tpu.memory_space<vmem>>
      %dma_wait3A_487 = arith.constant 0 : i32
      %dma_wait3A_488 = arith.constant 0 : i32
      %dma_wait3A_489 = tpu.memref_slice %arg5[%dma_wait3A_487, %dma_wait3A_488] : memref<147456x128xf32, #tpu.memory_space<hbm>> -> memref<64x128xf32, #tpu.memory_space<hbm>>
      tpu.wait_dma2 semaphore(%arg18 : memref<!tpu.dma_semaphore, #tpu.memory_space<semaphore_mem>>) src(%dma_wait3A_489 : memref<64x128xf32, #tpu.memory_space<hbm>>) dst(%dma_wait3A_486 : memref<64x128xf32, #tpu.memory_space<vmem>>)
      %add3A_490 = arith.constant 2 : i32
      %add3A_491 = arith.addi %mul3A_176, %add3A_490 : i32
      %mul3A_492 = arith.constant 64 : i32
      %mul3A_493 = arith.muli %add3A_491, %mul3A_492 : i32
      %add3A_494 = arith.addi %mul3A_2, %mul3A_493 : i32
      %lt3A_495 = arith.constant 1024 : i32
      %lt3A_496 = arith.cmpi slt, %add3A_494, %lt3A_495 : i32
      %jit3A_497 = arith.constant 1.000000e+00 : f32
      %jit3A_498 = arith.constant 0.000000e+00 : f32
      %select_n3A_499 = arith.select %lt3A_496, %jit3A_497, %jit3A_498 : f32
      %broadcast_in_dim3A_500 = vector.broadcast %select_n3A_499 : f32 to vector<16xf32>
      %ge3A_501 = arith.constant 1024 : i32
      %ge3A_502 = arith.cmpi sge, %add3A_494, %ge3A_501 : i32
      %lt3A_503 = arith.constant 154624 : i32
      %lt3A_504 = arith.cmpi slt, %add3A_494, %lt3A_503 : i32
      %and3A_505 = arith.andi %ge3A_502, %lt3A_504 : i1
      %jit3A_506 = arith.constant 1.000000e+00 : f32
      %jit3A_507 = arith.constant 0.000000e+00 : f32
      %select_n3A_508 = arith.select %and3A_505, %jit3A_506, %jit3A_507 : f32
      %broadcast_in_dim3A_509 = vector.broadcast %select_n3A_508 : f32 to vector<16xf32>
      %scan3A_510 = arith.constant 0 : i32
      %scan3A_511 = arith.constant 64 : i32
      %scan3A_512 = arith.addi %scan3A_510, %scan3A_511 : i32
      %scan3A_513 = arith.constant 1 : i32
      %scan3A_514:2 = scf.for %scan3A_516 = %scan3A_510 to %scan3A_512 step %scan3A_513 iter_args(%scan3A_517 = %scan3A_425#0, %scan3A_518 = %scan3A_425#1) -> (vector<16xf32>, vector<16xf32>)  : i32 {
        %get3A = arith.constant 2 : i32
        %get3A_519 = arith.index_cast %get3A : i32 to index
        %get3A_520 = arith.index_cast %scan3A_516 : i32 to index
        %get3A_521 = arith.constant 0 : index
        %get3A_522 = tpu.vector_load %arg11[%get3A_519, %get3A_520, %get3A_521] {strides = array<i32>} : memref<3x64x128xf32, #tpu.memory_space<vmem>>, vector<16xf32>,
        %get3A_523 = arith.constant 2 : i32
        %get3A_524 = arith.index_cast %get3A_523 : i32 to index
        %get3A_525 = arith.index_cast %scan3A_516 : i32 to index
        %get3A_526 = arith.constant 0 : index
        %get3A_527 = tpu.vector_load %arg13[%get3A_524, %get3A_525, %get3A_526] {strides = array<i32>} : memref<3x64x128xf32, #tpu.memory_space<vmem>>, vector<16xf32>,
        %bitcast3A = vector.bitcast %get3A_522 : vector<16xf32> to vector<32xbf16>
        %bitcast3A_528 = vector.bitcast %get3A_527 : vector<16xf32> to vector<32xbf16>
        %sub3A = arith.subf %bitcast3A, %bitcast3A_528 : vector<32xbf16>
        %unpack3A = tpu.unpack_subelements %sub3A, 0 {pack_format = #tpu.pack_format<interleaved>} : vector<32xbf16> -> vector<16xf32>
        %unpack3A_529 = tpu.unpack_subelements %sub3A, 1 {pack_format = #tpu.pack_format<interleaved>} : vector<32xbf16> -> vector<16xf32>
        %mul3A_530 = arith.mulf %unpack3A, %unpack3A : vector<16xf32>
        %add3A_531 = arith.addf %broadcast_in_dim3A_3, %mul3A_530 : vector<16xf32>
        %mul3A_532 = arith.mulf %unpack3A_529, %unpack3A_529 : vector<16xf32>
        %add3A_533 = arith.addf %broadcast_in_dim3A_3, %mul3A_532 : vector<16xf32>
        %get3A_534 = arith.constant 2 : i32
        %get3A_535 = arith.index_cast %get3A_534 : i32 to index
        %get3A_536 = arith.index_cast %scan3A_516 : i32 to index
        %get3A_537 = arith.constant 16 : index
        %get3A_538 = tpu.vector_load %arg11[%get3A_535, %get3A_536, %get3A_537] {strides = array<i32>} : memref<3x64x128xf32, #tpu.memory_space<vmem>>, vector<16xf32>,
        %get3A_539 = arith.constant 2 : i32
        %get3A_540 = arith.index_cast %get3A_539 : i32 to index
        %get3A_541 = arith.index_cast %scan3A_516 : i32 to index
        %get3A_542 = arith.constant 16 : index
        %get3A_543 = tpu.vector_load %arg13[%get3A_540, %get3A_541, %get3A_542] {strides = array<i32>} : memref<3x64x128xf32, #tpu.memory_space<vmem>>, vector<16xf32>,
        %bitcast3A_544 = vector.bitcast %get3A_538 : vector<16xf32> to vector<32xbf16>
        %bitcast3A_545 = vector.bitcast %get3A_543 : vector<16xf32> to vector<32xbf16>
        %sub3A_546 = arith.subf %bitcast3A_544, %bitcast3A_545 : vector<32xbf16>
        %unpack3A_547 = tpu.unpack_subelements %sub3A_546, 0 {pack_format = #tpu.pack_format<interleaved>} : vector<32xbf16> -> vector<16xf32>
        %unpack3A_548 = tpu.unpack_subelements %sub3A_546, 1 {pack_format = #tpu.pack_format<interleaved>} : vector<32xbf16> -> vector<16xf32>
        %mul3A_549 = arith.mulf %unpack3A_547, %unpack3A_547 : vector<16xf32>
        %add3A_550 = arith.addf %broadcast_in_dim3A_3, %mul3A_549 : vector<16xf32>
        %mul3A_551 = arith.mulf %unpack3A_548, %unpack3A_548 : vector<16xf32>
        %add3A_552 = arith.addf %broadcast_in_dim3A_3, %mul3A_551 : vector<16xf32>
        %get3A_553 = arith.constant 2 : i32
        %get3A_554 = arith.index_cast %get3A_553 : i32 to index
        %get3A_555 = arith.index_cast %scan3A_516 : i32 to index
        %get3A_556 = arith.constant 32 : index
        %get3A_557 = tpu.vector_load %arg11[%get3A_554, %get3A_555, %get3A_556] {strides = array<i32>} : memref<3x64x128xf32, #tpu.memory_space<vmem>>, vector<16xf32>,
        %get3A_558 = arith.constant 2 : i32
        %get3A_559 = arith.index_cast %get3A_558 : i32 to index
        %get3A_560 = arith.index_cast %scan3A_516 : i32 to index
        %get3A_561 = arith.constant 32 : index
        %get3A_562 = tpu.vector_load %arg13[%get3A_559, %get3A_560, %get3A_561] {strides = array<i32>} : memref<3x64x128xf32, #tpu.memory_space<vmem>>, vector<16xf32>,
        %bitcast3A_563 = vector.bitcast %get3A_557 : vector<16xf32> to vector<32xbf16>
        %bitcast3A_564 = vector.bitcast %get3A_562 : vector<16xf32> to vector<32xbf16>
        %sub3A_565 = arith.subf %bitcast3A_563, %bitcast3A_564 : vector<32xbf16>
        %unpack3A_566 = tpu.unpack_subelements %sub3A_565, 0 {pack_format = #tpu.pack_format<interleaved>} : vector<32xbf16> -> vector<16xf32>
        %unpack3A_567 = tpu.unpack_subelements %sub3A_565, 1 {pack_format = #tpu.pack_format<interleaved>} : vector<32xbf16> -> vector<16xf32>
        %mul3A_568 = arith.mulf %unpack3A_566, %unpack3A_566 : vector<16xf32>
        %add3A_569 = arith.addf %add3A_531, %mul3A_568 : vector<16xf32>
        %mul3A_570 = arith.mulf %unpack3A_567, %unpack3A_567 : vector<16xf32>
        %add3A_571 = arith.addf %add3A_533, %mul3A_570 : vector<16xf32>
        %get3A_572 = arith.constant 2 : i32
        %get3A_573 = arith.index_cast %get3A_572 : i32 to index
        %get3A_574 = arith.index_cast %scan3A_516 : i32 to index
        %get3A_575 = arith.constant 48 : index
        %get3A_576 = tpu.vector_load %arg11[%get3A_573, %get3A_574, %get3A_575] {strides = array<i32>} : memref<3x64x128xf32, #tpu.memory_space<vmem>>, vector<16xf32>,
        %get3A_577 = arith.constant 2 : i32
        %get3A_578 = arith.index_cast %get3A_577 : i32 to index
        %get3A_579 = arith.index_cast %scan3A_516 : i32 to index
        %get3A_580 = arith.constant 48 : index
        %get3A_581 = tpu.vector_load %arg13[%get3A_578, %get3A_579, %get3A_580] {strides = array<i32>} : memref<3x64x128xf32, #tpu.memory_space<vmem>>, vector<16xf32>,
        %bitcast3A_582 = vector.bitcast %get3A_576 : vector<16xf32> to vector<32xbf16>
        %bitcast3A_583 = vector.bitcast %get3A_581 : vector<16xf32> to vector<32xbf16>
        %sub3A_584 = arith.subf %bitcast3A_582, %bitcast3A_583 : vector<32xbf16>
        %unpack3A_585 = tpu.unpack_subelements %sub3A_584, 0 {pack_format = #tpu.pack_format<interleaved>} : vector<32xbf16> -> vector<16xf32>
        %unpack3A_586 = tpu.unpack_subelements %sub3A_584, 1 {pack_format = #tpu.pack_format<interleaved>} : vector<32xbf16> -> vector<16xf32>
        %mul3A_587 = arith.mulf %unpack3A_585, %unpack3A_585 : vector<16xf32>
        %add3A_588 = arith.addf %add3A_550, %mul3A_587 : vector<16xf32>
        %mul3A_589 = arith.mulf %unpack3A_586, %unpack3A_586 : vector<16xf32>
        %add3A_590 = arith.addf %add3A_552, %mul3A_589 : vector<16xf32>
        %get3A_591 = arith.constant 2 : i32
        %get3A_592 = arith.index_cast %get3A_591 : i32 to index
        %get3A_593 = arith.index_cast %scan3A_516 : i32 to index
        %get3A_594 = arith.constant 64 : index
        %get3A_595 = tpu.vector_load %arg11[%get3A_592, %get3A_593, %get3A_594] {strides = array<i32>} : memref<3x64x128xf32, #tpu.memory_space<vmem>>, vector<16xf32>,
        %get3A_596 = arith.constant 2 : i32
        %get3A_597 = arith.index_cast %get3A_596 : i32 to index
        %get3A_598 = arith.index_cast %scan3A_516 : i32 to index
        %get3A_599 = arith.constant 64 : index
        %get3A_600 = tpu.vector_load %arg13[%get3A_597, %get3A_598, %get3A_599] {strides = array<i32>} : memref<3x64x128xf32, #tpu.memory_space<vmem>>, vector<16xf32>,
        %bitcast3A_601 = vector.bitcast %get3A_595 : vector<16xf32> to vector<32xbf16>
        %bitcast3A_602 = vector.bitcast %get3A_600 : vector<16xf32> to vector<32xbf16>
        %sub3A_603 = arith.subf %bitcast3A_601, %bitcast3A_602 : vector<32xbf16>
        %unpack3A_604 = tpu.unpack_subelements %sub3A_603, 0 {pack_format = #tpu.pack_format<interleaved>} : vector<32xbf16> -> vector<16xf32>
        %unpack3A_605 = tpu.unpack_subelements %sub3A_603, 1 {pack_format = #tpu.pack_format<interleaved>} : vector<32xbf16> -> vector<16xf32>
        %mul3A_606 = arith.mulf %unpack3A_604, %unpack3A_604 : vector<16xf32>
        %add3A_607 = arith.addf %add3A_569, %mul3A_606 : vector<16xf32>
        %mul3A_608 = arith.mulf %unpack3A_605, %unpack3A_605 : vector<16xf32>
        %add3A_609 = arith.addf %add3A_571, %mul3A_608 : vector<16xf32>
        %get3A_610 = arith.constant 2 : i32
        %get3A_611 = arith.index_cast %get3A_610 : i32 to index
        %get3A_612 = arith.index_cast %scan3A_516 : i32 to index
        %get3A_613 = arith.constant 80 : index
        %get3A_614 = tpu.vector_load %arg11[%get3A_611, %get3A_612, %get3A_613] {strides = array<i32>} : memref<3x64x128xf32, #tpu.memory_space<vmem>>, vector<16xf32>,
        %get3A_615 = arith.constant 2 : i32
        %get3A_616 = arith.index_cast %get3A_615 : i32 to index
        %get3A_617 = arith.index_cast %scan3A_516 : i32 to index
        %get3A_618 = arith.constant 80 : index
        %get3A_619 = tpu.vector_load %arg13[%get3A_616, %get3A_617, %get3A_618] {strides = array<i32>} : memref<3x64x128xf32, #tpu.memory_space<vmem>>, vector<16xf32>,
        %bitcast3A_620 = vector.bitcast %get3A_614 : vector<16xf32> to vector<32xbf16>
        %bitcast3A_621 = vector.bitcast %get3A_619 : vector<16xf32> to vector<32xbf16>
        %sub3A_622 = arith.subf %bitcast3A_620, %bitcast3A_621 : vector<32xbf16>
        %unpack3A_623 = tpu.unpack_subelements %sub3A_622, 0 {pack_format = #tpu.pack_format<interleaved>} : vector<32xbf16> -> vector<16xf32>
        %unpack3A_624 = tpu.unpack_subelements %sub3A_622, 1 {pack_format = #tpu.pack_format<interleaved>} : vector<32xbf16> -> vector<16xf32>
        %mul3A_625 = arith.mulf %unpack3A_623, %unpack3A_623 : vector<16xf32>
        %add3A_626 = arith.addf %add3A_588, %mul3A_625 : vector<16xf32>
        %mul3A_627 = arith.mulf %unpack3A_624, %unpack3A_624 : vector<16xf32>
        %add3A_628 = arith.addf %add3A_590, %mul3A_627 : vector<16xf32>
        %get3A_629 = arith.constant 2 : i32
        %get3A_630 = arith.index_cast %get3A_629 : i32 to index
        %get3A_631 = arith.index_cast %scan3A_516 : i32 to index
        %get3A_632 = arith.constant 96 : index
        %get3A_633 = tpu.vector_load %arg11[%get3A_630, %get3A_631, %get3A_632] {strides = array<i32>} : memref<3x64x128xf32, #tpu.memory_space<vmem>>, vector<16xf32>,
        %get3A_634 = arith.constant 2 : i32
        %get3A_635 = arith.index_cast %get3A_634 : i32 to index
        %get3A_636 = arith.index_cast %scan3A_516 : i32 to index
        %get3A_637 = arith.constant 96 : index
        %get3A_638 = tpu.vector_load %arg13[%get3A_635, %get3A_636, %get3A_637] {strides = array<i32>} : memref<3x64x128xf32, #tpu.memory_space<vmem>>, vector<16xf32>,
        %bitcast3A_639 = vector.bitcast %get3A_633 : vector<16xf32> to vector<32xbf16>
        %bitcast3A_640 = vector.bitcast %get3A_638 : vector<16xf32> to vector<32xbf16>
        %sub3A_641 = arith.subf %bitcast3A_639, %bitcast3A_640 : vector<32xbf16>
        %unpack3A_642 = tpu.unpack_subelements %sub3A_641, 0 {pack_format = #tpu.pack_format<interleaved>} : vector<32xbf16> -> vector<16xf32>
        %unpack3A_643 = tpu.unpack_subelements %sub3A_641, 1 {pack_format = #tpu.pack_format<interleaved>} : vector<32xbf16> -> vector<16xf32>
        %mul3A_644 = arith.mulf %unpack3A_642, %unpack3A_642 : vector<16xf32>
        %add3A_645 = arith.addf %add3A_607, %mul3A_644 : vector<16xf32>
        %mul3A_646 = arith.mulf %unpack3A_643, %unpack3A_643 : vector<16xf32>
        %add3A_647 = arith.addf %add3A_609, %mul3A_646 : vector<16xf32>
        %get3A_648 = arith.constant 2 : i32
        %get3A_649 = arith.index_cast %get3A_648 : i32 to index
        %get3A_650 = arith.index_cast %scan3A_516 : i32 to index
        %get3A_651 = arith.constant 112 : index
        %get3A_652 = tpu.vector_load %arg11[%get3A_649, %get3A_650, %get3A_651] {strides = array<i32>} : memref<3x64x128xf32, #tpu.memory_space<vmem>>, vector<16xf32>,
        %get3A_653 = arith.constant 2 : i32
        %get3A_654 = arith.index_cast %get3A_653 : i32 to index
        %get3A_655 = arith.index_cast %scan3A_516 : i32 to index
        %get3A_656 = arith.constant 112 : index
        %get3A_657 = tpu.vector_load %arg13[%get3A_654, %get3A_655, %get3A_656] {strides = array<i32>} : memref<3x64x128xf32, #tpu.memory_space<vmem>>, vector<16xf32>,
        %bitcast3A_658 = vector.bitcast %get3A_652 : vector<16xf32> to vector<32xbf16>
        %bitcast3A_659 = vector.bitcast %get3A_657 : vector<16xf32> to vector<32xbf16>
        %sub3A_660 = arith.subf %bitcast3A_658, %bitcast3A_659 : vector<32xbf16>
        %unpack3A_661 = tpu.unpack_subelements %sub3A_660, 0 {pack_format = #tpu.pack_format<interleaved>} : vector<32xbf16> -> vector<16xf32>
        %unpack3A_662 = tpu.unpack_subelements %sub3A_660, 1 {pack_format = #tpu.pack_format<interleaved>} : vector<32xbf16> -> vector<16xf32>
        %mul3A_663 = arith.mulf %unpack3A_661, %unpack3A_661 : vector<16xf32>
        %add3A_664 = arith.addf %add3A_626, %mul3A_663 : vector<16xf32>
        %mul3A_665 = arith.mulf %unpack3A_662, %unpack3A_662 : vector<16xf32>
        %add3A_666 = arith.addf %add3A_628, %mul3A_665 : vector<16xf32>
        %get3A_667 = arith.constant 2 : i32
        %get3A_668 = arith.index_cast %get3A_667 : i32 to index
        %get3A_669 = arith.index_cast %scan3A_516 : i32 to index
        %get3A_670 = arith.constant 0 : index
        %get3A_671 = tpu.vector_load %arg12[%get3A_668, %get3A_669, %get3A_670] {strides = array<i32>} : memref<3x64x128xf32, #tpu.memory_space<vmem>>, vector<16xf32>,
        %get3A_672 = arith.constant 2 : i32
        %get3A_673 = arith.index_cast %get3A_672 : i32 to index
        %get3A_674 = arith.index_cast %scan3A_516 : i32 to index
        %get3A_675 = arith.constant 0 : index
        %get3A_676 = tpu.vector_load %arg14[%get3A_673, %get3A_674, %get3A_675] {strides = array<i32>} : memref<3x64x128xf32, #tpu.memory_space<vmem>>, vector<16xf32>,
        %bitcast3A_677 = vector.bitcast %get3A_671 : vector<16xf32> to vector<32xbf16>
        %bitcast3A_678 = vector.bitcast %get3A_676 : vector<16xf32> to vector<32xbf16>
        %sub3A_679 = arith.subf %bitcast3A_677, %bitcast3A_678 : vector<32xbf16>
        %unpack3A_680 = tpu.unpack_subelements %sub3A_679, 0 {pack_format = #tpu.pack_format<interleaved>} : vector<32xbf16> -> vector<16xf32>
        %unpack3A_681 = tpu.unpack_subelements %sub3A_679, 1 {pack_format = #tpu.pack_format<interleaved>} : vector<32xbf16> -> vector<16xf32>
        %mul3A_682 = arith.mulf %unpack3A_680, %unpack3A_680 : vector<16xf32>
        %add3A_683 = arith.addf %add3A_645, %mul3A_682 : vector<16xf32>
        %mul3A_684 = arith.mulf %unpack3A_681, %unpack3A_681 : vector<16xf32>
        %add3A_685 = arith.addf %add3A_647, %mul3A_684 : vector<16xf32>
        %get3A_686 = arith.constant 2 : i32
        %get3A_687 = arith.index_cast %get3A_686 : i32 to index
        %get3A_688 = arith.index_cast %scan3A_516 : i32 to index
        %get3A_689 = arith.constant 16 : index
        %get3A_690 = tpu.vector_load %arg12[%get3A_687, %get3A_688, %get3A_689] {strides = array<i32>} : memref<3x64x128xf32, #tpu.memory_space<vmem>>, vector<16xf32>,
        %get3A_691 = arith.constant 2 : i32
        %get3A_692 = arith.index_cast %get3A_691 : i32 to index
        %get3A_693 = arith.index_cast %scan3A_516 : i32 to index
        %get3A_694 = arith.constant 16 : index
        %get3A_695 = tpu.vector_load %arg14[%get3A_692, %get3A_693, %get3A_694] {strides = array<i32>} : memref<3x64x128xf32, #tpu.memory_space<vmem>>, vector<16xf32>,
        %bitcast3A_696 = vector.bitcast %get3A_690 : vector<16xf32> to vector<32xbf16>
        %bitcast3A_697 = vector.bitcast %get3A_695 : vector<16xf32> to vector<32xbf16>
        %sub3A_698 = arith.subf %bitcast3A_696, %bitcast3A_697 : vector<32xbf16>
        %unpack3A_699 = tpu.unpack_subelements %sub3A_698, 0 {pack_format = #tpu.pack_format<interleaved>} : vector<32xbf16> -> vector<16xf32>
        %unpack3A_700 = tpu.unpack_subelements %sub3A_698, 1 {pack_format = #tpu.pack_format<interleaved>} : vector<32xbf16> -> vector<16xf32>
        %mul3A_701 = arith.mulf %unpack3A_699, %unpack3A_699 : vector<16xf32>
        %add3A_702 = arith.addf %add3A_664, %mul3A_701 : vector<16xf32>
        %mul3A_703 = arith.mulf %unpack3A_700, %unpack3A_700 : vector<16xf32>
        %add3A_704 = arith.addf %add3A_666, %mul3A_703 : vector<16xf32>
        %get3A_705 = arith.constant 2 : i32
        %get3A_706 = arith.index_cast %get3A_705 : i32 to index
        %get3A_707 = arith.index_cast %scan3A_516 : i32 to index
        %get3A_708 = arith.constant 32 : index
        %get3A_709 = tpu.vector_load %arg12[%get3A_706, %get3A_707, %get3A_708] {strides = array<i32>} : memref<3x64x128xf32, #tpu.memory_space<vmem>>, vector<16xf32>,
        %get3A_710 = arith.constant 2 : i32
        %get3A_711 = arith.index_cast %get3A_710 : i32 to index
        %get3A_712 = arith.index_cast %scan3A_516 : i32 to index
        %get3A_713 = arith.constant 32 : index
        %get3A_714 = tpu.vector_load %arg14[%get3A_711, %get3A_712, %get3A_713] {strides = array<i32>} : memref<3x64x128xf32, #tpu.memory_space<vmem>>, vector<16xf32>,
        %bitcast3A_715 = vector.bitcast %get3A_709 : vector<16xf32> to vector<32xbf16>
        %bitcast3A_716 = vector.bitcast %get3A_714 : vector<16xf32> to vector<32xbf16>
        %sub3A_717 = arith.subf %bitcast3A_715, %bitcast3A_716 : vector<32xbf16>
        %unpack3A_718 = tpu.unpack_subelements %sub3A_717, 0 {pack_format = #tpu.pack_format<interleaved>} : vector<32xbf16> -> vector<16xf32>
        %unpack3A_719 = tpu.unpack_subelements %sub3A_717, 1 {pack_format = #tpu.pack_format<interleaved>} : vector<32xbf16> -> vector<16xf32>
        %mul3A_720 = arith.mulf %unpack3A_718, %unpack3A_718 : vector<16xf32>
        %add3A_721 = arith.addf %add3A_683, %mul3A_720 : vector<16xf32>
        %mul3A_722 = arith.mulf %unpack3A_719, %unpack3A_719 : vector<16xf32>
        %add3A_723 = arith.addf %add3A_685, %mul3A_722 : vector<16xf32>
        %get3A_724 = arith.constant 2 : i32
        %get3A_725 = arith.index_cast %get3A_724 : i32 to index
        %get3A_726 = arith.index_cast %scan3A_516 : i32 to index
        %get3A_727 = arith.constant 48 : index
        %get3A_728 = tpu.vector_load %arg12[%get3A_725, %get3A_726, %get3A_727] {strides = array<i32>} : memref<3x64x128xf32, #tpu.memory_space<vmem>>, vector<16xf32>,
        %get3A_729 = arith.constant 2 : i32
        %get3A_730 = arith.index_cast %get3A_729 : i32 to index
        %get3A_731 = arith.index_cast %scan3A_516 : i32 to index
        %get3A_732 = arith.constant 48 : index
        %get3A_733 = tpu.vector_load %arg14[%get3A_730, %get3A_731, %get3A_732] {strides = array<i32>} : memref<3x64x128xf32, #tpu.memory_space<vmem>>, vector<16xf32>,
        %bitcast3A_734 = vector.bitcast %get3A_728 : vector<16xf32> to vector<32xbf16>
        %bitcast3A_735 = vector.bitcast %get3A_733 : vector<16xf32> to vector<32xbf16>
        %sub3A_736 = arith.subf %bitcast3A_734, %bitcast3A_735 : vector<32xbf16>
        %unpack3A_737 = tpu.unpack_subelements %sub3A_736, 0 {pack_format = #tpu.pack_format<interleaved>} : vector<32xbf16> -> vector<16xf32>
        %unpack3A_738 = tpu.unpack_subelements %sub3A_736, 1 {pack_format = #tpu.pack_format<interleaved>} : vector<32xbf16> -> vector<16xf32>
        %mul3A_739 = arith.mulf %unpack3A_737, %unpack3A_737 : vector<16xf32>
        %add3A_740 = arith.addf %add3A_702, %mul3A_739 : vector<16xf32>
        %mul3A_741 = arith.mulf %unpack3A_738, %unpack3A_738 : vector<16xf32>
        %add3A_742 = arith.addf %add3A_704, %mul3A_741 : vector<16xf32>
        %get3A_743 = arith.constant 2 : i32
        %get3A_744 = arith.index_cast %get3A_743 : i32 to index
        %get3A_745 = arith.index_cast %scan3A_516 : i32 to index
        %get3A_746 = arith.constant 64 : index
        %get3A_747 = tpu.vector_load %arg12[%get3A_744, %get3A_745, %get3A_746] {strides = array<i32>} : memref<3x64x128xf32, #tpu.memory_space<vmem>>, vector<16xf32>,
        %get3A_748 = arith.constant 2 : i32
        %get3A_749 = arith.index_cast %get3A_748 : i32 to index
        %get3A_750 = arith.index_cast %scan3A_516 : i32 to index
        %get3A_751 = arith.constant 64 : index
        %get3A_752 = tpu.vector_load %arg14[%get3A_749, %get3A_750, %get3A_751] {strides = array<i32>} : memref<3x64x128xf32, #tpu.memory_space<vmem>>, vector<16xf32>,
        %bitcast3A_753 = vector.bitcast %get3A_747 : vector<16xf32> to vector<32xbf16>
        %bitcast3A_754 = vector.bitcast %get3A_752 : vector<16xf32> to vector<32xbf16>
        %sub3A_755 = arith.subf %bitcast3A_753, %bitcast3A_754 : vector<32xbf16>
        %unpack3A_756 = tpu.unpack_subelements %sub3A_755, 0 {pack_format = #tpu.pack_format<interleaved>} : vector<32xbf16> -> vector<16xf32>
        %unpack3A_757 = tpu.unpack_subelements %sub3A_755, 1 {pack_format = #tpu.pack_format<interleaved>} : vector<32xbf16> -> vector<16xf32>
        %mul3A_758 = arith.mulf %unpack3A_756, %unpack3A_756 : vector<16xf32>
        %add3A_759 = arith.addf %add3A_721, %mul3A_758 : vector<16xf32>
        %mul3A_760 = arith.mulf %unpack3A_757, %unpack3A_757 : vector<16xf32>
        %add3A_761 = arith.addf %add3A_723, %mul3A_760 : vector<16xf32>
        %get3A_762 = arith.constant 2 : i32
        %get3A_763 = arith.index_cast %get3A_762 : i32 to index
        %get3A_764 = arith.index_cast %scan3A_516 : i32 to index
        %get3A_765 = arith.constant 80 : index
        %get3A_766 = tpu.vector_load %arg12[%get3A_763, %get3A_764, %get3A_765] {strides = array<i32>} : memref<3x64x128xf32, #tpu.memory_space<vmem>>, vector<16xf32>,
        %get3A_767 = arith.constant 2 : i32
        %get3A_768 = arith.index_cast %get3A_767 : i32 to index
        %get3A_769 = arith.index_cast %scan3A_516 : i32 to index
        %get3A_770 = arith.constant 80 : index
        %get3A_771 = tpu.vector_load %arg14[%get3A_768, %get3A_769, %get3A_770] {strides = array<i32>} : memref<3x64x128xf32, #tpu.memory_space<vmem>>, vector<16xf32>,
        %bitcast3A_772 = vector.bitcast %get3A_766 : vector<16xf32> to vector<32xbf16>
        %bitcast3A_773 = vector.bitcast %get3A_771 : vector<16xf32> to vector<32xbf16>
        %sub3A_774 = arith.subf %bitcast3A_772, %bitcast3A_773 : vector<32xbf16>
        %unpack3A_775 = tpu.unpack_subelements %sub3A_774, 0 {pack_format = #tpu.pack_format<interleaved>} : vector<32xbf16> -> vector<16xf32>
        %unpack3A_776 = tpu.unpack_subelements %sub3A_774, 1 {pack_format = #tpu.pack_format<interleaved>} : vector<32xbf16> -> vector<16xf32>
        %mul3A_777 = arith.mulf %unpack3A_775, %unpack3A_775 : vector<16xf32>
        %add3A_778 = arith.addf %add3A_740, %mul3A_777 : vector<16xf32>
        %mul3A_779 = arith.mulf %unpack3A_776, %unpack3A_776 : vector<16xf32>
        %add3A_780 = arith.addf %add3A_742, %mul3A_779 : vector<16xf32>
        %get3A_781 = arith.constant 2 : i32
        %get3A_782 = arith.index_cast %get3A_781 : i32 to index
        %get3A_783 = arith.index_cast %scan3A_516 : i32 to index
        %get3A_784 = arith.constant 96 : index
        %get3A_785 = tpu.vector_load %arg12[%get3A_782, %get3A_783, %get3A_784] {strides = array<i32>} : memref<3x64x128xf32, #tpu.memory_space<vmem>>, vector<16xf32>,
        %get3A_786 = arith.constant 2 : i32
        %get3A_787 = arith.index_cast %get3A_786 : i32 to index
        %get3A_788 = arith.index_cast %scan3A_516 : i32 to index
        %get3A_789 = arith.constant 96 : index
        %get3A_790 = tpu.vector_load %arg14[%get3A_787, %get3A_788, %get3A_789] {strides = array<i32>} : memref<3x64x128xf32, #tpu.memory_space<vmem>>, vector<16xf32>,
        %bitcast3A_791 = vector.bitcast %get3A_785 : vector<16xf32> to vector<32xbf16>
        %bitcast3A_792 = vector.bitcast %get3A_790 : vector<16xf32> to vector<32xbf16>
        %sub3A_793 = arith.subf %bitcast3A_791, %bitcast3A_792 : vector<32xbf16>
        %unpack3A_794 = tpu.unpack_subelements %sub3A_793, 0 {pack_format = #tpu.pack_format<interleaved>} : vector<32xbf16> -> vector<16xf32>
        %unpack3A_795 = tpu.unpack_subelements %sub3A_793, 1 {pack_format = #tpu.pack_format<interleaved>} : vector<32xbf16> -> vector<16xf32>
        %mul3A_796 = arith.mulf %unpack3A_794, %unpack3A_794 : vector<16xf32>
        %add3A_797 = arith.addf %add3A_759, %mul3A_796 : vector<16xf32>
        %mul3A_798 = arith.mulf %unpack3A_795, %unpack3A_795 : vector<16xf32>
        %add3A_799 = arith.addf %add3A_761, %mul3A_798 : vector<16xf32>
        %get3A_800 = arith.constant 2 : i32
        %get3A_801 = arith.index_cast %get3A_800 : i32 to index
        %get3A_802 = arith.index_cast %scan3A_516 : i32 to index
        %get3A_803 = arith.constant 112 : index
        %get3A_804 = tpu.vector_load %arg12[%get3A_801, %get3A_802, %get3A_803] {strides = array<i32>} : memref<3x64x128xf32, #tpu.memory_space<vmem>>, vector<16xf32>,
        %get3A_805 = arith.constant 2 : i32
        %get3A_806 = arith.index_cast %get3A_805 : i32 to index
        %get3A_807 = arith.index_cast %scan3A_516 : i32 to index
        %get3A_808 = arith.constant 112 : index
        %get3A_809 = tpu.vector_load %arg14[%get3A_806, %get3A_807, %get3A_808] {strides = array<i32>} : memref<3x64x128xf32, #tpu.memory_space<vmem>>, vector<16xf32>,
        %bitcast3A_810 = vector.bitcast %get3A_804 : vector<16xf32> to vector<32xbf16>
        %bitcast3A_811 = vector.bitcast %get3A_809 : vector<16xf32> to vector<32xbf16>
        %sub3A_812 = arith.subf %bitcast3A_810, %bitcast3A_811 : vector<32xbf16>
        %unpack3A_813 = tpu.unpack_subelements %sub3A_812, 0 {pack_format = #tpu.pack_format<interleaved>} : vector<32xbf16> -> vector<16xf32>
        %unpack3A_814 = tpu.unpack_subelements %sub3A_812, 1 {pack_format = #tpu.pack_format<interleaved>} : vector<32xbf16> -> vector<16xf32>
        %mul3A_815 = arith.mulf %unpack3A_813, %unpack3A_813 : vector<16xf32>
        %add3A_816 = arith.addf %add3A_778, %mul3A_815 : vector<16xf32>
        %mul3A_817 = arith.mulf %unpack3A_814, %unpack3A_814 : vector<16xf32>
        %add3A_818 = arith.addf %add3A_780, %mul3A_817 : vector<16xf32>
        %add3A_819 = arith.addf %add3A_797, %add3A_816 : vector<16xf32>
        %add3A_820 = arith.addf %add3A_799, %add3A_818 : vector<16xf32>
        %add3A_821 = arith.addf %add3A_819, %add3A_820 : vector<16xf32>
        %broadcast_in_dim3A_822 = arith.constant true
        %broadcast_in_dim3A_823 = vector.broadcast %broadcast_in_dim3A_822 : i1 to vector<16xi1>
        %masked_cumsum3A = tpu.scan <sum>, %add3A_821 masked %broadcast_in_dim3A_823 : vector<16xf32>, vector<16xi1> -> vector<16xf32>
        %mul3A_824 = arith.mulf %masked_cumsum3A, %broadcast_in_dim3A_500 : vector<16xf32>
        %add3A_825 = arith.addf %scan3A_517, %mul3A_824 : vector<16xf32>
        %sub3A_826 = arith.constant 5.000000e-01 : f32
        %sub3A_827 = vector.broadcast %sub3A_826 : f32 to vector<16xf32>
        %sub3A_828 = arith.subf %sub3A_827, %masked_cumsum3A : vector<16xf32>
        %max3A = arith.constant 0.000000e+00 : f32
        %max3A_829 = vector.broadcast %max3A : f32 to vector<16xf32>
        %max3A_830 = arith.maximumf %sub3A_828, %max3A_829 : vector<16xf32>
        %mul3A_831 = arith.mulf %max3A_830, %broadcast_in_dim3A_509 : vector<16xf32>
        %add3A_832 = arith.addf %scan3A_518, %mul3A_831 : vector<16xf32>
        scf.yield %add3A_825, %add3A_832 : vector<16xf32>, vector<16xf32>
      }
      %scan3A_515 = arith.constant 64 : i32
      scf.yield %scan3A_514#0, %scan3A_514#1 : vector<16xf32>, vector<16xf32>
    }
    %scan3A_87 = arith.constant 25 : i32
    %dma_wait3A = arith.constant 0 : i32
    %dma_wait3A_88 = arith.constant 0 : i32
    %dma_wait3A_89 = arith.constant 0 : i32
    %dma_wait3A_90 = tpu.memref_slice %arg11[%dma_wait3A, %dma_wait3A_88, %dma_wait3A_89] : memref<3x64x128xf32, #tpu.memory_space<vmem>> -> memref<1x64x128xf32, #tpu.memory_space<vmem>>
    %dma_wait3A_91 = tpu.memref_squeeze %dma_wait3A_90 : memref<1x64x128xf32, #tpu.memory_space<vmem>> -> memref<64x128xf32, #tpu.memory_space<vmem>>
    %dma_wait3A_92 = arith.constant 0 : i32
    %dma_wait3A_93 = arith.constant 0 : i32
    %dma_wait3A_94 = tpu.memref_slice %arg2[%dma_wait3A_92, %dma_wait3A_93] : memref<147456x128xf32, #tpu.memory_space<hbm>> -> memref<64x128xf32, #tpu.memory_space<hbm>>
    %dma_wait3A_95 = arith.constant 0 : i32
    %dma_wait3A_96 = arith.constant 0 : i32
    %dma_wait3A_97 = tpu.memref_slice %arg11[%dma_wait3A, %dma_wait3A_95, %dma_wait3A_96] : memref<3x64x128xf32, #tpu.memory_space<vmem>> -> memref<1x64x128xf32, #tpu.memory_space<vmem>>
    %dma_wait3A_98 = tpu.memref_squeeze %dma_wait3A_97 : memref<1x64x128xf32, #tpu.memory_space<vmem>> -> memref<64x128xf32, #tpu.memory_space<vmem>>
    %dma_wait3A_99 = arith.constant 0 : i32
    %dma_wait3A_100 = arith.constant 0 : i32
    %dma_wait3A_101 = tpu.memref_slice %arg2[%dma_wait3A_99, %dma_wait3A_100] : memref<147456x128xf32, #tpu.memory_space<hbm>> -> memref<64x128xf32, #tpu.memory_space<hbm>>
    tpu.wait_dma2 semaphore(%arg16 : memref<!tpu.dma_semaphore, #tpu.memory_space<semaphore_mem>>) src(%dma_wait3A_101 : memref<64x128xf32, #tpu.memory_space<hbm>>) dst(%dma_wait3A_98 : memref<64x128xf32, #tpu.memory_space<vmem>>)
    %dma_wait3A_102 = arith.constant 0 : i32
    %dma_wait3A_103 = arith.constant 0 : i32
    %dma_wait3A_104 = arith.constant 0 : i32
    %dma_wait3A_105 = tpu.memref_slice %arg12[%dma_wait3A_102, %dma_wait3A_103, %dma_wait3A_104] : memref<3x64x128xf32, #tpu.memory_space<vmem>> -> memref<1x64x128xf32, #tpu.memory_space<vmem>>
    %dma_wait3A_106 = tpu.memref_squeeze %dma_wait3A_105 : memref<1x64x128xf32, #tpu.memory_space<vmem>> -> memref<64x128xf32, #tpu.memory_space<vmem>>
    %dma_wait3A_107 = arith.constant 0 : i32
    %dma_wait3A_108 = arith.constant 0 : i32
    %dma_wait3A_109 = tpu.memref_slice %arg3[%dma_wait3A_107, %dma_wait3A_108] : memref<147456x128xf32, #tpu.memory_space<hbm>> -> memref<64x128xf32, #tpu.memory_space<hbm>>
    %dma_wait3A_110 = arith.constant 0 : i32
    %dma_wait3A_111 = arith.constant 0 : i32
    %dma_wait3A_112 = tpu.memref_slice %arg12[%dma_wait3A_102, %dma_wait3A_110, %dma_wait3A_111] : memref<3x64x128xf32, #tpu.memory_space<vmem>> -> memref<1x64x128xf32, #tpu.memory_space<vmem>>
    %dma_wait3A_113 = tpu.memref_squeeze %dma_wait3A_112 : memref<1x64x128xf32, #tpu.memory_space<vmem>> -> memref<64x128xf32, #tpu.memory_space<vmem>>
    %dma_wait3A_114 = arith.constant 0 : i32
    %dma_wait3A_115 = arith.constant 0 : i32
    %dma_wait3A_116 = tpu.memref_slice %arg3[%dma_wait3A_114, %dma_wait3A_115] : memref<147456x128xf32, #tpu.memory_space<hbm>> -> memref<64x128xf32, #tpu.memory_space<hbm>>
    tpu.wait_dma2 semaphore(%arg16 : memref<!tpu.dma_semaphore, #tpu.memory_space<semaphore_mem>>) src(%dma_wait3A_116 : memref<64x128xf32, #tpu.memory_space<hbm>>) dst(%dma_wait3A_113 : memref<64x128xf32, #tpu.memory_space<vmem>>)
    %dma_wait3A_117 = arith.constant 0 : i32
    %dma_wait3A_118 = arith.constant 0 : i32
    %dma_wait3A_119 = arith.constant 0 : i32
    %dma_wait3A_120 = tpu.memref_slice %arg13[%dma_wait3A_117, %dma_wait3A_118, %dma_wait3A_119] : memref<3x64x128xf32, #tpu.memory_space<vmem>> -> memref<1x64x128xf32, #tpu.memory_space<vmem>>
    %dma_wait3A_121 = tpu.memref_squeeze %dma_wait3A_120 : memref<1x64x128xf32, #tpu.memory_space<vmem>> -> memref<64x128xf32, #tpu.memory_space<vmem>>
    %dma_wait3A_122 = arith.constant 0 : i32
    %dma_wait3A_123 = arith.constant 0 : i32
    %dma_wait3A_124 = tpu.memref_slice %arg4[%dma_wait3A_122, %dma_wait3A_123] : memref<147456x128xf32, #tpu.memory_space<hbm>> -> memref<64x128xf32, #tpu.memory_space<hbm>>
    %dma_wait3A_125 = arith.constant 0 : i32
    %dma_wait3A_126 = arith.constant 0 : i32
    %dma_wait3A_127 = tpu.memref_slice %arg13[%dma_wait3A_117, %dma_wait3A_125, %dma_wait3A_126] : memref<3x64x128xf32, #tpu.memory_space<vmem>> -> memref<1x64x128xf32, #tpu.memory_space<vmem>>
    %dma_wait3A_128 = tpu.memref_squeeze %dma_wait3A_127 : memref<1x64x128xf32, #tpu.memory_space<vmem>> -> memref<64x128xf32, #tpu.memory_space<vmem>>
    %dma_wait3A_129 = arith.constant 0 : i32
    %dma_wait3A_130 = arith.constant 0 : i32
    %dma_wait3A_131 = tpu.memref_slice %arg4[%dma_wait3A_129, %dma_wait3A_130] : memref<147456x128xf32, #tpu.memory_space<hbm>> -> memref<64x128xf32, #tpu.memory_space<hbm>>
    tpu.wait_dma2 semaphore(%arg16 : memref<!tpu.dma_semaphore, #tpu.memory_space<semaphore_mem>>) src(%dma_wait3A_131 : memref<64x128xf32, #tpu.memory_space<hbm>>) dst(%dma_wait3A_128 : memref<64x128xf32, #tpu.memory_space<vmem>>)
    %dma_wait3A_132 = arith.constant 0 : i32
    %dma_wait3A_133 = arith.constant 0 : i32
    %dma_wait3A_134 = arith.constant 0 : i32
    %dma_wait3A_135 = tpu.memref_slice %arg14[%dma_wait3A_132, %dma_wait3A_133, %dma_wait3A_134] : memref<3x64x128xf32, #tpu.memory_space<vmem>> -> memref<1x64x128xf32, #tpu.memory_space<vmem>>
    %dma_wait3A_136 = tpu.memref_squeeze %dma_wait3A_135 : memref<1x64x128xf32, #tpu.memory_space<vmem>> -> memref<64x128xf32, #tpu.memory_space<vmem>>
    %dma_wait3A_137 = arith.constant 0 : i32
    %dma_wait3A_138 = arith.constant 0 : i32
    %dma_wait3A_139 = tpu.memref_slice %arg5[%dma_wait3A_137, %dma_wait3A_138] : memref<147456x128xf32, #tpu.memory_space<hbm>> -> memref<64x128xf32, #tpu.memory_space<hbm>>
    %dma_wait3A_140 = arith.constant 0 : i32
    %dma_wait3A_141 = arith.constant 0 : i32
    %dma_wait3A_142 = tpu.memref_slice %arg14[%dma_wait3A_132, %dma_wait3A_140, %dma_wait3A_141] : memref<3x64x128xf32, #tpu.memory_space<vmem>> -> memref<1x64x128xf32, #tpu.memory_space<vmem>>
    %dma_wait3A_143 = tpu.memref_squeeze %dma_wait3A_142 : memref<1x64x128xf32, #tpu.memory_space<vmem>> -> memref<64x128xf32, #tpu.memory_space<vmem>>
    %dma_wait3A_144 = arith.constant 0 : i32
    %dma_wait3A_145 = arith.constant 0 : i32
    %dma_wait3A_146 = tpu.memref_slice %arg5[%dma_wait3A_144, %dma_wait3A_145] : memref<147456x128xf32, #tpu.memory_space<hbm>> -> memref<64x128xf32, #tpu.memory_space<hbm>>
    tpu.wait_dma2 semaphore(%arg16 : memref<!tpu.dma_semaphore, #tpu.memory_space<semaphore_mem>>) src(%dma_wait3A_146 : memref<64x128xf32, #tpu.memory_space<hbm>>) dst(%dma_wait3A_143 : memref<64x128xf32, #tpu.memory_space<vmem>>)
    %add3A_147 = arith.constant 4800 : i32
    %add3A_148 = arith.addi %mul3A_2, %add3A_147 : i32
    %lt3A = arith.constant 1024 : i32
    %lt3A_149 = arith.cmpi slt, %add3A_148, %lt3A : i32
    %jit3A = arith.constant 1.000000e+00 : f32
    %jit3A_150 = arith.constant 0.000000e+00 : f32
    %select_n3A = arith.select %lt3A_149, %jit3A, %jit3A_150 : f32
    %broadcast_in_dim3A_151 = vector.broadcast %select_n3A : f32 to vector<16xf32>
    %ge3A = arith.constant 1024 : i32
    %ge3A_152 = arith.cmpi sge, %add3A_148, %ge3A : i32
    %lt3A_153 = arith.constant 154624 : i32
    %lt3A_154 = arith.cmpi slt, %add3A_148, %lt3A_153 : i32
    %and3A = arith.andi %ge3A_152, %lt3A_154 : i1
    %jit3A_155 = arith.constant 1.000000e+00 : f32
    %jit3A_156 = arith.constant 0.000000e+00 : f32
    %select_n3A_157 = arith.select %and3A, %jit3A_155, %jit3A_156 : f32
    %broadcast_in_dim3A_158 = vector.broadcast %select_n3A_157 : f32 to vector<16xf32>
    %scan3A_159 = arith.constant 0 : i32
    %scan3A_160 = arith.constant 64 : i32
    %scan3A_161 = arith.addi %scan3A_159, %scan3A_160 : i32
    %scan3A_162 = arith.constant 1 : i32
    %scan3A_163:2 = scf.for %scan3A_172 = %scan3A_159 to %scan3A_161 step %scan3A_162 iter_args(%scan3A_173 = %scan3A_86#0, %scan3A_174 = %scan3A_86#1) -> (vector<16xf32>, vector<16xf32>)  : i32 {
      %get3A = arith.constant 0 : i32
      %get3A_175 = arith.index_cast %get3A : i32 to index
      %get3A_176 = arith.index_cast %scan3A_172 : i32 to index
      %get3A_177 = arith.constant 0 : index
      %get3A_178 = tpu.vector_load %arg11[%get3A_175, %get3A_176, %get3A_177] {strides = array<i32>} : memref<3x64x128xf32, #tpu.memory_space<vmem>>, vector<16xf32>,
      %get3A_179 = arith.constant 0 : i32
      %get3A_180 = arith.index_cast %get3A_179 : i32 to index
      %get3A_181 = arith.index_cast %scan3A_172 : i32 to index
      %get3A_182 = arith.constant 0 : index
      %get3A_183 = tpu.vector_load %arg13[%get3A_180, %get3A_181, %get3A_182] {strides = array<i32>} : memref<3x64x128xf32, #tpu.memory_space<vmem>>, vector<16xf32>,
      %bitcast3A = vector.bitcast %get3A_178 : vector<16xf32> to vector<32xbf16>
      %bitcast3A_184 = vector.bitcast %get3A_183 : vector<16xf32> to vector<32xbf16>
      %sub3A = arith.subf %bitcast3A, %bitcast3A_184 : vector<32xbf16>
      %unpack3A = tpu.unpack_subelements %sub3A, 0 {pack_format = #tpu.pack_format<interleaved>} : vector<32xbf16> -> vector<16xf32>
      %unpack3A_185 = tpu.unpack_subelements %sub3A, 1 {pack_format = #tpu.pack_format<interleaved>} : vector<32xbf16> -> vector<16xf32>
      %mul3A_186 = arith.mulf %unpack3A, %unpack3A : vector<16xf32>
      %add3A_187 = arith.addf %broadcast_in_dim3A_3, %mul3A_186 : vector<16xf32>
      %mul3A_188 = arith.mulf %unpack3A_185, %unpack3A_185 : vector<16xf32>
      %add3A_189 = arith.addf %broadcast_in_dim3A_3, %mul3A_188 : vector<16xf32>
      %get3A_190 = arith.constant 0 : i32
      %get3A_191 = arith.index_cast %get3A_190 : i32 to index
      %get3A_192 = arith.index_cast %scan3A_172 : i32 to index
      %get3A_193 = arith.constant 16 : index
      %get3A_194 = tpu.vector_load %arg11[%get3A_191, %get3A_192, %get3A_193] {strides = array<i32>} : memref<3x64x128xf32, #tpu.memory_space<vmem>>, vector<16xf32>,
      %get3A_195 = arith.constant 0 : i32
      %get3A_196 = arith.index_cast %get3A_195 : i32 to index
      %get3A_197 = arith.index_cast %scan3A_172 : i32 to index
      %get3A_198 = arith.constant 16 : index
      %get3A_199 = tpu.vector_load %arg13[%get3A_196, %get3A_197, %get3A_198] {strides = array<i32>} : memref<3x64x128xf32, #tpu.memory_space<vmem>>, vector<16xf32>,
      %bitcast3A_200 = vector.bitcast %get3A_194 : vector<16xf32> to vector<32xbf16>
      %bitcast3A_201 = vector.bitcast %get3A_199 : vector<16xf32> to vector<32xbf16>
      %sub3A_202 = arith.subf %bitcast3A_200, %bitcast3A_201 : vector<32xbf16>
      %unpack3A_203 = tpu.unpack_subelements %sub3A_202, 0 {pack_format = #tpu.pack_format<interleaved>} : vector<32xbf16> -> vector<16xf32>
      %unpack3A_204 = tpu.unpack_subelements %sub3A_202, 1 {pack_format = #tpu.pack_format<interleaved>} : vector<32xbf16> -> vector<16xf32>
      %mul3A_205 = arith.mulf %unpack3A_203, %unpack3A_203 : vector<16xf32>
      %add3A_206 = arith.addf %broadcast_in_dim3A_3, %mul3A_205 : vector<16xf32>
      %mul3A_207 = arith.mulf %unpack3A_204, %unpack3A_204 : vector<16xf32>
      %add3A_208 = arith.addf %broadcast_in_dim3A_3, %mul3A_207 : vector<16xf32>
      %get3A_209 = arith.constant 0 : i32
      %get3A_210 = arith.index_cast %get3A_209 : i32 to index
      %get3A_211 = arith.index_cast %scan3A_172 : i32 to index
      %get3A_212 = arith.constant 32 : index
      %get3A_213 = tpu.vector_load %arg11[%get3A_210, %get3A_211, %get3A_212] {strides = array<i32>} : memref<3x64x128xf32, #tpu.memory_space<vmem>>, vector<16xf32>,
      %get3A_214 = arith.constant 0 : i32
      %get3A_215 = arith.index_cast %get3A_214 : i32 to index
      %get3A_216 = arith.index_cast %scan3A_172 : i32 to index
      %get3A_217 = arith.constant 32 : index
      %get3A_218 = tpu.vector_load %arg13[%get3A_215, %get3A_216, %get3A_217] {strides = array<i32>} : memref<3x64x128xf32, #tpu.memory_space<vmem>>, vector<16xf32>,
      %bitcast3A_219 = vector.bitcast %get3A_213 : vector<16xf32> to vector<32xbf16>
      %bitcast3A_220 = vector.bitcast %get3A_218 : vector<16xf32> to vector<32xbf16>
      %sub3A_221 = arith.subf %bitcast3A_219, %bitcast3A_220 : vector<32xbf16>
      %unpack3A_222 = tpu.unpack_subelements %sub3A_221, 0 {pack_format = #tpu.pack_format<interleaved>} : vector<32xbf16> -> vector<16xf32>
      %unpack3A_223 = tpu.unpack_subelements %sub3A_221, 1 {pack_format = #tpu.pack_format<interleaved>} : vector<32xbf16> -> vector<16xf32>
      %mul3A_224 = arith.mulf %unpack3A_222, %unpack3A_222 : vector<16xf32>
      %add3A_225 = arith.addf %add3A_187, %mul3A_224 : vector<16xf32>
      %mul3A_226 = arith.mulf %unpack3A_223, %unpack3A_223 : vector<16xf32>
      %add3A_227 = arith.addf %add3A_189, %mul3A_226 : vector<16xf32>
      %get3A_228 = arith.constant 0 : i32
      %get3A_229 = arith.index_cast %get3A_228 : i32 to index
      %get3A_230 = arith.index_cast %scan3A_172 : i32 to index
      %get3A_231 = arith.constant 48 : index
      %get3A_232 = tpu.vector_load %arg11[%get3A_229, %get3A_230, %get3A_231] {strides = array<i32>} : memref<3x64x128xf32, #tpu.memory_space<vmem>>, vector<16xf32>,
      %get3A_233 = arith.constant 0 : i32
      %get3A_234 = arith.index_cast %get3A_233 : i32 to index
      %get3A_235 = arith.index_cast %scan3A_172 : i32 to index
      %get3A_236 = arith.constant 48 : index
      %get3A_237 = tpu.vector_load %arg13[%get3A_234, %get3A_235, %get3A_236] {strides = array<i32>} : memref<3x64x128xf32, #tpu.memory_space<vmem>>, vector<16xf32>,
      %bitcast3A_238 = vector.bitcast %get3A_232 : vector<16xf32> to vector<32xbf16>
      %bitcast3A_239 = vector.bitcast %get3A_237 : vector<16xf32> to vector<32xbf16>
      %sub3A_240 = arith.subf %bitcast3A_238, %bitcast3A_239 : vector<32xbf16>
      %unpack3A_241 = tpu.unpack_subelements %sub3A_240, 0 {pack_format = #tpu.pack_format<interleaved>} : vector<32xbf16> -> vector<16xf32>
      %unpack3A_242 = tpu.unpack_subelements %sub3A_240, 1 {pack_format = #tpu.pack_format<interleaved>} : vector<32xbf16> -> vector<16xf32>
      %mul3A_243 = arith.mulf %unpack3A_241, %unpack3A_241 : vector<16xf32>
      %add3A_244 = arith.addf %add3A_206, %mul3A_243 : vector<16xf32>
      %mul3A_245 = arith.mulf %unpack3A_242, %unpack3A_242 : vector<16xf32>
      %add3A_246 = arith.addf %add3A_208, %mul3A_245 : vector<16xf32>
      %get3A_247 = arith.constant 0 : i32
      %get3A_248 = arith.index_cast %get3A_247 : i32 to index
      %get3A_249 = arith.index_cast %scan3A_172 : i32 to index
      %get3A_250 = arith.constant 64 : index
      %get3A_251 = tpu.vector_load %arg11[%get3A_248, %get3A_249, %get3A_250] {strides = array<i32>} : memref<3x64x128xf32, #tpu.memory_space<vmem>>, vector<16xf32>,
      %get3A_252 = arith.constant 0 : i32
      %get3A_253 = arith.index_cast %get3A_252 : i32 to index
      %get3A_254 = arith.index_cast %scan3A_172 : i32 to index
      %get3A_255 = arith.constant 64 : index
      %get3A_256 = tpu.vector_load %arg13[%get3A_253, %get3A_254, %get3A_255] {strides = array<i32>} : memref<3x64x128xf32, #tpu.memory_space<vmem>>, vector<16xf32>,
      %bitcast3A_257 = vector.bitcast %get3A_251 : vector<16xf32> to vector<32xbf16>
      %bitcast3A_258 = vector.bitcast %get3A_256 : vector<16xf32> to vector<32xbf16>
      %sub3A_259 = arith.subf %bitcast3A_257, %bitcast3A_258 : vector<32xbf16>
      %unpack3A_260 = tpu.unpack_subelements %sub3A_259, 0 {pack_format = #tpu.pack_format<interleaved>} : vector<32xbf16> -> vector<16xf32>
      %unpack3A_261 = tpu.unpack_subelements %sub3A_259, 1 {pack_format = #tpu.pack_format<interleaved>} : vector<32xbf16> -> vector<16xf32>
      %mul3A_262 = arith.mulf %unpack3A_260, %unpack3A_260 : vector<16xf32>
      %add3A_263 = arith.addf %add3A_225, %mul3A_262 : vector<16xf32>
      %mul3A_264 = arith.mulf %unpack3A_261, %unpack3A_261 : vector<16xf32>
      %add3A_265 = arith.addf %add3A_227, %mul3A_264 : vector<16xf32>
      %get3A_266 = arith.constant 0 : i32
      %get3A_267 = arith.index_cast %get3A_266 : i32 to index
      %get3A_268 = arith.index_cast %scan3A_172 : i32 to index
      %get3A_269 = arith.constant 80 : index
      %get3A_270 = tpu.vector_load %arg11[%get3A_267, %get3A_268, %get3A_269] {strides = array<i32>} : memref<3x64x128xf32, #tpu.memory_space<vmem>>, vector<16xf32>,
      %get3A_271 = arith.constant 0 : i32
      %get3A_272 = arith.index_cast %get3A_271 : i32 to index
      %get3A_273 = arith.index_cast %scan3A_172 : i32 to index
      %get3A_274 = arith.constant 80 : index
      %get3A_275 = tpu.vector_load %arg13[%get3A_272, %get3A_273, %get3A_274] {strides = array<i32>} : memref<3x64x128xf32, #tpu.memory_space<vmem>>, vector<16xf32>,
      %bitcast3A_276 = vector.bitcast %get3A_270 : vector<16xf32> to vector<32xbf16>
      %bitcast3A_277 = vector.bitcast %get3A_275 : vector<16xf32> to vector<32xbf16>
      %sub3A_278 = arith.subf %bitcast3A_276, %bitcast3A_277 : vector<32xbf16>
      %unpack3A_279 = tpu.unpack_subelements %sub3A_278, 0 {pack_format = #tpu.pack_format<interleaved>} : vector<32xbf16> -> vector<16xf32>
      %unpack3A_280 = tpu.unpack_subelements %sub3A_278, 1 {pack_format = #tpu.pack_format<interleaved>} : vector<32xbf16> -> vector<16xf32>
      %mul3A_281 = arith.mulf %unpack3A_279, %unpack3A_279 : vector<16xf32>
      %add3A_282 = arith.addf %add3A_244, %mul3A_281 : vector<16xf32>
      %mul3A_283 = arith.mulf %unpack3A_280, %unpack3A_280 : vector<16xf32>
      %add3A_284 = arith.addf %add3A_246, %mul3A_283 : vector<16xf32>
      %get3A_285 = arith.constant 0 : i32
      %get3A_286 = arith.index_cast %get3A_285 : i32 to index
      %get3A_287 = arith.index_cast %scan3A_172 : i32 to index
      %get3A_288 = arith.constant 96 : index
      %get3A_289 = tpu.vector_load %arg11[%get3A_286, %get3A_287, %get3A_288] {strides = array<i32>} : memref<3x64x128xf32, #tpu.memory_space<vmem>>, vector<16xf32>,
      %get3A_290 = arith.constant 0 : i32
      %get3A_291 = arith.index_cast %get3A_290 : i32 to index
      %get3A_292 = arith.index_cast %scan3A_172 : i32 to index
      %get3A_293 = arith.constant 96 : index
      %get3A_294 = tpu.vector_load %arg13[%get3A_291, %get3A_292, %get3A_293] {strides = array<i32>} : memref<3x64x128xf32, #tpu.memory_space<vmem>>, vector<16xf32>,
      %bitcast3A_295 = vector.bitcast %get3A_289 : vector<16xf32> to vector<32xbf16>
      %bitcast3A_296 = vector.bitcast %get3A_294 : vector<16xf32> to vector<32xbf16>
      %sub3A_297 = arith.subf %bitcast3A_295, %bitcast3A_296 : vector<32xbf16>
      %unpack3A_298 = tpu.unpack_subelements %sub3A_297, 0 {pack_format = #tpu.pack_format<interleaved>} : vector<32xbf16> -> vector<16xf32>
      %unpack3A_299 = tpu.unpack_subelements %sub3A_297, 1 {pack_format = #tpu.pack_format<interleaved>} : vector<32xbf16> -> vector<16xf32>
      %mul3A_300 = arith.mulf %unpack3A_298, %unpack3A_298 : vector<16xf32>
      %add3A_301 = arith.addf %add3A_263, %mul3A_300 : vector<16xf32>
      %mul3A_302 = arith.mulf %unpack3A_299, %unpack3A_299 : vector<16xf32>
      %add3A_303 = arith.addf %add3A_265, %mul3A_302 : vector<16xf32>
      %get3A_304 = arith.constant 0 : i32
      %get3A_305 = arith.index_cast %get3A_304 : i32 to index
      %get3A_306 = arith.index_cast %scan3A_172 : i32 to index
      %get3A_307 = arith.constant 112 : index
      %get3A_308 = tpu.vector_load %arg11[%get3A_305, %get3A_306, %get3A_307] {strides = array<i32>} : memref<3x64x128xf32, #tpu.memory_space<vmem>>, vector<16xf32>,
      %get3A_309 = arith.constant 0 : i32
      %get3A_310 = arith.index_cast %get3A_309 : i32 to index
      %get3A_311 = arith.index_cast %scan3A_172 : i32 to index
      %get3A_312 = arith.constant 112 : index
      %get3A_313 = tpu.vector_load %arg13[%get3A_310, %get3A_311, %get3A_312] {strides = array<i32>} : memref<3x64x128xf32, #tpu.memory_space<vmem>>, vector<16xf32>,
      %bitcast3A_314 = vector.bitcast %get3A_308 : vector<16xf32> to vector<32xbf16>
      %bitcast3A_315 = vector.bitcast %get3A_313 : vector<16xf32> to vector<32xbf16>
      %sub3A_316 = arith.subf %bitcast3A_314, %bitcast3A_315 : vector<32xbf16>
      %unpack3A_317 = tpu.unpack_subelements %sub3A_316, 0 {pack_format = #tpu.pack_format<interleaved>} : vector<32xbf16> -> vector<16xf32>
      %unpack3A_318 = tpu.unpack_subelements %sub3A_316, 1 {pack_format = #tpu.pack_format<interleaved>} : vector<32xbf16> -> vector<16xf32>
      %mul3A_319 = arith.mulf %unpack3A_317, %unpack3A_317 : vector<16xf32>
      %add3A_320 = arith.addf %add3A_282, %mul3A_319 : vector<16xf32>
      %mul3A_321 = arith.mulf %unpack3A_318, %unpack3A_318 : vector<16xf32>
      %add3A_322 = arith.addf %add3A_284, %mul3A_321 : vector<16xf32>
      %get3A_323 = arith.constant 0 : i32
      %get3A_324 = arith.index_cast %get3A_323 : i32 to index
      %get3A_325 = arith.index_cast %scan3A_172 : i32 to index
      %get3A_326 = arith.constant 0 : index
      %get3A_327 = tpu.vector_load %arg12[%get3A_324, %get3A_325, %get3A_326] {strides = array<i32>} : memref<3x64x128xf32, #tpu.memory_space<vmem>>, vector<16xf32>,
      %get3A_328 = arith.constant 0 : i32
      %get3A_329 = arith.index_cast %get3A_328 : i32 to index
      %get3A_330 = arith.index_cast %scan3A_172 : i32 to index
      %get3A_331 = arith.constant 0 : index
      %get3A_332 = tpu.vector_load %arg14[%get3A_329, %get3A_330, %get3A_331] {strides = array<i32>} : memref<3x64x128xf32, #tpu.memory_space<vmem>>, vector<16xf32>,
      %bitcast3A_333 = vector.bitcast %get3A_327 : vector<16xf32> to vector<32xbf16>
      %bitcast3A_334 = vector.bitcast %get3A_332 : vector<16xf32> to vector<32xbf16>
      %sub3A_335 = arith.subf %bitcast3A_333, %bitcast3A_334 : vector<32xbf16>
      %unpack3A_336 = tpu.unpack_subelements %sub3A_335, 0 {pack_format = #tpu.pack_format<interleaved>} : vector<32xbf16> -> vector<16xf32>
      %unpack3A_337 = tpu.unpack_subelements %sub3A_335, 1 {pack_format = #tpu.pack_format<interleaved>} : vector<32xbf16> -> vector<16xf32>
      %mul3A_338 = arith.mulf %unpack3A_336, %unpack3A_336 : vector<16xf32>
      %add3A_339 = arith.addf %add3A_301, %mul3A_338 : vector<16xf32>
      %mul3A_340 = arith.mulf %unpack3A_337, %unpack3A_337 : vector<16xf32>
      %add3A_341 = arith.addf %add3A_303, %mul3A_340 : vector<16xf32>
      %get3A_342 = arith.constant 0 : i32
      %get3A_343 = arith.index_cast %get3A_342 : i32 to index
      %get3A_344 = arith.index_cast %scan3A_172 : i32 to index
      %get3A_345 = arith.constant 16 : index
      %get3A_346 = tpu.vector_load %arg12[%get3A_343, %get3A_344, %get3A_345] {strides = array<i32>} : memref<3x64x128xf32, #tpu.memory_space<vmem>>, vector<16xf32>,
      %get3A_347 = arith.constant 0 : i32
      %get3A_348 = arith.index_cast %get3A_347 : i32 to index
      %get3A_349 = arith.index_cast %scan3A_172 : i32 to index
      %get3A_350 = arith.constant 16 : index
      %get3A_351 = tpu.vector_load %arg14[%get3A_348, %get3A_349, %get3A_350] {strides = array<i32>} : memref<3x64x128xf32, #tpu.memory_space<vmem>>, vector<16xf32>,
      %bitcast3A_352 = vector.bitcast %get3A_346 : vector<16xf32> to vector<32xbf16>
      %bitcast3A_353 = vector.bitcast %get3A_351 : vector<16xf32> to vector<32xbf16>
      %sub3A_354 = arith.subf %bitcast3A_352, %bitcast3A_353 : vector<32xbf16>
      %unpack3A_355 = tpu.unpack_subelements %sub3A_354, 0 {pack_format = #tpu.pack_format<interleaved>} : vector<32xbf16> -> vector<16xf32>
      %unpack3A_356 = tpu.unpack_subelements %sub3A_354, 1 {pack_format = #tpu.pack_format<interleaved>} : vector<32xbf16> -> vector<16xf32>
      %mul3A_357 = arith.mulf %unpack3A_355, %unpack3A_355 : vector<16xf32>
      %add3A_358 = arith.addf %add3A_320, %mul3A_357 : vector<16xf32>
      %mul3A_359 = arith.mulf %unpack3A_356, %unpack3A_356 : vector<16xf32>
      %add3A_360 = arith.addf %add3A_322, %mul3A_359 : vector<16xf32>
      %get3A_361 = arith.constant 0 : i32
      %get3A_362 = arith.index_cast %get3A_361 : i32 to index
      %get3A_363 = arith.index_cast %scan3A_172 : i32 to index
      %get3A_364 = arith.constant 32 : index
      %get3A_365 = tpu.vector_load %arg12[%get3A_362, %get3A_363, %get3A_364] {strides = array<i32>} : memref<3x64x128xf32, #tpu.memory_space<vmem>>, vector<16xf32>,
      %get3A_366 = arith.constant 0 : i32
      %get3A_367 = arith.index_cast %get3A_366 : i32 to index
      %get3A_368 = arith.index_cast %scan3A_172 : i32 to index
      %get3A_369 = arith.constant 32 : index
      %get3A_370 = tpu.vector_load %arg14[%get3A_367, %get3A_368, %get3A_369] {strides = array<i32>} : memref<3x64x128xf32, #tpu.memory_space<vmem>>, vector<16xf32>,
      %bitcast3A_371 = vector.bitcast %get3A_365 : vector<16xf32> to vector<32xbf16>
      %bitcast3A_372 = vector.bitcast %get3A_370 : vector<16xf32> to vector<32xbf16>
      %sub3A_373 = arith.subf %bitcast3A_371, %bitcast3A_372 : vector<32xbf16>
      %unpack3A_374 = tpu.unpack_subelements %sub3A_373, 0 {pack_format = #tpu.pack_format<interleaved>} : vector<32xbf16> -> vector<16xf32>
      %unpack3A_375 = tpu.unpack_subelements %sub3A_373, 1 {pack_format = #tpu.pack_format<interleaved>} : vector<32xbf16> -> vector<16xf32>
      %mul3A_376 = arith.mulf %unpack3A_374, %unpack3A_374 : vector<16xf32>
      %add3A_377 = arith.addf %add3A_339, %mul3A_376 : vector<16xf32>
      %mul3A_378 = arith.mulf %unpack3A_375, %unpack3A_375 : vector<16xf32>
      %add3A_379 = arith.addf %add3A_341, %mul3A_378 : vector<16xf32>
      %get3A_380 = arith.constant 0 : i32
      %get3A_381 = arith.index_cast %get3A_380 : i32 to index
      %get3A_382 = arith.index_cast %scan3A_172 : i32 to index
      %get3A_383 = arith.constant 48 : index
      %get3A_384 = tpu.vector_load %arg12[%get3A_381, %get3A_382, %get3A_383] {strides = array<i32>} : memref<3x64x128xf32, #tpu.memory_space<vmem>>, vector<16xf32>,
      %get3A_385 = arith.constant 0 : i32
      %get3A_386 = arith.index_cast %get3A_385 : i32 to index
      %get3A_387 = arith.index_cast %scan3A_172 : i32 to index
      %get3A_388 = arith.constant 48 : index
      %get3A_389 = tpu.vector_load %arg14[%get3A_386, %get3A_387, %get3A_388] {strides = array<i32>} : memref<3x64x128xf32, #tpu.memory_space<vmem>>, vector<16xf32>,
      %bitcast3A_390 = vector.bitcast %get3A_384 : vector<16xf32> to vector<32xbf16>
      %bitcast3A_391 = vector.bitcast %get3A_389 : vector<16xf32> to vector<32xbf16>
      %sub3A_392 = arith.subf %bitcast3A_390, %bitcast3A_391 : vector<32xbf16>
      %unpack3A_393 = tpu.unpack_subelements %sub3A_392, 0 {pack_format = #tpu.pack_format<interleaved>} : vector<32xbf16> -> vector<16xf32>
      %unpack3A_394 = tpu.unpack_subelements %sub3A_392, 1 {pack_format = #tpu.pack_format<interleaved>} : vector<32xbf16> -> vector<16xf32>
      %mul3A_395 = arith.mulf %unpack3A_393, %unpack3A_393 : vector<16xf32>
      %add3A_396 = arith.addf %add3A_358, %mul3A_395 : vector<16xf32>
      %mul3A_397 = arith.mulf %unpack3A_394, %unpack3A_394 : vector<16xf32>
      %add3A_398 = arith.addf %add3A_360, %mul3A_397 : vector<16xf32>
      %get3A_399 = arith.constant 0 : i32
      %get3A_400 = arith.index_cast %get3A_399 : i32 to index
      %get3A_401 = arith.index_cast %scan3A_172 : i32 to index
      %get3A_402 = arith.constant 64 : index
      %get3A_403 = tpu.vector_load %arg12[%get3A_400, %get3A_401, %get3A_402] {strides = array<i32>} : memref<3x64x128xf32, #tpu.memory_space<vmem>>, vector<16xf32>,
      %get3A_404 = arith.constant 0 : i32
      %get3A_405 = arith.index_cast %get3A_404 : i32 to index
      %get3A_406 = arith.index_cast %scan3A_172 : i32 to index
      %get3A_407 = arith.constant 64 : index
      %get3A_408 = tpu.vector_load %arg14[%get3A_405, %get3A_406, %get3A_407] {strides = array<i32>} : memref<3x64x128xf32, #tpu.memory_space<vmem>>, vector<16xf32>,
      %bitcast3A_409 = vector.bitcast %get3A_403 : vector<16xf32> to vector<32xbf16>
      %bitcast3A_410 = vector.bitcast %get3A_408 : vector<16xf32> to vector<32xbf16>
      %sub3A_411 = arith.subf %bitcast3A_409, %bitcast3A_410 : vector<32xbf16>
      %unpack3A_412 = tpu.unpack_subelements %sub3A_411, 0 {pack_format = #tpu.pack_format<interleaved>} : vector<32xbf16> -> vector<16xf32>
      %unpack3A_413 = tpu.unpack_subelements %sub3A_411, 1 {pack_format = #tpu.pack_format<interleaved>} : vector<32xbf16> -> vector<16xf32>
      %mul3A_414 = arith.mulf %unpack3A_412, %unpack3A_412 : vector<16xf32>
      %add3A_415 = arith.addf %add3A_377, %mul3A_414 : vector<16xf32>
      %mul3A_416 = arith.mulf %unpack3A_413, %unpack3A_413 : vector<16xf32>
      %add3A_417 = arith.addf %add3A_379, %mul3A_416 : vector<16xf32>
      %get3A_418 = arith.constant 0 : i32
      %get3A_419 = arith.index_cast %get3A_418 : i32 to index
      %get3A_420 = arith.index_cast %scan3A_172 : i32 to index
      %get3A_421 = arith.constant 80 : index
      %get3A_422 = tpu.vector_load %arg12[%get3A_419, %get3A_420, %get3A_421] {strides = array<i32>} : memref<3x64x128xf32, #tpu.memory_space<vmem>>, vector<16xf32>,
      %get3A_423 = arith.constant 0 : i32
      %get3A_424 = arith.index_cast %get3A_423 : i32 to index
      %get3A_425 = arith.index_cast %scan3A_172 : i32 to index
      %get3A_426 = arith.constant 80 : index
      %get3A_427 = tpu.vector_load %arg14[%get3A_424, %get3A_425, %get3A_426] {strides = array<i32>} : memref<3x64x128xf32, #tpu.memory_space<vmem>>, vector<16xf32>,
      %bitcast3A_428 = vector.bitcast %get3A_422 : vector<16xf32> to vector<32xbf16>
      %bitcast3A_429 = vector.bitcast %get3A_427 : vector<16xf32> to vector<32xbf16>
      %sub3A_430 = arith.subf %bitcast3A_428, %bitcast3A_429 : vector<32xbf16>
      %unpack3A_431 = tpu.unpack_subelements %sub3A_430, 0 {pack_format = #tpu.pack_format<interleaved>} : vector<32xbf16> -> vector<16xf32>
      %unpack3A_432 = tpu.unpack_subelements %sub3A_430, 1 {pack_format = #tpu.pack_format<interleaved>} : vector<32xbf16> -> vector<16xf32>
      %mul3A_433 = arith.mulf %unpack3A_431, %unpack3A_431 : vector<16xf32>
      %add3A_434 = arith.addf %add3A_396, %mul3A_433 : vector<16xf32>
      %mul3A_435 = arith.mulf %unpack3A_432, %unpack3A_432 : vector<16xf32>
      %add3A_436 = arith.addf %add3A_398, %mul3A_435 : vector<16xf32>
      %get3A_437 = arith.constant 0 : i32
      %get3A_438 = arith.index_cast %get3A_437 : i32 to index
      %get3A_439 = arith.index_cast %scan3A_172 : i32 to index
      %get3A_440 = arith.constant 96 : index
      %get3A_441 = tpu.vector_load %arg12[%get3A_438, %get3A_439, %get3A_440] {strides = array<i32>} : memref<3x64x128xf32, #tpu.memory_space<vmem>>, vector<16xf32>,
      %get3A_442 = arith.constant 0 : i32
      %get3A_443 = arith.index_cast %get3A_442 : i32 to index
      %get3A_444 = arith.index_cast %scan3A_172 : i32 to index
      %get3A_445 = arith.constant 96 : index
      %get3A_446 = tpu.vector_load %arg14[%get3A_443, %get3A_444, %get3A_445] {strides = array<i32>} : memref<3x64x128xf32, #tpu.memory_space<vmem>>, vector<16xf32>,
      %bitcast3A_447 = vector.bitcast %get3A_441 : vector<16xf32> to vector<32xbf16>
      %bitcast3A_448 = vector.bitcast %get3A_446 : vector<16xf32> to vector<32xbf16>
      %sub3A_449 = arith.subf %bitcast3A_447, %bitcast3A_448 : vector<32xbf16>
      %unpack3A_450 = tpu.unpack_subelements %sub3A_449, 0 {pack_format = #tpu.pack_format<interleaved>} : vector<32xbf16> -> vector<16xf32>
      %unpack3A_451 = tpu.unpack_subelements %sub3A_449, 1 {pack_format = #tpu.pack_format<interleaved>} : vector<32xbf16> -> vector<16xf32>
      %mul3A_452 = arith.mulf %unpack3A_450, %unpack3A_450 : vector<16xf32>
      %add3A_453 = arith.addf %add3A_415, %mul3A_452 : vector<16xf32>
      %mul3A_454 = arith.mulf %unpack3A_451, %unpack3A_451 : vector<16xf32>
      %add3A_455 = arith.addf %add3A_417, %mul3A_454 : vector<16xf32>
      %get3A_456 = arith.constant 0 : i32
      %get3A_457 = arith.index_cast %get3A_456 : i32 to index
      %get3A_458 = arith.index_cast %scan3A_172 : i32 to index
      %get3A_459 = arith.constant 112 : index
      %get3A_460 = tpu.vector_load %arg12[%get3A_457, %get3A_458, %get3A_459] {strides = array<i32>} : memref<3x64x128xf32, #tpu.memory_space<vmem>>, vector<16xf32>,
      %get3A_461 = arith.constant 0 : i32
      %get3A_462 = arith.index_cast %get3A_461 : i32 to index
      %get3A_463 = arith.index_cast %scan3A_172 : i32 to index
      %get3A_464 = arith.constant 112 : index
      %get3A_465 = tpu.vector_load %arg14[%get3A_462, %get3A_463, %get3A_464] {strides = array<i32>} : memref<3x64x128xf32, #tpu.memory_space<vmem>>, vector<16xf32>,
      %bitcast3A_466 = vector.bitcast %get3A_460 : vector<16xf32> to vector<32xbf16>
      %bitcast3A_467 = vector.bitcast %get3A_465 : vector<16xf32> to vector<32xbf16>
      %sub3A_468 = arith.subf %bitcast3A_466, %bitcast3A_467 : vector<32xbf16>
      %unpack3A_469 = tpu.unpack_subelements %sub3A_468, 0 {pack_format = #tpu.pack_format<interleaved>} : vector<32xbf16> -> vector<16xf32>
      %unpack3A_470 = tpu.unpack_subelements %sub3A_468, 1 {pack_format = #tpu.pack_format<interleaved>} : vector<32xbf16> -> vector<16xf32>
      %mul3A_471 = arith.mulf %unpack3A_469, %unpack3A_469 : vector<16xf32>
      %add3A_472 = arith.addf %add3A_434, %mul3A_471 : vector<16xf32>
      %mul3A_473 = arith.mulf %unpack3A_470, %unpack3A_470 : vector<16xf32>
      %add3A_474 = arith.addf %add3A_436, %mul3A_473 : vector<16xf32>
      %add3A_475 = arith.addf %add3A_453, %add3A_472 : vector<16xf32>
      %add3A_476 = arith.addf %add3A_455, %add3A_474 : vector<16xf32>
      %add3A_477 = arith.addf %add3A_475, %add3A_476 : vector<16xf32>
      %broadcast_in_dim3A_478 = arith.constant true
      %broadcast_in_dim3A_479 = vector.broadcast %broadcast_in_dim3A_478 : i1 to vector<16xi1>
      %masked_cumsum3A = tpu.scan <sum>, %add3A_477 masked %broadcast_in_dim3A_479 : vector<16xf32>, vector<16xi1> -> vector<16xf32>
      %mul3A_480 = arith.mulf %masked_cumsum3A, %broadcast_in_dim3A_151 : vector<16xf32>
      %add3A_481 = arith.addf %scan3A_173, %mul3A_480 : vector<16xf32>
      %sub3A_482 = arith.constant 5.000000e-01 : f32
      %sub3A_483 = vector.broadcast %sub3A_482 : f32 to vector<16xf32>
      %sub3A_484 = arith.subf %sub3A_483, %masked_cumsum3A : vector<16xf32>
      %max3A = arith.constant 0.000000e+00 : f32
      %max3A_485 = vector.broadcast %max3A : f32 to vector<16xf32>
      %max3A_486 = arith.maximumf %sub3A_484, %max3A_485 : vector<16xf32>
      %mul3A_487 = arith.mulf %max3A_486, %broadcast_in_dim3A_158 : vector<16xf32>
      %add3A_488 = arith.addf %scan3A_174, %mul3A_487 : vector<16xf32>
      scf.yield %add3A_481, %add3A_488 : vector<16xf32>, vector<16xf32>
    }
    %scan3A_164 = arith.constant 64 : i32
    %swap3A = arith.constant 0 : i32
    %swap3A_165 = arith.index_cast %swap3A : i32 to index
    %swap3A_166 = arith.constant 0 : index
    %swap3A_167 = tpu.vector_load %arg15[%swap3A_165, %swap3A_166] {strides = array<i32>} : memref<2x16xf32, #tpu.memory_space<vmem>>, vector<16xf32>,
    tpu.vector_store %arg15[%swap3A_165, %swap3A_166], %scan3A_163#0 {strides = array<i32>} : memref<2x16xf32, #tpu.memory_space<vmem>>, vector<16xf32>,
    %swap3A_168 = arith.constant 1 : i32
    %swap3A_169 = arith.index_cast %swap3A_168 : i32 to index
    %swap3A_170 = arith.constant 0 : index
    %swap3A_171 = tpu.vector_load %arg15[%swap3A_169, %swap3A_170] {strides = array<i32>} : memref<2x16xf32, #tpu.memory_space<vmem>>, vector<16xf32>,
    tpu.vector_store %arg15[%swap3A_169, %swap3A_170], %scan3A_163#1 {strides = array<i32>} : memref<2x16xf32, #tpu.memory_space<vmem>>, vector<16xf32>,
    "tpu.region"() ({
      %run_scoped3A = tpu.sem_alloc : memref<!tpu.dma_semaphore, #tpu.memory_space<semaphore_mem>>
      %dma_start3A_172 = arith.constant 0 : i32
      %dma_start3A_173 = arith.constant 0 : i32
      %dma_start3A_174 = tpu.memref_slice %arg8[%add3A, %dma_start3A_172, %dma_start3A_173] : memref<32x2x16xf32, #tpu.memory_space<hbm>> -> memref<1x2x16xf32, #tpu.memory_space<hbm>>
      %dma_start3A_175 = tpu.memref_squeeze %dma_start3A_174 : memref<1x2x16xf32, #tpu.memory_space<hbm>> -> memref<2x16xf32, #tpu.memory_space<hbm>>
      %dma_start3A_176 = arith.constant 0 : i32
      %dma_start3A_177 = arith.constant 0 : i32
      %dma_start3A_178 = tpu.memref_slice %arg8[%add3A, %dma_start3A_176, %dma_start3A_177] : memref<32x2x16xf32, #tpu.memory_space<hbm>> -> memref<1x2x16xf32, #tpu.memory_space<hbm>>
      %dma_start3A_179 = tpu.memref_squeeze %dma_start3A_178 : memref<1x2x16xf32, #tpu.memory_space<hbm>> -> memref<2x16xf32, #tpu.memory_space<hbm>>
      tpu.enqueue_dma source(%arg15 : memref<2x16xf32, #tpu.memory_space<vmem>>) target(%dma_start3A_179 : memref<2x16xf32, #tpu.memory_space<hbm>>) target_semaphore(%run_scoped3A : memref<!tpu.dma_semaphore, #tpu.memory_space<semaphore_mem>>)
      %dma_wait3A_180 = arith.constant 0 : i32
      %dma_wait3A_181 = arith.constant 0 : i32
      %dma_wait3A_182 = tpu.memref_slice %arg8[%add3A, %dma_wait3A_180, %dma_wait3A_181] : memref<32x2x16xf32, #tpu.memory_space<hbm>> -> memref<1x2x16xf32, #tpu.memory_space<hbm>>
      %dma_wait3A_183 = tpu.memref_squeeze %dma_wait3A_182 : memref<1x2x16xf32, #tpu.memory_space<hbm>> -> memref<2x16xf32, #tpu.memory_space<hbm>>
      %dma_wait3A_184 = arith.constant 0 : i32
      %dma_wait3A_185 = arith.constant 0 : i32
      %dma_wait3A_186 = tpu.memref_slice %arg8[%add3A, %dma_wait3A_184, %dma_wait3A_185] : memref<32x2x16xf32, #tpu.memory_space<hbm>> -> memref<1x2x16xf32, #tpu.memory_space<hbm>>
      %dma_wait3A_187 = tpu.memref_squeeze %dma_wait3A_186 : memref<1x2x16xf32, #tpu.memory_space<hbm>> -> memref<2x16xf32, #tpu.memory_space<hbm>>
      tpu.wait_dma2 semaphore(%run_scoped3A : memref<!tpu.dma_semaphore, #tpu.memory_space<semaphore_mem>>) src(%arg15 : memref<2x16xf32, #tpu.memory_space<vmem>>) dst(%dma_wait3A_187 : memref<2x16xf32, #tpu.memory_space<hbm>>)
      tpu.yield
    }) : () -> ()
    return
  }
}

module attributes {stable_mosaic.version = 14 : i64} {
  func.func @_tr_body(%arg0: i32, %arg1: memref<1x384x8x128xf32, #tpu.memory_space<vmem>>, %arg2: memref<1x384x8x128xf32, #tpu.memory_space<vmem>>, %arg3: memref<1024x128xf32, #tpu.memory_space<vmem>>, %arg4: memref<1024x128xf32, #tpu.memory_space<vmem>>, %arg5: memref<1024x128xf32, #tpu.memory_space<vmem>>, %arg6: memref<1024x128xf32, #tpu.memory_space<vmem>>) attributes {dimension_semantics = [#tpu.dimension_semantics<arbitrary>], iteration_bounds = array<i64: 144>, scalar_prefetch = 0 : i64, scratch_operands = 0 : i64, tpu.core_type = #tpu.core_type<tc>, window_params = [{transform_indices = @transform_0, window_bounds = array<i64: 1, 384, 8, 128>}, {transform_indices = @transform_1, window_bounds = array<i64: 1, 384, 8, 128>}, {transform_indices = @transform_2, window_bounds = array<i64: 1024, 128>}, {transform_indices = @transform_3, window_bounds = array<i64: 1024, 128>}, {transform_indices = @transform_4, window_bounds = array<i64: 1024, 128>}, {transform_indices = @transform_5, window_bounds = array<i64: 1024, 128>}]} {
    %broadcast_in_dim3A = arith.constant 0.000000e+00 : f32
    %broadcast_in_dim3A_0 = vector.broadcast %broadcast_in_dim3A : f32 to vector<128x128xf32>
    %get3A = arith.constant 0 : index
    %get3A_1 = arith.constant 0 : index
    %get3A_2 = arith.constant 0 : index
    %get3A_3 = arith.constant 0 : index
    %get3A_4 = vector.load %arg1[%get3A, %get3A_1, %get3A_2, %get3A_3] : memref<1x384x8x128xf32, #tpu.memory_space<vmem>>, vector<1x384x1x128xf32>
    %get3A_5 = vector.shape_cast %get3A_4 : vector<1x384x1x128xf32> to vector<384x128xf32>
    %slice3A = vector.extract_strided_slice %get3A_5 {offsets = [0, 0], sizes = [128, 128], strides = [1, 1]} : vector<384x128xf32> to vector<128x128xf32>
    %slice3A_6 = vector.extract_strided_slice %get3A_5 {offsets = [128, 0], sizes = [128, 128], strides = [1, 1]} : vector<384x128xf32> to vector<128x128xf32>
    %pack_elementwise3A = tpu.pack_elementwise %slice3A, %slice3A_6 {target_type = bf16} : vector<128x128xf32>, vector<128x128xf32> -> vector<128x128xi32>
    %slice3A_7 = vector.extract_strided_slice %get3A_5 {offsets = [256, 0], sizes = [128, 128], strides = [1, 1]} : vector<384x128xf32> to vector<128x128xf32>
    %pack_elementwise3A_8 = tpu.pack_elementwise %slice3A_7, %broadcast_in_dim3A_0 {target_type = bf16} : vector<128x128xf32>, vector<128x128xf32> -> vector<128x128xi32>
    %bitcast_convert_type3A = tpu.bitcast %pack_elementwise3A : vector<128x128xi32> -> vector<128x128xf32>
    %transpose3A = tpu.transpose %bitcast_convert_type3A, [1, 0] : vector<128x128xf32> -> vector<128x128xf32>
    %swap3A = arith.constant 0 : index
    %swap3A_9 = arith.constant 0 : index
    %swap3A_10 = vector.load %arg3[%swap3A, %swap3A_9] : memref<1024x128xf32, #tpu.memory_space<vmem>>, vector<128x128xf32>
    tpu.vector_store %arg3[%swap3A, %swap3A_9], %transpose3A {strides = array<i32>} : memref<1024x128xf32, #tpu.memory_space<vmem>>, vector<128x128xf32>,
    %bitcast_convert_type3A_11 = tpu.bitcast %pack_elementwise3A_8 : vector<128x128xi32> -> vector<128x128xf32>
    %transpose3A_12 = tpu.transpose %bitcast_convert_type3A_11, [1, 0] : vector<128x128xf32> -> vector<128x128xf32>
    %swap3A_13 = arith.constant 0 : index
    %swap3A_14 = arith.constant 0 : index
    %swap3A_15 = vector.load %arg4[%swap3A_13, %swap3A_14] : memref<1024x128xf32, #tpu.memory_space<vmem>>, vector<128x128xf32>
    tpu.vector_store %arg4[%swap3A_13, %swap3A_14], %transpose3A_12 {strides = array<i32>} : memref<1024x128xf32, #tpu.memory_space<vmem>>, vector<128x128xf32>,
    %get3A_16 = arith.constant 0 : index
    %get3A_17 = arith.constant 0 : index
    %get3A_18 = arith.constant 1 : index
    %get3A_19 = arith.constant 0 : index
    %get3A_20 = vector.load %arg1[%get3A_16, %get3A_17, %get3A_18, %get3A_19] : memref<1x384x8x128xf32, #tpu.memory_space<vmem>>, vector<1x384x1x128xf32>
    %get3A_21 = vector.shape_cast %get3A_20 : vector<1x384x1x128xf32> to vector<384x128xf32>
    %slice3A_22 = vector.extract_strided_slice %get3A_21 {offsets = [0, 0], sizes = [128, 128], strides = [1, 1]} : vector<384x128xf32> to vector<128x128xf32>
    %slice3A_23 = vector.extract_strided_slice %get3A_21 {offsets = [128, 0], sizes = [128, 128], strides = [1, 1]} : vector<384x128xf32> to vector<128x128xf32>
    %pack_elementwise3A_24 = tpu.pack_elementwise %slice3A_22, %slice3A_23 {target_type = bf16} : vector<128x128xf32>, vector<128x128xf32> -> vector<128x128xi32>
    %slice3A_25 = vector.extract_strided_slice %get3A_21 {offsets = [256, 0], sizes = [128, 128], strides = [1, 1]} : vector<384x128xf32> to vector<128x128xf32>
    %pack_elementwise3A_26 = tpu.pack_elementwise %slice3A_25, %broadcast_in_dim3A_0 {target_type = bf16} : vector<128x128xf32>, vector<128x128xf32> -> vector<128x128xi32>
    %bitcast_convert_type3A_27 = tpu.bitcast %pack_elementwise3A_24 : vector<128x128xi32> -> vector<128x128xf32>
    %transpose3A_28 = tpu.transpose %bitcast_convert_type3A_27, [1, 0] : vector<128x128xf32> -> vector<128x128xf32>
    %swap3A_29 = arith.constant 128 : index
    %swap3A_30 = arith.constant 0 : index
    %swap3A_31 = vector.load %arg3[%swap3A_29, %swap3A_30] : memref<1024x128xf32, #tpu.memory_space<vmem>>, vector<128x128xf32>
    tpu.vector_store %arg3[%swap3A_29, %swap3A_30], %transpose3A_28 {strides = array<i32>} : memref<1024x128xf32, #tpu.memory_space<vmem>>, vector<128x128xf32>,
    %bitcast_convert_type3A_32 = tpu.bitcast %pack_elementwise3A_26 : vector<128x128xi32> -> vector<128x128xf32>
    %transpose3A_33 = tpu.transpose %bitcast_convert_type3A_32, [1, 0] : vector<128x128xf32> -> vector<128x128xf32>
    %swap3A_34 = arith.constant 128 : index
    %swap3A_35 = arith.constant 0 : index
    %swap3A_36 = vector.load %arg4[%swap3A_34, %swap3A_35] : memref<1024x128xf32, #tpu.memory_space<vmem>>, vector<128x128xf32>
    tpu.vector_store %arg4[%swap3A_34, %swap3A_35], %transpose3A_33 {strides = array<i32>} : memref<1024x128xf32, #tpu.memory_space<vmem>>, vector<128x128xf32>,
    %get3A_37 = arith.constant 0 : index
    %get3A_38 = arith.constant 0 : index
    %get3A_39 = arith.constant 2 : index
    %get3A_40 = arith.constant 0 : index
    %get3A_41 = vector.load %arg1[%get3A_37, %get3A_38, %get3A_39, %get3A_40] : memref<1x384x8x128xf32, #tpu.memory_space<vmem>>, vector<1x384x1x128xf32>
    %get3A_42 = vector.shape_cast %get3A_41 : vector<1x384x1x128xf32> to vector<384x128xf32>
    %slice3A_43 = vector.extract_strided_slice %get3A_42 {offsets = [0, 0], sizes = [128, 128], strides = [1, 1]} : vector<384x128xf32> to vector<128x128xf32>
    %slice3A_44 = vector.extract_strided_slice %get3A_42 {offsets = [128, 0], sizes = [128, 128], strides = [1, 1]} : vector<384x128xf32> to vector<128x128xf32>
    %pack_elementwise3A_45 = tpu.pack_elementwise %slice3A_43, %slice3A_44 {target_type = bf16} : vector<128x128xf32>, vector<128x128xf32> -> vector<128x128xi32>
    %slice3A_46 = vector.extract_strided_slice %get3A_42 {offsets = [256, 0], sizes = [128, 128], strides = [1, 1]} : vector<384x128xf32> to vector<128x128xf32>
    %pack_elementwise3A_47 = tpu.pack_elementwise %slice3A_46, %broadcast_in_dim3A_0 {target_type = bf16} : vector<128x128xf32>, vector<128x128xf32> -> vector<128x128xi32>
    %bitcast_convert_type3A_48 = tpu.bitcast %pack_elementwise3A_45 : vector<128x128xi32> -> vector<128x128xf32>
    %transpose3A_49 = tpu.transpose %bitcast_convert_type3A_48, [1, 0] : vector<128x128xf32> -> vector<128x128xf32>
    %swap3A_50 = arith.constant 256 : index
    %swap3A_51 = arith.constant 0 : index
    %swap3A_52 = vector.load %arg3[%swap3A_50, %swap3A_51] : memref<1024x128xf32, #tpu.memory_space<vmem>>, vector<128x128xf32>
    tpu.vector_store %arg3[%swap3A_50, %swap3A_51], %transpose3A_49 {strides = array<i32>} : memref<1024x128xf32, #tpu.memory_space<vmem>>, vector<128x128xf32>,
    %bitcast_convert_type3A_53 = tpu.bitcast %pack_elementwise3A_47 : vector<128x128xi32> -> vector<128x128xf32>
    %transpose3A_54 = tpu.transpose %bitcast_convert_type3A_53, [1, 0] : vector<128x128xf32> -> vector<128x128xf32>
    %swap3A_55 = arith.constant 256 : index
    %swap3A_56 = arith.constant 0 : index
    %swap3A_57 = vector.load %arg4[%swap3A_55, %swap3A_56] : memref<1024x128xf32, #tpu.memory_space<vmem>>, vector<128x128xf32>
    tpu.vector_store %arg4[%swap3A_55, %swap3A_56], %transpose3A_54 {strides = array<i32>} : memref<1024x128xf32, #tpu.memory_space<vmem>>, vector<128x128xf32>,
    %get3A_58 = arith.constant 0 : index
    %get3A_59 = arith.constant 0 : index
    %get3A_60 = arith.constant 3 : index
    %get3A_61 = arith.constant 0 : index
    %get3A_62 = vector.load %arg1[%get3A_58, %get3A_59, %get3A_60, %get3A_61] : memref<1x384x8x128xf32, #tpu.memory_space<vmem>>, vector<1x384x1x128xf32>
    %get3A_63 = vector.shape_cast %get3A_62 : vector<1x384x1x128xf32> to vector<384x128xf32>
    %slice3A_64 = vector.extract_strided_slice %get3A_63 {offsets = [0, 0], sizes = [128, 128], strides = [1, 1]} : vector<384x128xf32> to vector<128x128xf32>
    %slice3A_65 = vector.extract_strided_slice %get3A_63 {offsets = [128, 0], sizes = [128, 128], strides = [1, 1]} : vector<384x128xf32> to vector<128x128xf32>
    %pack_elementwise3A_66 = tpu.pack_elementwise %slice3A_64, %slice3A_65 {target_type = bf16} : vector<128x128xf32>, vector<128x128xf32> -> vector<128x128xi32>
    %slice3A_67 = vector.extract_strided_slice %get3A_63 {offsets = [256, 0], sizes = [128, 128], strides = [1, 1]} : vector<384x128xf32> to vector<128x128xf32>
    %pack_elementwise3A_68 = tpu.pack_elementwise %slice3A_67, %broadcast_in_dim3A_0 {target_type = bf16} : vector<128x128xf32>, vector<128x128xf32> -> vector<128x128xi32>
    %bitcast_convert_type3A_69 = tpu.bitcast %pack_elementwise3A_66 : vector<128x128xi32> -> vector<128x128xf32>
    %transpose3A_70 = tpu.transpose %bitcast_convert_type3A_69, [1, 0] : vector<128x128xf32> -> vector<128x128xf32>
    %swap3A_71 = arith.constant 384 : index
    %swap3A_72 = arith.constant 0 : index
    %swap3A_73 = vector.load %arg3[%swap3A_71, %swap3A_72] : memref<1024x128xf32, #tpu.memory_space<vmem>>, vector<128x128xf32>
    tpu.vector_store %arg3[%swap3A_71, %swap3A_72], %transpose3A_70 {strides = array<i32>} : memref<1024x128xf32, #tpu.memory_space<vmem>>, vector<128x128xf32>,
    %bitcast_convert_type3A_74 = tpu.bitcast %pack_elementwise3A_68 : vector<128x128xi32> -> vector<128x128xf32>
    %transpose3A_75 = tpu.transpose %bitcast_convert_type3A_74, [1, 0] : vector<128x128xf32> -> vector<128x128xf32>
    %swap3A_76 = arith.constant 384 : index
    %swap3A_77 = arith.constant 0 : index
    %swap3A_78 = vector.load %arg4[%swap3A_76, %swap3A_77] : memref<1024x128xf32, #tpu.memory_space<vmem>>, vector<128x128xf32>
    tpu.vector_store %arg4[%swap3A_76, %swap3A_77], %transpose3A_75 {strides = array<i32>} : memref<1024x128xf32, #tpu.memory_space<vmem>>, vector<128x128xf32>,
    %get3A_79 = arith.constant 0 : index
    %get3A_80 = arith.constant 0 : index
    %get3A_81 = arith.constant 4 : index
    %get3A_82 = arith.constant 0 : index
    %get3A_83 = vector.load %arg1[%get3A_79, %get3A_80, %get3A_81, %get3A_82] : memref<1x384x8x128xf32, #tpu.memory_space<vmem>>, vector<1x384x1x128xf32>
    %get3A_84 = vector.shape_cast %get3A_83 : vector<1x384x1x128xf32> to vector<384x128xf32>
    %slice3A_85 = vector.extract_strided_slice %get3A_84 {offsets = [0, 0], sizes = [128, 128], strides = [1, 1]} : vector<384x128xf32> to vector<128x128xf32>
    %slice3A_86 = vector.extract_strided_slice %get3A_84 {offsets = [128, 0], sizes = [128, 128], strides = [1, 1]} : vector<384x128xf32> to vector<128x128xf32>
    %pack_elementwise3A_87 = tpu.pack_elementwise %slice3A_85, %slice3A_86 {target_type = bf16} : vector<128x128xf32>, vector<128x128xf32> -> vector<128x128xi32>
    %slice3A_88 = vector.extract_strided_slice %get3A_84 {offsets = [256, 0], sizes = [128, 128], strides = [1, 1]} : vector<384x128xf32> to vector<128x128xf32>
    %pack_elementwise3A_89 = tpu.pack_elementwise %slice3A_88, %broadcast_in_dim3A_0 {target_type = bf16} : vector<128x128xf32>, vector<128x128xf32> -> vector<128x128xi32>
    %bitcast_convert_type3A_90 = tpu.bitcast %pack_elementwise3A_87 : vector<128x128xi32> -> vector<128x128xf32>
    %transpose3A_91 = tpu.transpose %bitcast_convert_type3A_90, [1, 0] : vector<128x128xf32> -> vector<128x128xf32>
    %swap3A_92 = arith.constant 512 : index
    %swap3A_93 = arith.constant 0 : index
    %swap3A_94 = vector.load %arg3[%swap3A_92, %swap3A_93] : memref<1024x128xf32, #tpu.memory_space<vmem>>, vector<128x128xf32>
    tpu.vector_store %arg3[%swap3A_92, %swap3A_93], %transpose3A_91 {strides = array<i32>} : memref<1024x128xf32, #tpu.memory_space<vmem>>, vector<128x128xf32>,
    %bitcast_convert_type3A_95 = tpu.bitcast %pack_elementwise3A_89 : vector<128x128xi32> -> vector<128x128xf32>
    %transpose3A_96 = tpu.transpose %bitcast_convert_type3A_95, [1, 0] : vector<128x128xf32> -> vector<128x128xf32>
    %swap3A_97 = arith.constant 512 : index
    %swap3A_98 = arith.constant 0 : index
    %swap3A_99 = vector.load %arg4[%swap3A_97, %swap3A_98] : memref<1024x128xf32, #tpu.memory_space<vmem>>, vector<128x128xf32>
    tpu.vector_store %arg4[%swap3A_97, %swap3A_98], %transpose3A_96 {strides = array<i32>} : memref<1024x128xf32, #tpu.memory_space<vmem>>, vector<128x128xf32>,
    %get3A_100 = arith.constant 0 : index
    %get3A_101 = arith.constant 0 : index
    %get3A_102 = arith.constant 5 : index
    %get3A_103 = arith.constant 0 : index
    %get3A_104 = vector.load %arg1[%get3A_100, %get3A_101, %get3A_102, %get3A_103] : memref<1x384x8x128xf32, #tpu.memory_space<vmem>>, vector<1x384x1x128xf32>
    %get3A_105 = vector.shape_cast %get3A_104 : vector<1x384x1x128xf32> to vector<384x128xf32>
    %slice3A_106 = vector.extract_strided_slice %get3A_105 {offsets = [0, 0], sizes = [128, 128], strides = [1, 1]} : vector<384x128xf32> to vector<128x128xf32>
    %slice3A_107 = vector.extract_strided_slice %get3A_105 {offsets = [128, 0], sizes = [128, 128], strides = [1, 1]} : vector<384x128xf32> to vector<128x128xf32>
    %pack_elementwise3A_108 = tpu.pack_elementwise %slice3A_106, %slice3A_107 {target_type = bf16} : vector<128x128xf32>, vector<128x128xf32> -> vector<128x128xi32>
    %slice3A_109 = vector.extract_strided_slice %get3A_105 {offsets = [256, 0], sizes = [128, 128], strides = [1, 1]} : vector<384x128xf32> to vector<128x128xf32>
    %pack_elementwise3A_110 = tpu.pack_elementwise %slice3A_109, %broadcast_in_dim3A_0 {target_type = bf16} : vector<128x128xf32>, vector<128x128xf32> -> vector<128x128xi32>
    %bitcast_convert_type3A_111 = tpu.bitcast %pack_elementwise3A_108 : vector<128x128xi32> -> vector<128x128xf32>
    %transpose3A_112 = tpu.transpose %bitcast_convert_type3A_111, [1, 0] : vector<128x128xf32> -> vector<128x128xf32>
    %swap3A_113 = arith.constant 640 : index
    %swap3A_114 = arith.constant 0 : index
    %swap3A_115 = vector.load %arg3[%swap3A_113, %swap3A_114] : memref<1024x128xf32, #tpu.memory_space<vmem>>, vector<128x128xf32>
    tpu.vector_store %arg3[%swap3A_113, %swap3A_114], %transpose3A_112 {strides = array<i32>} : memref<1024x128xf32, #tpu.memory_space<vmem>>, vector<128x128xf32>,
    %bitcast_convert_type3A_116 = tpu.bitcast %pack_elementwise3A_110 : vector<128x128xi32> -> vector<128x128xf32>
    %transpose3A_117 = tpu.transpose %bitcast_convert_type3A_116, [1, 0] : vector<128x128xf32> -> vector<128x128xf32>
    %swap3A_118 = arith.constant 640 : index
    %swap3A_119 = arith.constant 0 : index
    %swap3A_120 = vector.load %arg4[%swap3A_118, %swap3A_119] : memref<1024x128xf32, #tpu.memory_space<vmem>>, vector<128x128xf32>
    tpu.vector_store %arg4[%swap3A_118, %swap3A_119], %transpose3A_117 {strides = array<i32>} : memref<1024x128xf32, #tpu.memory_space<vmem>>, vector<128x128xf32>,
    %get3A_121 = arith.constant 0 : index
    %get3A_122 = arith.constant 0 : index
    %get3A_123 = arith.constant 6 : index
    %get3A_124 = arith.constant 0 : index
    %get3A_125 = vector.load %arg1[%get3A_121, %get3A_122, %get3A_123, %get3A_124] : memref<1x384x8x128xf32, #tpu.memory_space<vmem>>, vector<1x384x1x128xf32>
    %get3A_126 = vector.shape_cast %get3A_125 : vector<1x384x1x128xf32> to vector<384x128xf32>
    %slice3A_127 = vector.extract_strided_slice %get3A_126 {offsets = [0, 0], sizes = [128, 128], strides = [1, 1]} : vector<384x128xf32> to vector<128x128xf32>
    %slice3A_128 = vector.extract_strided_slice %get3A_126 {offsets = [128, 0], sizes = [128, 128], strides = [1, 1]} : vector<384x128xf32> to vector<128x128xf32>
    %pack_elementwise3A_129 = tpu.pack_elementwise %slice3A_127, %slice3A_128 {target_type = bf16} : vector<128x128xf32>, vector<128x128xf32> -> vector<128x128xi32>
    %slice3A_130 = vector.extract_strided_slice %get3A_126 {offsets = [256, 0], sizes = [128, 128], strides = [1, 1]} : vector<384x128xf32> to vector<128x128xf32>
    %pack_elementwise3A_131 = tpu.pack_elementwise %slice3A_130, %broadcast_in_dim3A_0 {target_type = bf16} : vector<128x128xf32>, vector<128x128xf32> -> vector<128x128xi32>
    %bitcast_convert_type3A_132 = tpu.bitcast %pack_elementwise3A_129 : vector<128x128xi32> -> vector<128x128xf32>
    %transpose3A_133 = tpu.transpose %bitcast_convert_type3A_132, [1, 0] : vector<128x128xf32> -> vector<128x128xf32>
    %swap3A_134 = arith.constant 768 : index
    %swap3A_135 = arith.constant 0 : index
    %swap3A_136 = vector.load %arg3[%swap3A_134, %swap3A_135] : memref<1024x128xf32, #tpu.memory_space<vmem>>, vector<128x128xf32>
    tpu.vector_store %arg3[%swap3A_134, %swap3A_135], %transpose3A_133 {strides = array<i32>} : memref<1024x128xf32, #tpu.memory_space<vmem>>, vector<128x128xf32>,
    %bitcast_convert_type3A_137 = tpu.bitcast %pack_elementwise3A_131 : vector<128x128xi32> -> vector<128x128xf32>
    %transpose3A_138 = tpu.transpose %bitcast_convert_type3A_137, [1, 0] : vector<128x128xf32> -> vector<128x128xf32>
    %swap3A_139 = arith.constant 768 : index
    %swap3A_140 = arith.constant 0 : index
    %swap3A_141 = vector.load %arg4[%swap3A_139, %swap3A_140] : memref<1024x128xf32, #tpu.memory_space<vmem>>, vector<128x128xf32>
    tpu.vector_store %arg4[%swap3A_139, %swap3A_140], %transpose3A_138 {strides = array<i32>} : memref<1024x128xf32, #tpu.memory_space<vmem>>, vector<128x128xf32>,
    %get3A_142 = arith.constant 0 : index
    %get3A_143 = arith.constant 0 : index
    %get3A_144 = arith.constant 7 : index
    %get3A_145 = arith.constant 0 : index
    %get3A_146 = vector.load %arg1[%get3A_142, %get3A_143, %get3A_144, %get3A_145] : memref<1x384x8x128xf32, #tpu.memory_space<vmem>>, vector<1x384x1x128xf32>
    %get3A_147 = vector.shape_cast %get3A_146 : vector<1x384x1x128xf32> to vector<384x128xf32>
    %slice3A_148 = vector.extract_strided_slice %get3A_147 {offsets = [0, 0], sizes = [128, 128], strides = [1, 1]} : vector<384x128xf32> to vector<128x128xf32>
    %slice3A_149 = vector.extract_strided_slice %get3A_147 {offsets = [128, 0], sizes = [128, 128], strides = [1, 1]} : vector<384x128xf32> to vector<128x128xf32>
    %pack_elementwise3A_150 = tpu.pack_elementwise %slice3A_148, %slice3A_149 {target_type = bf16} : vector<128x128xf32>, vector<128x128xf32> -> vector<128x128xi32>
    %slice3A_151 = vector.extract_strided_slice %get3A_147 {offsets = [256, 0], sizes = [128, 128], strides = [1, 1]} : vector<384x128xf32> to vector<128x128xf32>
    %pack_elementwise3A_152 = tpu.pack_elementwise %slice3A_151, %broadcast_in_dim3A_0 {target_type = bf16} : vector<128x128xf32>, vector<128x128xf32> -> vector<128x128xi32>
    %bitcast_convert_type3A_153 = tpu.bitcast %pack_elementwise3A_150 : vector<128x128xi32> -> vector<128x128xf32>
    %transpose3A_154 = tpu.transpose %bitcast_convert_type3A_153, [1, 0] : vector<128x128xf32> -> vector<128x128xf32>
    %swap3A_155 = arith.constant 896 : index
    %swap3A_156 = arith.constant 0 : index
    %swap3A_157 = vector.load %arg3[%swap3A_155, %swap3A_156] : memref<1024x128xf32, #tpu.memory_space<vmem>>, vector<128x128xf32>
    tpu.vector_store %arg3[%swap3A_155, %swap3A_156], %transpose3A_154 {strides = array<i32>} : memref<1024x128xf32, #tpu.memory_space<vmem>>, vector<128x128xf32>,
    %bitcast_convert_type3A_158 = tpu.bitcast %pack_elementwise3A_152 : vector<128x128xi32> -> vector<128x128xf32>
    %transpose3A_159 = tpu.transpose %bitcast_convert_type3A_158, [1, 0] : vector<128x128xf32> -> vector<128x128xf32>
    %swap3A_160 = arith.constant 896 : index
    %swap3A_161 = arith.constant 0 : index
    %swap3A_162 = vector.load %arg4[%swap3A_160, %swap3A_161] : memref<1024x128xf32, #tpu.memory_space<vmem>>, vector<128x128xf32>
    tpu.vector_store %arg4[%swap3A_160, %swap3A_161], %transpose3A_159 {strides = array<i32>} : memref<1024x128xf32, #tpu.memory_space<vmem>>, vector<128x128xf32>,
    %get3A_163 = arith.constant 0 : index
    %get3A_164 = arith.constant 0 : index
    %get3A_165 = arith.constant 0 : index
    %get3A_166 = arith.constant 0 : index
    %get3A_167 = vector.load %arg2[%get3A_163, %get3A_164, %get3A_165, %get3A_166] : memref<1x384x8x128xf32, #tpu.memory_space<vmem>>, vector<1x384x1x128xf32>
    %get3A_168 = vector.shape_cast %get3A_167 : vector<1x384x1x128xf32> to vector<384x128xf32>
    %slice3A_169 = vector.extract_strided_slice %get3A_168 {offsets = [0, 0], sizes = [128, 128], strides = [1, 1]} : vector<384x128xf32> to vector<128x128xf32>
    %slice3A_170 = vector.extract_strided_slice %get3A_168 {offsets = [128, 0], sizes = [128, 128], strides = [1, 1]} : vector<384x128xf32> to vector<128x128xf32>
    %pack_elementwise3A_171 = tpu.pack_elementwise %slice3A_169, %slice3A_170 {target_type = bf16} : vector<128x128xf32>, vector<128x128xf32> -> vector<128x128xi32>
    %slice3A_172 = vector.extract_strided_slice %get3A_168 {offsets = [256, 0], sizes = [128, 128], strides = [1, 1]} : vector<384x128xf32> to vector<128x128xf32>
    %pack_elementwise3A_173 = tpu.pack_elementwise %slice3A_172, %broadcast_in_dim3A_0 {target_type = bf16} : vector<128x128xf32>, vector<128x128xf32> -> vector<128x128xi32>
    %bitcast_convert_type3A_174 = tpu.bitcast %pack_elementwise3A_171 : vector<128x128xi32> -> vector<128x128xf32>
    %transpose3A_175 = tpu.transpose %bitcast_convert_type3A_174, [1, 0] : vector<128x128xf32> -> vector<128x128xf32>
    %swap3A_176 = arith.constant 0 : index
    %swap3A_177 = arith.constant 0 : index
    %swap3A_178 = vector.load %arg5[%swap3A_176, %swap3A_177] : memref<1024x128xf32, #tpu.memory_space<vmem>>, vector<128x128xf32>
    tpu.vector_store %arg5[%swap3A_176, %swap3A_177], %transpose3A_175 {strides = array<i32>} : memref<1024x128xf32, #tpu.memory_space<vmem>>, vector<128x128xf32>,
    %bitcast_convert_type3A_179 = tpu.bitcast %pack_elementwise3A_173 : vector<128x128xi32> -> vector<128x128xf32>
    %transpose3A_180 = tpu.transpose %bitcast_convert_type3A_179, [1, 0] : vector<128x128xf32> -> vector<128x128xf32>
    %swap3A_181 = arith.constant 0 : index
    %swap3A_182 = arith.constant 0 : index
    %swap3A_183 = vector.load %arg6[%swap3A_181, %swap3A_182] : memref<1024x128xf32, #tpu.memory_space<vmem>>, vector<128x128xf32>
    tpu.vector_store %arg6[%swap3A_181, %swap3A_182], %transpose3A_180 {strides = array<i32>} : memref<1024x128xf32, #tpu.memory_space<vmem>>, vector<128x128xf32>,
    %get3A_184 = arith.constant 0 : index
    %get3A_185 = arith.constant 0 : index
    %get3A_186 = arith.constant 1 : index
    %get3A_187 = arith.constant 0 : index
    %get3A_188 = vector.load %arg2[%get3A_184, %get3A_185, %get3A_186, %get3A_187] : memref<1x384x8x128xf32, #tpu.memory_space<vmem>>, vector<1x384x1x128xf32>
    %get3A_189 = vector.shape_cast %get3A_188 : vector<1x384x1x128xf32> to vector<384x128xf32>
    %slice3A_190 = vector.extract_strided_slice %get3A_189 {offsets = [0, 0], sizes = [128, 128], strides = [1, 1]} : vector<384x128xf32> to vector<128x128xf32>
    %slice3A_191 = vector.extract_strided_slice %get3A_189 {offsets = [128, 0], sizes = [128, 128], strides = [1, 1]} : vector<384x128xf32> to vector<128x128xf32>
    %pack_elementwise3A_192 = tpu.pack_elementwise %slice3A_190, %slice3A_191 {target_type = bf16} : vector<128x128xf32>, vector<128x128xf32> -> vector<128x128xi32>
    %slice3A_193 = vector.extract_strided_slice %get3A_189 {offsets = [256, 0], sizes = [128, 128], strides = [1, 1]} : vector<384x128xf32> to vector<128x128xf32>
    %pack_elementwise3A_194 = tpu.pack_elementwise %slice3A_193, %broadcast_in_dim3A_0 {target_type = bf16} : vector<128x128xf32>, vector<128x128xf32> -> vector<128x128xi32>
    %bitcast_convert_type3A_195 = tpu.bitcast %pack_elementwise3A_192 : vector<128x128xi32> -> vector<128x128xf32>
    %transpose3A_196 = tpu.transpose %bitcast_convert_type3A_195, [1, 0] : vector<128x128xf32> -> vector<128x128xf32>
    %swap3A_197 = arith.constant 128 : index
    %swap3A_198 = arith.constant 0 : index
    %swap3A_199 = vector.load %arg5[%swap3A_197, %swap3A_198] : memref<1024x128xf32, #tpu.memory_space<vmem>>, vector<128x128xf32>
    tpu.vector_store %arg5[%swap3A_197, %swap3A_198], %transpose3A_196 {strides = array<i32>} : memref<1024x128xf32, #tpu.memory_space<vmem>>, vector<128x128xf32>,
    %bitcast_convert_type3A_200 = tpu.bitcast %pack_elementwise3A_194 : vector<128x128xi32> -> vector<128x128xf32>
    %transpose3A_201 = tpu.transpose %bitcast_convert_type3A_200, [1, 0] : vector<128x128xf32> -> vector<128x128xf32>
    %swap3A_202 = arith.constant 128 : index
    %swap3A_203 = arith.constant 0 : index
    %swap3A_204 = vector.load %arg6[%swap3A_202, %swap3A_203] : memref<1024x128xf32, #tpu.memory_space<vmem>>, vector<128x128xf32>
    tpu.vector_store %arg6[%swap3A_202, %swap3A_203], %transpose3A_201 {strides = array<i32>} : memref<1024x128xf32, #tpu.memory_space<vmem>>, vector<128x128xf32>,
    %get3A_205 = arith.constant 0 : index
    %get3A_206 = arith.constant 0 : index
    %get3A_207 = arith.constant 2 : index
    %get3A_208 = arith.constant 0 : index
    %get3A_209 = vector.load %arg2[%get3A_205, %get3A_206, %get3A_207, %get3A_208] : memref<1x384x8x128xf32, #tpu.memory_space<vmem>>, vector<1x384x1x128xf32>
    %get3A_210 = vector.shape_cast %get3A_209 : vector<1x384x1x128xf32> to vector<384x128xf32>
    %slice3A_211 = vector.extract_strided_slice %get3A_210 {offsets = [0, 0], sizes = [128, 128], strides = [1, 1]} : vector<384x128xf32> to vector<128x128xf32>
    %slice3A_212 = vector.extract_strided_slice %get3A_210 {offsets = [128, 0], sizes = [128, 128], strides = [1, 1]} : vector<384x128xf32> to vector<128x128xf32>
    %pack_elementwise3A_213 = tpu.pack_elementwise %slice3A_211, %slice3A_212 {target_type = bf16} : vector<128x128xf32>, vector<128x128xf32> -> vector<128x128xi32>
    %slice3A_214 = vector.extract_strided_slice %get3A_210 {offsets = [256, 0], sizes = [128, 128], strides = [1, 1]} : vector<384x128xf32> to vector<128x128xf32>
    %pack_elementwise3A_215 = tpu.pack_elementwise %slice3A_214, %broadcast_in_dim3A_0 {target_type = bf16} : vector<128x128xf32>, vector<128x128xf32> -> vector<128x128xi32>
    %bitcast_convert_type3A_216 = tpu.bitcast %pack_elementwise3A_213 : vector<128x128xi32> -> vector<128x128xf32>
    %transpose3A_217 = tpu.transpose %bitcast_convert_type3A_216, [1, 0] : vector<128x128xf32> -> vector<128x128xf32>
    %swap3A_218 = arith.constant 256 : index
    %swap3A_219 = arith.constant 0 : index
    %swap3A_220 = vector.load %arg5[%swap3A_218, %swap3A_219] : memref<1024x128xf32, #tpu.memory_space<vmem>>, vector<128x128xf32>
    tpu.vector_store %arg5[%swap3A_218, %swap3A_219], %transpose3A_217 {strides = array<i32>} : memref<1024x128xf32, #tpu.memory_space<vmem>>, vector<128x128xf32>,
    %bitcast_convert_type3A_221 = tpu.bitcast %pack_elementwise3A_215 : vector<128x128xi32> -> vector<128x128xf32>
    %transpose3A_222 = tpu.transpose %bitcast_convert_type3A_221, [1, 0] : vector<128x128xf32> -> vector<128x128xf32>
    %swap3A_223 = arith.constant 256 : index
    %swap3A_224 = arith.constant 0 : index
    %swap3A_225 = vector.load %arg6[%swap3A_223, %swap3A_224] : memref<1024x128xf32, #tpu.memory_space<vmem>>, vector<128x128xf32>
    tpu.vector_store %arg6[%swap3A_223, %swap3A_224], %transpose3A_222 {strides = array<i32>} : memref<1024x128xf32, #tpu.memory_space<vmem>>, vector<128x128xf32>,
    %get3A_226 = arith.constant 0 : index
    %get3A_227 = arith.constant 0 : index
    %get3A_228 = arith.constant 3 : index
    %get3A_229 = arith.constant 0 : index
    %get3A_230 = vector.load %arg2[%get3A_226, %get3A_227, %get3A_228, %get3A_229] : memref<1x384x8x128xf32, #tpu.memory_space<vmem>>, vector<1x384x1x128xf32>
    %get3A_231 = vector.shape_cast %get3A_230 : vector<1x384x1x128xf32> to vector<384x128xf32>
    %slice3A_232 = vector.extract_strided_slice %get3A_231 {offsets = [0, 0], sizes = [128, 128], strides = [1, 1]} : vector<384x128xf32> to vector<128x128xf32>
    %slice3A_233 = vector.extract_strided_slice %get3A_231 {offsets = [128, 0], sizes = [128, 128], strides = [1, 1]} : vector<384x128xf32> to vector<128x128xf32>
    %pack_elementwise3A_234 = tpu.pack_elementwise %slice3A_232, %slice3A_233 {target_type = bf16} : vector<128x128xf32>, vector<128x128xf32> -> vector<128x128xi32>
    %slice3A_235 = vector.extract_strided_slice %get3A_231 {offsets = [256, 0], sizes = [128, 128], strides = [1, 1]} : vector<384x128xf32> to vector<128x128xf32>
    %pack_elementwise3A_236 = tpu.pack_elementwise %slice3A_235, %broadcast_in_dim3A_0 {target_type = bf16} : vector<128x128xf32>, vector<128x128xf32> -> vector<128x128xi32>
    %bitcast_convert_type3A_237 = tpu.bitcast %pack_elementwise3A_234 : vector<128x128xi32> -> vector<128x128xf32>
    %transpose3A_238 = tpu.transpose %bitcast_convert_type3A_237, [1, 0] : vector<128x128xf32> -> vector<128x128xf32>
    %swap3A_239 = arith.constant 384 : index
    %swap3A_240 = arith.constant 0 : index
    %swap3A_241 = vector.load %arg5[%swap3A_239, %swap3A_240] : memref<1024x128xf32, #tpu.memory_space<vmem>>, vector<128x128xf32>
    tpu.vector_store %arg5[%swap3A_239, %swap3A_240], %transpose3A_238 {strides = array<i32>} : memref<1024x128xf32, #tpu.memory_space<vmem>>, vector<128x128xf32>,
    %bitcast_convert_type3A_242 = tpu.bitcast %pack_elementwise3A_236 : vector<128x128xi32> -> vector<128x128xf32>
    %transpose3A_243 = tpu.transpose %bitcast_convert_type3A_242, [1, 0] : vector<128x128xf32> -> vector<128x128xf32>
    %swap3A_244 = arith.constant 384 : index
    %swap3A_245 = arith.constant 0 : index
    %swap3A_246 = vector.load %arg6[%swap3A_244, %swap3A_245] : memref<1024x128xf32, #tpu.memory_space<vmem>>, vector<128x128xf32>
    tpu.vector_store %arg6[%swap3A_244, %swap3A_245], %transpose3A_243 {strides = array<i32>} : memref<1024x128xf32, #tpu.memory_space<vmem>>, vector<128x128xf32>,
    %get3A_247 = arith.constant 0 : index
    %get3A_248 = arith.constant 0 : index
    %get3A_249 = arith.constant 4 : index
    %get3A_250 = arith.constant 0 : index
    %get3A_251 = vector.load %arg2[%get3A_247, %get3A_248, %get3A_249, %get3A_250] : memref<1x384x8x128xf32, #tpu.memory_space<vmem>>, vector<1x384x1x128xf32>
    %get3A_252 = vector.shape_cast %get3A_251 : vector<1x384x1x128xf32> to vector<384x128xf32>
    %slice3A_253 = vector.extract_strided_slice %get3A_252 {offsets = [0, 0], sizes = [128, 128], strides = [1, 1]} : vector<384x128xf32> to vector<128x128xf32>
    %slice3A_254 = vector.extract_strided_slice %get3A_252 {offsets = [128, 0], sizes = [128, 128], strides = [1, 1]} : vector<384x128xf32> to vector<128x128xf32>
    %pack_elementwise3A_255 = tpu.pack_elementwise %slice3A_253, %slice3A_254 {target_type = bf16} : vector<128x128xf32>, vector<128x128xf32> -> vector<128x128xi32>
    %slice3A_256 = vector.extract_strided_slice %get3A_252 {offsets = [256, 0], sizes = [128, 128], strides = [1, 1]} : vector<384x128xf32> to vector<128x128xf32>
    %pack_elementwise3A_257 = tpu.pack_elementwise %slice3A_256, %broadcast_in_dim3A_0 {target_type = bf16} : vector<128x128xf32>, vector<128x128xf32> -> vector<128x128xi32>
    %bitcast_convert_type3A_258 = tpu.bitcast %pack_elementwise3A_255 : vector<128x128xi32> -> vector<128x128xf32>
    %transpose3A_259 = tpu.transpose %bitcast_convert_type3A_258, [1, 0] : vector<128x128xf32> -> vector<128x128xf32>
    %swap3A_260 = arith.constant 512 : index
    %swap3A_261 = arith.constant 0 : index
    %swap3A_262 = vector.load %arg5[%swap3A_260, %swap3A_261] : memref<1024x128xf32, #tpu.memory_space<vmem>>, vector<128x128xf32>
    tpu.vector_store %arg5[%swap3A_260, %swap3A_261], %transpose3A_259 {strides = array<i32>} : memref<1024x128xf32, #tpu.memory_space<vmem>>, vector<128x128xf32>,
    %bitcast_convert_type3A_263 = tpu.bitcast %pack_elementwise3A_257 : vector<128x128xi32> -> vector<128x128xf32>
    %transpose3A_264 = tpu.transpose %bitcast_convert_type3A_263, [1, 0] : vector<128x128xf32> -> vector<128x128xf32>
    %swap3A_265 = arith.constant 512 : index
    %swap3A_266 = arith.constant 0 : index
    %swap3A_267 = vector.load %arg6[%swap3A_265, %swap3A_266] : memref<1024x128xf32, #tpu.memory_space<vmem>>, vector<128x128xf32>
    tpu.vector_store %arg6[%swap3A_265, %swap3A_266], %transpose3A_264 {strides = array<i32>} : memref<1024x128xf32, #tpu.memory_space<vmem>>, vector<128x128xf32>,
    %get3A_268 = arith.constant 0 : index
    %get3A_269 = arith.constant 0 : index
    %get3A_270 = arith.constant 5 : index
    %get3A_271 = arith.constant 0 : index
    %get3A_272 = vector.load %arg2[%get3A_268, %get3A_269, %get3A_270, %get3A_271] : memref<1x384x8x128xf32, #tpu.memory_space<vmem>>, vector<1x384x1x128xf32>
    %get3A_273 = vector.shape_cast %get3A_272 : vector<1x384x1x128xf32> to vector<384x128xf32>
    %slice3A_274 = vector.extract_strided_slice %get3A_273 {offsets = [0, 0], sizes = [128, 128], strides = [1, 1]} : vector<384x128xf32> to vector<128x128xf32>
    %slice3A_275 = vector.extract_strided_slice %get3A_273 {offsets = [128, 0], sizes = [128, 128], strides = [1, 1]} : vector<384x128xf32> to vector<128x128xf32>
    %pack_elementwise3A_276 = tpu.pack_elementwise %slice3A_274, %slice3A_275 {target_type = bf16} : vector<128x128xf32>, vector<128x128xf32> -> vector<128x128xi32>
    %slice3A_277 = vector.extract_strided_slice %get3A_273 {offsets = [256, 0], sizes = [128, 128], strides = [1, 1]} : vector<384x128xf32> to vector<128x128xf32>
    %pack_elementwise3A_278 = tpu.pack_elementwise %slice3A_277, %broadcast_in_dim3A_0 {target_type = bf16} : vector<128x128xf32>, vector<128x128xf32> -> vector<128x128xi32>
    %bitcast_convert_type3A_279 = tpu.bitcast %pack_elementwise3A_276 : vector<128x128xi32> -> vector<128x128xf32>
    %transpose3A_280 = tpu.transpose %bitcast_convert_type3A_279, [1, 0] : vector<128x128xf32> -> vector<128x128xf32>
    %swap3A_281 = arith.constant 640 : index
    %swap3A_282 = arith.constant 0 : index
    %swap3A_283 = vector.load %arg5[%swap3A_281, %swap3A_282] : memref<1024x128xf32, #tpu.memory_space<vmem>>, vector<128x128xf32>
    tpu.vector_store %arg5[%swap3A_281, %swap3A_282], %transpose3A_280 {strides = array<i32>} : memref<1024x128xf32, #tpu.memory_space<vmem>>, vector<128x128xf32>,
    %bitcast_convert_type3A_284 = tpu.bitcast %pack_elementwise3A_278 : vector<128x128xi32> -> vector<128x128xf32>
    %transpose3A_285 = tpu.transpose %bitcast_convert_type3A_284, [1, 0] : vector<128x128xf32> -> vector<128x128xf32>
    %swap3A_286 = arith.constant 640 : index
    %swap3A_287 = arith.constant 0 : index
    %swap3A_288 = vector.load %arg6[%swap3A_286, %swap3A_287] : memref<1024x128xf32, #tpu.memory_space<vmem>>, vector<128x128xf32>
    tpu.vector_store %arg6[%swap3A_286, %swap3A_287], %transpose3A_285 {strides = array<i32>} : memref<1024x128xf32, #tpu.memory_space<vmem>>, vector<128x128xf32>,
    %get3A_289 = arith.constant 0 : index
    %get3A_290 = arith.constant 0 : index
    %get3A_291 = arith.constant 6 : index
    %get3A_292 = arith.constant 0 : index
    %get3A_293 = vector.load %arg2[%get3A_289, %get3A_290, %get3A_291, %get3A_292] : memref<1x384x8x128xf32, #tpu.memory_space<vmem>>, vector<1x384x1x128xf32>
    %get3A_294 = vector.shape_cast %get3A_293 : vector<1x384x1x128xf32> to vector<384x128xf32>
    %slice3A_295 = vector.extract_strided_slice %get3A_294 {offsets = [0, 0], sizes = [128, 128], strides = [1, 1]} : vector<384x128xf32> to vector<128x128xf32>
    %slice3A_296 = vector.extract_strided_slice %get3A_294 {offsets = [128, 0], sizes = [128, 128], strides = [1, 1]} : vector<384x128xf32> to vector<128x128xf32>
    %pack_elementwise3A_297 = tpu.pack_elementwise %slice3A_295, %slice3A_296 {target_type = bf16} : vector<128x128xf32>, vector<128x128xf32> -> vector<128x128xi32>
    %slice3A_298 = vector.extract_strided_slice %get3A_294 {offsets = [256, 0], sizes = [128, 128], strides = [1, 1]} : vector<384x128xf32> to vector<128x128xf32>
    %pack_elementwise3A_299 = tpu.pack_elementwise %slice3A_298, %broadcast_in_dim3A_0 {target_type = bf16} : vector<128x128xf32>, vector<128x128xf32> -> vector<128x128xi32>
    %bitcast_convert_type3A_300 = tpu.bitcast %pack_elementwise3A_297 : vector<128x128xi32> -> vector<128x128xf32>
    %transpose3A_301 = tpu.transpose %bitcast_convert_type3A_300, [1, 0] : vector<128x128xf32> -> vector<128x128xf32>
    %swap3A_302 = arith.constant 768 : index
    %swap3A_303 = arith.constant 0 : index
    %swap3A_304 = vector.load %arg5[%swap3A_302, %swap3A_303] : memref<1024x128xf32, #tpu.memory_space<vmem>>, vector<128x128xf32>
    tpu.vector_store %arg5[%swap3A_302, %swap3A_303], %transpose3A_301 {strides = array<i32>} : memref<1024x128xf32, #tpu.memory_space<vmem>>, vector<128x128xf32>,
    %bitcast_convert_type3A_305 = tpu.bitcast %pack_elementwise3A_299 : vector<128x128xi32> -> vector<128x128xf32>
    %transpose3A_306 = tpu.transpose %bitcast_convert_type3A_305, [1, 0] : vector<128x128xf32> -> vector<128x128xf32>
    %swap3A_307 = arith.constant 768 : index
    %swap3A_308 = arith.constant 0 : index
    %swap3A_309 = vector.load %arg6[%swap3A_307, %swap3A_308] : memref<1024x128xf32, #tpu.memory_space<vmem>>, vector<128x128xf32>
    tpu.vector_store %arg6[%swap3A_307, %swap3A_308], %transpose3A_306 {strides = array<i32>} : memref<1024x128xf32, #tpu.memory_space<vmem>>, vector<128x128xf32>,
    %get3A_310 = arith.constant 0 : index
    %get3A_311 = arith.constant 0 : index
    %get3A_312 = arith.constant 7 : index
    %get3A_313 = arith.constant 0 : index
    %get3A_314 = vector.load %arg2[%get3A_310, %get3A_311, %get3A_312, %get3A_313] : memref<1x384x8x128xf32, #tpu.memory_space<vmem>>, vector<1x384x1x128xf32>
    %get3A_315 = vector.shape_cast %get3A_314 : vector<1x384x1x128xf32> to vector<384x128xf32>
    %slice3A_316 = vector.extract_strided_slice %get3A_315 {offsets = [0, 0], sizes = [128, 128], strides = [1, 1]} : vector<384x128xf32> to vector<128x128xf32>
    %slice3A_317 = vector.extract_strided_slice %get3A_315 {offsets = [128, 0], sizes = [128, 128], strides = [1, 1]} : vector<384x128xf32> to vector<128x128xf32>
    %pack_elementwise3A_318 = tpu.pack_elementwise %slice3A_316, %slice3A_317 {target_type = bf16} : vector<128x128xf32>, vector<128x128xf32> -> vector<128x128xi32>
    %slice3A_319 = vector.extract_strided_slice %get3A_315 {offsets = [256, 0], sizes = [128, 128], strides = [1, 1]} : vector<384x128xf32> to vector<128x128xf32>
    %pack_elementwise3A_320 = tpu.pack_elementwise %slice3A_319, %broadcast_in_dim3A_0 {target_type = bf16} : vector<128x128xf32>, vector<128x128xf32> -> vector<128x128xi32>
    %bitcast_convert_type3A_321 = tpu.bitcast %pack_elementwise3A_318 : vector<128x128xi32> -> vector<128x128xf32>
    %transpose3A_322 = tpu.transpose %bitcast_convert_type3A_321, [1, 0] : vector<128x128xf32> -> vector<128x128xf32>
    %swap3A_323 = arith.constant 896 : index
    %swap3A_324 = arith.constant 0 : index
    %swap3A_325 = vector.load %arg5[%swap3A_323, %swap3A_324] : memref<1024x128xf32, #tpu.memory_space<vmem>>, vector<128x128xf32>
    tpu.vector_store %arg5[%swap3A_323, %swap3A_324], %transpose3A_322 {strides = array<i32>} : memref<1024x128xf32, #tpu.memory_space<vmem>>, vector<128x128xf32>,
    %bitcast_convert_type3A_326 = tpu.bitcast %pack_elementwise3A_320 : vector<128x128xi32> -> vector<128x128xf32>
    %transpose3A_327 = tpu.transpose %bitcast_convert_type3A_326, [1, 0] : vector<128x128xf32> -> vector<128x128xf32>
    %swap3A_328 = arith.constant 896 : index
    %swap3A_329 = arith.constant 0 : index
    %swap3A_330 = vector.load %arg6[%swap3A_328, %swap3A_329] : memref<1024x128xf32, #tpu.memory_space<vmem>>, vector<128x128xf32>
    tpu.vector_store %arg6[%swap3A_328, %swap3A_329], %transpose3A_327 {strides = array<i32>} : memref<1024x128xf32, #tpu.memory_space<vmem>>, vector<128x128xf32>,
    return
  }
  func.func @transform_0(%arg0: i32) -> (i32, i32, i32, i32) {
    %jit3A = arith.constant 3 : i32
    %div3A = arith.divsi %arg0, %jit3A : i32
    %sign3A = arith.constant 0 : i32
    %sign3A_0 = arith.cmpi sgt, %arg0, %sign3A : i32
    %sign3A_1 = arith.extui %sign3A_0 : i1 to i32
    %sign3A_2 = arith.constant 0 : i32
    %sign3A_3 = arith.cmpi slt, %arg0, %sign3A_2 : i32
    %sign3A_4 = arith.extui %sign3A_3 : i1 to i32
    %sign3A_5 = arith.subi %sign3A_1, %sign3A_4 : i32
    %sign3A_6 = arith.constant 0 : i32
    %sign3A_7 = arith.cmpi sgt, %jit3A, %sign3A_6 : i32
    %sign3A_8 = arith.extui %sign3A_7 : i1 to i32
    %sign3A_9 = arith.constant 0 : i32
    %sign3A_10 = arith.cmpi slt, %jit3A, %sign3A_9 : i32
    %sign3A_11 = arith.extui %sign3A_10 : i1 to i32
    %sign3A_12 = arith.subi %sign3A_8, %sign3A_11 : i32
    %ne3A = arith.cmpi ne, %sign3A_5, %sign3A_12 : i32
    %rem3A = arith.remsi %arg0, %jit3A : i32
    %ne3A_13 = arith.constant 0 : i32
    %ne3A_14 = arith.cmpi ne, %rem3A, %ne3A_13 : i32
    %and3A = arith.andi %ne3A, %ne3A_14 : i1
    %sub3A = arith.constant 1 : i32
    %sub3A_15 = arith.subi %div3A, %sub3A : i32
    %select_n3A = arith.select %and3A, %sub3A_15, %div3A : i32
    %jit3A_16 = arith.constant 3 : i32
    %eq3A = arith.constant 0 : i32
    %eq3A_17 = arith.cmpi eq, %jit3A_16, %eq3A : i32
    %jit3A_18 = arith.constant 1 : i32
    %select_n3A_19 = arith.select %eq3A_17, %jit3A_18, %jit3A_16 : i32
    %rem3A_20 = arith.remsi %arg0, %select_n3A_19 : i32
    %ne3A_21 = arith.constant 0 : i32
    %ne3A_22 = arith.cmpi ne, %rem3A_20, %ne3A_21 : i32
    %lt3A = arith.constant 0 : i32
    %lt3A_23 = arith.cmpi slt, %rem3A_20, %lt3A : i32
    %lt3A_24 = arith.constant 0 : i32
    %lt3A_25 = arith.cmpi slt, %select_n3A_19, %lt3A_24 : i32
    %ne3A_26 = arith.xori %lt3A_23, %lt3A_25 : i1
    %and3A_27 = arith.andi %ne3A_26, %ne3A_22 : i1
    %add3A = arith.addi %rem3A_20, %select_n3A_19 : i32
    %select_n3A_28 = arith.select %and3A_27, %add3A, %rem3A_20 : i32
    %c0_i32 = arith.constant 0 : i32
    %c0_i32_29 = arith.constant 0 : i32
    %c0_i32_30 = arith.constant 0 : i32
    return %c0_i32, %c0_i32_29, %select_n3A, %select_n3A_28 : i32, i32, i32, i32
  }
  func.func @transform_1(%arg0: i32) -> (i32, i32, i32, i32) {
    %jit3A = arith.constant 3 : i32
    %div3A = arith.divsi %arg0, %jit3A : i32
    %sign3A = arith.constant 0 : i32
    %sign3A_0 = arith.cmpi sgt, %arg0, %sign3A : i32
    %sign3A_1 = arith.extui %sign3A_0 : i1 to i32
    %sign3A_2 = arith.constant 0 : i32
    %sign3A_3 = arith.cmpi slt, %arg0, %sign3A_2 : i32
    %sign3A_4 = arith.extui %sign3A_3 : i1 to i32
    %sign3A_5 = arith.subi %sign3A_1, %sign3A_4 : i32
    %sign3A_6 = arith.constant 0 : i32
    %sign3A_7 = arith.cmpi sgt, %jit3A, %sign3A_6 : i32
    %sign3A_8 = arith.extui %sign3A_7 : i1 to i32
    %sign3A_9 = arith.constant 0 : i32
    %sign3A_10 = arith.cmpi slt, %jit3A, %sign3A_9 : i32
    %sign3A_11 = arith.extui %sign3A_10 : i1 to i32
    %sign3A_12 = arith.subi %sign3A_8, %sign3A_11 : i32
    %ne3A = arith.cmpi ne, %sign3A_5, %sign3A_12 : i32
    %rem3A = arith.remsi %arg0, %jit3A : i32
    %ne3A_13 = arith.constant 0 : i32
    %ne3A_14 = arith.cmpi ne, %rem3A, %ne3A_13 : i32
    %and3A = arith.andi %ne3A, %ne3A_14 : i1
    %sub3A = arith.constant 1 : i32
    %sub3A_15 = arith.subi %div3A, %sub3A : i32
    %select_n3A = arith.select %and3A, %sub3A_15, %div3A : i32
    %jit3A_16 = arith.constant 3 : i32
    %eq3A = arith.constant 0 : i32
    %eq3A_17 = arith.cmpi eq, %jit3A_16, %eq3A : i32
    %jit3A_18 = arith.constant 1 : i32
    %select_n3A_19 = arith.select %eq3A_17, %jit3A_18, %jit3A_16 : i32
    %rem3A_20 = arith.remsi %arg0, %select_n3A_19 : i32
    %ne3A_21 = arith.constant 0 : i32
    %ne3A_22 = arith.cmpi ne, %rem3A_20, %ne3A_21 : i32
    %lt3A = arith.constant 0 : i32
    %lt3A_23 = arith.cmpi slt, %rem3A_20, %lt3A : i32
    %lt3A_24 = arith.constant 0 : i32
    %lt3A_25 = arith.cmpi slt, %select_n3A_19, %lt3A_24 : i32
    %ne3A_26 = arith.xori %lt3A_23, %lt3A_25 : i1
    %and3A_27 = arith.andi %ne3A_26, %ne3A_22 : i1
    %add3A = arith.addi %rem3A_20, %select_n3A_19 : i32
    %select_n3A_28 = arith.select %and3A_27, %add3A, %rem3A_20 : i32
    %c0_i32 = arith.constant 0 : i32
    %c0_i32_29 = arith.constant 0 : i32
    %c0_i32_30 = arith.constant 0 : i32
    return %c0_i32, %c0_i32_29, %select_n3A, %select_n3A_28 : i32, i32, i32, i32
  }
  func.func @transform_2(%arg0: i32) -> (i32, i32) {
    %c0_i32 = arith.constant 0 : i32
    %c0_i32_0 = arith.constant 0 : i32
    return %arg0, %c0_i32 : i32, i32
  }
  func.func @transform_3(%arg0: i32) -> (i32, i32) {
    %c0_i32 = arith.constant 0 : i32
    %c0_i32_0 = arith.constant 0 : i32
    return %arg0, %c0_i32 : i32, i32
  }
  func.func @transform_4(%arg0: i32) -> (i32, i32) {
    %c0_i32 = arith.constant 0 : i32
    %c0_i32_0 = arith.constant 0 : i32
    return %arg0, %c0_i32 : i32, i32
  }
  func.func @transform_5(%arg0: i32) -> (i32, i32) {
    %c0_i32 = arith.constant 0 : i32
    %c0_i32_0 = arith.constant 0 : i32
    return %arg0, %c0_i32 : i32, i32
  }
}

</mosaic_0001>

<sc_bundles>
// kernel: kernel.4.cloned.1.call-start
scs
__scs_entry_jumppad:
0x0: {  	(pc) =	sbr.rel $0x88, $3  }
0x1: {  	(tag) =	ssettag $0x0;
	lr =	simm.s32 $0x1  }
0x2: {  	[smem:$0x3F9B] =	sst lr;
	_ =	strace $0xD0000000  }
0x3: {  	_ = 	snop  }
0x4: {  	_ = 	snop  }
0x5: {  	_ = 	snop  }
0x6: {  	_ = 	snop  }
0x7: {  	_ = 	snop  }
__scs_overlays_trampoline_lowered:
0x8: {  	[smem:$0x3FAA] =	sst s0  }
0x9: {  	[smem:$0x3FAB] =	sst s1  }
0xa: {  	[smem:$0x3FAC] =	sst s2  }
0xb: {  	[smem:$0x3FAD] =	sst s3  }
0xc: {  	[smem:$0x3FAE] =	sst s4  }
0xd: {  	[smem:$0x3FAF] =	sst s5  }
0xe: {  	[smem:$0x3FB0] =	sst s6  }
0xf: {  	[smem:$0x3FB1] =	sst s7  }
0x10: {  	[smem:$0x3FB2] =	sst s8  }
0x11: {  	[smem:$0x3FB3] =	sst s9;
	s0 =	simm.s32 @!p0 $0x0  }
0x12: {  	s1 =	sld [smem:$0x3F99];
	s0 =	simm.s32 @p0 $0x1  }
0x13: {  	[smem:$0x3FB4] =	sst s0;
	s0 =	simm.s32 @!p1 $0x0  }
0x14: {  	s2 =	sld [smem:$0x3F98];
	s0 =	simm.s32 @p1 $0x1  }
0x15: {  	[smem:$0x3FB5] =	sst s0;
	s0 =	simm.s32 @!p2 $0x0  }
0x16: {  	s3 =	sld [smem:$0x3FDB];
	s0 =	simm.s32 @p2 $0x1  }
0x17: {  	s4 =	simm.s32 $0x1BF5;
	[smem:$0x3FB7] =	sst s0  }
0x18: {  	s0 =	sld [smem:$0x3F9A];
	_ =	swait.ge [sflag:s4], $0x0  }
0x19: {  	s7 =	sld [smem:$0x3F9B]  }
0x1a: {  	s8 =	sadd.s32 $0xFFFFE003, lr  }
0x1b: {  	s9 =	sadd.s32 $0xFFFFFEF7, lr;
	s5 =	simm.s32 $0xFFFFFFFF;
	p2 =	slt.u32 s8, $0xFFFFF086  }
0x1c: {  	p1 =	slt.u32 s9, $0xF7A;
	s5 =	simm.s32 @!p2 $0x0  }
0x1d: {  	s5 =	simm.s32 @p1 $0x1;
	p0 =	seq.s32 s7, s2  }
0x1e: {  	s7 =	smul.u32 @!p0 $0xF7A, s2;
	p2 =	seq.s32 @!p0 s5, $0x0  }
0x1f: {  	s9 =	smul.u32 $0xF7A, s1;
	s8 =	simm.s32 @!p0 $0x1BF5;
	p2 =	por !p2, p0  }
0x20: {  	[sflag:s8] =	ssyncset.s32 @!p0 $0xFFFFF086;
	s6 =	sadd.s32 @!p0 s3, s7;
	s7 =	simm.s32 @!p0 $0x108  }
0x21: {  	s3 =	sadd.s32 s3, s9;
	s6 =	sadd.s32 @!p0 $0x88, s6;
	s7 =	simm.s32 @p2 $0x1082  }
0x22: {  	[simem:s7], [sflag:s8] =	dma.local @!p0 [hbm:s6], $0xF7A  }
0x23: {  	s9 =	sor.u32 $0xD0000000, s2;
	s6 =	simm.s32 $0x108;
	_ =	swait.ge @!p0 [sflag:s8], $0x0  }
0x24: {  	s3 =	sadd.s32 $0x88, s3;
	s6 =	simm.s32 @!p1 $0x1082;
	[sflag:s4] =	ssyncset.s32 $0xFFFFF086  }
0x25: {  	[simem:s6], [sflag:s4] =	dma.local [hbm:s3], $0xF7A  }
0x26: {  	[smem:$0x3F9B] =	sst s1;
	(tag) =	ssettag s2;
	_ =	strace s9  }
0x27: {  	s1 =	sld [smem:$0x3FAB]  }
0x28: {  	s2 =	sld [smem:$0x3FAC]  }
0x29: {  	s4 =	sld [smem:$0x3FAE]  }
0x2a: {  	p0 =	seq.s32 s5, $0x0;
	s5 =	sld [smem:$0x3FAF]  }
0x2b: {  	s6 =	sld [smem:$0x3FB0]  }
0x2c: {  	s7 =	sld [smem:$0x3FB1]  }
0x2d: {  	s3 =	simm.s32 $0x108;
	s8 =	sld [smem:$0x3FB2]  }
0x2e: {  	s3 =	simm.s32 @!p0 $0x1082;
	s9 =	sld [smem:$0x3FB3]  }
0x2f: {  	lr =	sadd.s32 s0, s3;
	s0 =	sld [smem:$0x3FAA]  }
0x30: {  	s3 =	sld [smem:$0x3FAD]  }
0x31: {  	[smem:$0x3FB6] =	sst s10  }
0x32: {  	s10 =	sld [smem:$0x3FB4];
	_ =	sdelay $0x3  }
0x33: {  	p0 =	seq.s32 s10, $0x1;
	s10 =	sld [smem:$0x3FB6];
	_ =	sdelay $0x3  }
0x34: {  	[smem:$0x3FB6] =	sst s10  }
0x35: {  	s10 =	sld [smem:$0x3FB5];
	_ =	sdelay $0x3  }
0x36: {  	p1 =	seq.s32 s10, $0x1;
	s10 =	sld [smem:$0x3FB6];
	_ =	sdelay $0x3  }
0x37: {  	[smem:$0x3FB6] =	sst s10  }
0x38: {  	s10 =	sld [smem:$0x3FB7]  }
0x39: {  	_ = 	snop;
	(pc) =	sbr.ind lr, $3  }
0x3a: {  	_ = 	snop  }
0x3b: {  	_ = 	snop  }
0x3c: {  	p2 =	seq.s32 s10, $0x1;
	s10 =	sld [smem:$0x3FB6]  }
0x3d: {  	_ =	shalt  }
0x3e: {  	_ =	shalt  }
0x3f: {  	_ =	shalt  }
0x40: {  	_ =	shalt  }
0x41: {  	_ =	shalt  }
0x42: {  	_ =	shalt  }
0x43: {  	_ =	shalt  }
0x44: {  	_ =	shalt  }
0x45: {  	_ =	shalt  }
0x46: {  	_ =	shalt  }
0x47: {  	_ =	shalt  }
0x48: {  	_ =	shalt  }
0x49: {  	_ =	shalt  }
0x4a: {  	_ =	shalt  }
0x4b: {  	_ =	shalt  }
0x4c: {  	_ =	shalt  }
0x4d: {  	_ =	shalt  }
0x4e: {  	_ =	shalt  }
0x4f: {  	_ =	shalt  }
0x50: {  	_ =	shalt  }
0x51: {  	_ =	shalt  }
0x52: {  	_ =	shalt  }
0x53: {  	_ =	shalt  }
0x54: {  	_ =	shalt  }
0x55: {  	_ =	shalt  }
0x56: {  	_ =	shalt  }
0x57: {  	_ =	shalt  }
0x58: {  	_ =	shalt  }
0x59: {  	_ =	shalt  }
0x5a: {  	_ =	shalt  }
0x5b: {  	_ =	shalt  }
0x5c: {  	_ =	shalt  }
0x5d: {  	_ =	shalt  }
0x5e: {  	_ =	shalt  }
0x5f: {  	_ =	shalt  }
0x60: {  	_ =	shalt  }
0x61: {  	_ =	shalt  }
0x62: {  	_ =	shalt  }
0x63: {  	_ =	shalt  }
0x64: {  	_ =	shalt  }
0x65: {  	_ =	shalt  }
0x66: {  	_ =	shalt  }
0x67: {  	_ =	shalt  }
0x68: {  	_ =	shalt  }
0x69: {  	_ =	shalt  }
0x6a: {  	_ =	shalt  }
0x6b: {  	_ =	shalt  }
0x6c: {  	_ =	shalt  }
0x6d: {  	_ =	shalt  }
0x6e: {  	_ =	shalt  }
0x6f: {  	_ =	shalt  }
0x70: {  	_ =	shalt  }
0x71: {  	_ =	shalt  }
0x72: {  	_ =	shalt  }
0x73: {  	_ =	shalt  }
0x74: {  	_ =	shalt  }
0x75: {  	_ =	shalt  }
0x76: {  	_ =	shalt  }
0x77: {  	_ =	shalt  }
0x78: {  	_ =	shalt  }
0x79: {  	_ =	shalt  }
0x7a: {  	_ =	shalt  }
0x7b: {  	_ =	shalt  }
0x7c: {  	_ =	shalt  }
0x7d: {  	_ =	shalt  }
0x7e: {  	_ =	shalt  }
0x7f: {  	_ =	shalt  }
0x80: {  	_ =	shalt  }
0x81: {  	_ =	shalt  }
0x82: {  	_ =	shalt  }
0x83: {  	_ =	shalt  }
0x84: {  	_ =	shalt  }
0x85: {  	_ =	shalt  }
0x86: {  	_ =	shalt  }
0x87: {  	_ =	shalt  }
.Lfunc_end0:
.L_simem_size_0:
called_computation_lowered:
.L_overlay_start_0:
0x88: {  	s2 =	sld [smem:$0x3FD9]  }
0x89: {  	s3 =	sld [smem:$0x3FFE];
	_ =	sdelay $0x1  }
0x8a: {  	s1 =	srdreg.scid  }
0x8b: {  	s0 =	sand.u32 $0x1, s1  }
0x8c: {  	s16 =	sshll.u32 s0, $0xA;
	s2 =	sadd.s32 s3, s2  }
0x8d: {  	s2 =	sadd.s32 s2, s16  }
0x8e: {  	[smem:$0x3FC2] =	sst s2  }
0x8f: {  	_ = 	snop  }
0x90: {  	(tm) =	ssettm $0x1  }
0x91: {  	s17 =	sld [smem:$0x3FFB];
	_ =	sdelay $0x3  }
0x92: {  	_ =	strace s17  }
0x93: {  	s2 =	sld [smem:$0x3FFC];
	_ =	sdelay $0x3  }
0x94: {  	_ =	strace s2  }
0x95: {  	s2 =	sld [smem:$0x3FFD];
	_ =	sdelay $0x3  }
0x96: {  	_ =	strace s2  }
0x97: {  	_ =	strace $0x8FFFFFFF  }
0x98: {  	s18 =	sld [smem:$0x3FDB];
	_ =	sdelay $0x1  }
0x99: {  	s19 =	simm.s32 $_scs_section_size  }
0x9a: {  	s4 =	simm.s32 $_size__tile_overlayer_lowered;
	s5 =	simm.s32 $_tile_overlayer_lowered  }
0x9b: {  	s22 =	simm.s32 $0x1BFF;
	s21 =	sshll.u32 s5, $0x1;
	s2 =	sadd.s32 s19, s18  }
0x9c: {  	s6 =	simm.s32 $0x0;
	s20 =	sshll.u32 s4, $0x1;
	s4 =	sadd.s32 s21, s2  }
0x9d: {  	[timem:s6], [sflag:s22] =	dma.local [hbm:s4], s20  }
0x9e: {  	_ =	swait.ge [sflag:s22], s20  }
0x9f: {  	s3 =	ssub.s32 $0x0, s20;
	[sflag:s22] =	ssyncset.done $0x0  }
0xa0: {  	[sflag:s22] =	ssyncadd.s32 s3;
	_ =	sdelay $0x1  }
0xa1: {  	s23 =	simm.s32 $0x1B8B  }
0xa2: {  	_ =	swait.ge [sflag:s23], $0x1  }
0xa3: {  	[sflag:s23] =	ssyncset.done $0x0  }
0xa4: {  	s25 =	simm.s32 $0x1B8E;
	s24 =	sld [smem:$0x3FFE];
	[sflag:s23] =	ssyncadd.s32 $0xFFFFFFFF  }
0xa5: {  	s26 =	simm.s32 $execute0_lowered;
	[smem:$0x3FD2] =	sst s25  }
0xa6: {  	s4 =	sshll.u32 s26, $0x1;
	_ =	strace $0x80000046;
	[dreg:$0x1] =	wrdreg $0xFFFFFFFF  }
0xa7: {  	s28 =	simm.s32 $_size_execute0_lowered;
	s2 =	sadd.s32 s2, s4;
	[dreg:$0x0] =	wrdreg $0x0  }
0xa8: {  	s4 =	sshll.u32 s28, $0x1;
	[dreg:$0x2] =	wrdreg s2  }
0xa9: {  	[dreg:$0x3] =	wrdreg s4  }
0xaa: {  	[dreg:$0x4] =	wrdreg $0xC0  }
0xab: {  	_ =	task [dreg:s6], $0x5FFFF  }
0xac: {  	[dreg:$0x1] =	wrdreg $0xFFFFFFFF  }
0xad: {  	[dreg:$0x0] =	wrdreg $0x60  }
0xae: {  	[dreg:$0x2] =	wrdreg s24  }
0xaf: {  	[dreg:$0x3] =	wrdreg $0x9  }
0xb0: {  	_ =	task.clear_ibuf [dreg:s6], $0x4FFFF;
	_ =	strace $0x90000046  }
0xb1: {  	s29 =	simm.s32 $0x9;
	_ =	strace $0x80000048  }
0xb2: {  	_ =	swait.ge [sflag:s29], $0x1  }
0xb3: {  	[sflag:s29] =	ssyncadd.s32 $0xFFFFFFFF  }
0xb4: {  	_ =	strace $0x90000048  }
0xb5: {  	_ =	sfence  }
0xb6: {  	s30 =	sld [smem:$0x0];
	_ =	sdelay $0x2  }
0xb7: {  	s31 =	sshll.u32 s1, $0xD;
	s1 =	sshrl.u32 s1, $0x2  }
0xb8: {  	s3 =	sand.u32 $0x4000, s31;
	s1 =	sadd.s32 s1, s30  }
0xb9: {  	s0 =	sor.u32 s3, s0;
	s1 =	sshll.u32 s1, $0x11  }
0xba: {  	s0 =	sor.u32 s1, s0  }
0xbb: {  	s0 =	sadd.s32 $0x8F2B, s0  }
0xbc: {  	[sflag:s0] =	ssyncadd.remote.s32 $0x1  }
0xbd: {  	_ =	sfence.sel $0xFFFF  }
0xbe: {  	[dreg:$0x0] =	wrdreg $0xFFFFFFFF;
	(pc) =	sbr.abs _section_cstart, $3  }
0xbf: {  	[dreg:$0x1] =	wrdreg $0xFFFFFFFF  }
0xc0: {  	_ =	task.clear_ibuf [dreg:s6], $0x2FFFF;
	_ =	strace $0x9FFFFFFF  }
0xc1: {  	(tm) =	ssettm $0x7FFFFFFF  }
tec
execute0_lowered:
.L_overlay_start_1:
0x0: {  	(tag) =	ssettag $0x1  }
0x1: {  	s2 =	rddreg [dreg:$0x0];
	s0 =	srdreg.scid  }
0x2: {  	s1 =	stileid.u32;
	s3 =	simm.s32 $0x0;
	s13 =	simm.s32 $0x4  }
0x3: {  	s14 =	simm.s32 $0x1300;
	s15 =	simm.s32 $0x40;
	s16 =	simm.s32 $0x2600  }
0x4: {  	s17 =	simm.s32 $0x8600;
	s18 =	simm.s32 $0xE600;
	s19 =	simm.s32 $0x14600  }
0x5: {  	s28 =	simm.s32 $0x12600;
	s29 =	simm.s32 $0x18600;
	s30 =	simm.s32 $0x1  }
0x6: {  	s31 =	simm.s32 $0x2;
	s20 =	simm.s32 $0x0;
	s0 =	sand.u32 $0x1, s0  }
0x7: {  	s1 =	sshll.u32 s1, $0x1;
	[smem:$0x7FF] =	sst s3;
	s5 =	sadd.s32 $0x240000, s2  }
0x8: {  	s6 =	sadd.s32 $0x480000, s2;
	s7 =	sadd.s32 $0x6C0000, s2;
	s1 =	sor.u32 s0, s1  }
0x9: {  	_ =	strace $0x80000047;
	s0 =	ssub.s32 $0x2, s0;
	s4 =	smul.u32 $0x1300, s1  }
0xa: {  	s9 =	sshll.u32 s1, $0x2;
	s25 =	sshrl.u32 s0, $0x1;
	p0 =	seq.s32 s1, $0x1F  }
0xb: {  	s1 =	simm.f32 $0.0e+00;
	s11 =	sadd.s32 s9, s2;
	s0 =	ssub.s32 s0, s25  }
0xc: {  	s1 =	simm.s32 @!p0 $0x3F800000;
	s25 =	simm.s32 $0x6600;
	s8 =	sshrl.u32 s4, $0x3  }
0xd: {  	s11 =	sadd.s32 $0x909800, s11;
	s12 =	smax.u32 s0, $0x1;
	s10 =	sadd.s32 s8, s2  }
0xe: {  	s0 =	simm.s32 $0x3;
	s26 =	sadd.s32 $0x904C00, s10;
	s9 =	sadd.s32 $0x900000, s10  }
0xf: {  	v0 =	vmov s1;
	s10 =	sor.u32 $0x40, s4;
	[dreg:$0x2] =	wrdreg s26;
	s26 =	simm.s32 $0xC600  }
.LBB2_1:
0x10: {  	s1 =	rddreg [dreg:$0x2]  }
0x11: {  	[tilespmem:s3], [sflag:$0x4] =	stream.linear.gather [hbm4b:s1+s3], $0x1300, $0x38;
	[tilespmem:$0x1A620] =	vst v63  }
0x12: {  	_ =	swait.ge [sflag:s13], $0x1300  }
0x13: {  	[sflag:s13] =	ssyncset.done $0x0  }
0x14: {  	[sflag:s13] =	ssyncadd.s32 $0xFFFFED00  }
0x15: {  	[tilespmem:s14], [sflag:$0x4] =	stream.linear.gather [hbm4b:s9+s3], $0x1300, $0x38;
	[tilespmem:$0x1A620] =	vst v63  }
0x16: {  	_ =	swait.ge [sflag:s13], $0x1300  }
0x17: {  	[sflag:s13] =	ssyncset.done $0x0  }
0x18: {  	[sflag:s13] =	ssyncadd.s32 $0xFFFFED00  }
0x19: {  	[tilespmem:s16], [sflag:$0x1] =	stream.indirect.gather [hbm4b:s2+s15], $0x80, s3, s15, $0xb8;
	[tilespmem:$0x1A620] =	vst v63  }
0x1a: {  	_ = 	snop  }
0x1b: {  	[tilespmem:s17], [sflag:$0x1] =	stream.indirect.gather [hbm4b:s5+s15], $0x80, s3, s15, $0xb8;
	[tilespmem:$0x1A620] =	vst v63  }
0x1c: {  	_ = 	snop  }
0x1d: {  	[tilespmem:s18], [sflag:$0x1] =	stream.indirect.gather [hbm4b:s6+s15], $0x80, s14, s15, $0xb8;
	[tilespmem:$0x1A620] =	vst v63  }
0x1e: {  	_ = 	snop  }
0x1f: {  	[tilespmem:s19], [sflag:$0x1] =	stream.indirect.gather [hbm4b:s7+s15], $0x80, s14, s15, $0xb8;
	[tilespmem:$0x1A620] =	vst v63  }
0x20: {  	s21 =	simm.s32 $0x4600  }
0x21: {  	[tilespmem:s21], [sflag:$0x2] =	stream.indirect.gather [hbm4b:s2+s15], $0x80, s15, s15, $0xb8;
	[tilespmem:$0x1A620] =	vst v63  }
0x22: {  	s22 =	simm.s32 $0xA600  }
0x23: {  	[tilespmem:s22], [sflag:$0x2] =	stream.indirect.gather [hbm4b:s5+s15], $0x80, s15, s15, $0xb8;
	[tilespmem:$0x1A620] =	vst v63  }
0x24: {  	s23 =	simm.s32 $0x1340;
	s8 =	simm.s32 $0x10600  }
0x25: {  	[tilespmem:s8], [sflag:$0x2] =	stream.indirect.gather [hbm4b:s6+s15], $0x80, s23, s15, $0xb8;
	[tilespmem:$0x1A620] =	vst v63  }
0x26: {  	s24 =	simm.s32 $0x16600;
	s21 =	simm.s32 $0x0  }
0x27: {  	v1 =	vimm.f32 $0.0e+00;
	v2 =	vimm.f32 $0.0e+00;
	[tilespmem:s24], [sflag:$0x2] =	stream.indirect.gather [hbm4b:s7+s15], $0x80, s23, s15, $0xb8;
	[tilespmem:$0x1A620] =	vst v63  }
.LBB2_2:
0x28: {  	s24 =	smul.u32 $0xC0, s21;
	_ =	sdelay $0x1  }
0x29: {  	s23 =	sadd.s32 $0x80, s24  }
0x2a: {  	[tilespmem:s25], [sflag:$0x3] =	stream.indirect.gather [hbm4b:s2+s15], $0x80, s23, s15, $0xb8;
	[tilespmem:$0x1A620] =	vst v63  }
0x2b: {  	_ = 	snop  }
0x2c: {  	[tilespmem:s26], [sflag:$0x3] =	stream.indirect.gather [hbm4b:s5+s15], $0x80, s23, s15, $0xb8;
	[tilespmem:$0x1A620] =	vst v63  }
0x2d: {  	s1 =	sadd.s32 $0x1380, s24  }
0x2e: {  	[tilespmem:s28], [sflag:$0x3] =	stream.indirect.gather [hbm4b:s6+s15], $0x80, s1, s15, $0xb8;
	[tilespmem:$0x1A620] =	vst v63  }
0x2f: {  	_ = 	snop  }
0x30: {  	[tilespmem:s29], [sflag:$0x3] =	stream.indirect.gather [hbm4b:s7+s15], $0x80, s1, s15, $0xb8;
	[tilespmem:$0x1A620] =	vst v63  }
0x31: {  	_ =	swait.ge [sflag:s30], $0x2000  }
0x32: {  	[sflag:s30] =	ssyncset.done $0x0  }
0x33: {  	[sflag:s30] =	ssyncadd.s32 $0xFFFFE000  }
0x34: {  	_ =	swait.ge [sflag:s30], $0x2000  }
0x35: {  	[sflag:s30] =	ssyncset.done $0x0  }
0x36: {  	[sflag:s30] =	ssyncadd.s32 $0xFFFFE000  }
0x37: {  	_ =	swait.ge [sflag:s30], $0x2000  }
0x38: {  	[sflag:s30] =	ssyncset.done $0x0  }
0x39: {  	[sflag:s30] =	ssyncadd.s32 $0xFFFFE000  }
0x3a: {  	_ =	swait.ge [sflag:s30], $0x2000  }
0x3b: {  	[sflag:s30] =	ssyncset.done $0x0  }
0x3c: {  	s1 =	simm.s32 $0x0;
	[sflag:s30] =	ssyncadd.s32 $0xFFFFE000  }
0x3d: {  	v3 =	vld [tilespmem:s1+$0x14670]  }
0x3e: {  	v4 =	vld [tilespmem:s1+$0x8670]  }
0x3f: {  	v5 =	vld [tilespmem:s1+$0x14640]  }
0x40: {  	v6 =	vld [tilespmem:s1+$0x14650]  }
0x41: {  	v7 =	vld [tilespmem:s1+$0x14630]  }
0x42: {  	v8 =	vld [tilespmem:s1+$0x8640]  }
0x43: {  	v9 =	vld [tilespmem:s1+$0xE670]  }
0x44: {  	v10 =	vld [tilespmem:s1+$0x14620]  }
0x45: {  	v11 =	vld [tilespmem:s1+$0xE600]  }
0x46: {  	v12 =	vld [tilespmem:s1+$0x8650]  }
0x47: {  	v13 =	vld [tilespmem:s1+$0x8630]  }
0x48: {  	v14 =	vld [tilespmem:s1+$0xE660]  }
0x49: {  	v15 =	vld [tilespmem:s1+$0x2650]  }
0x4a: {  	v17 =	vld [tilespmem:s1+$0xE610]  }
0x4b: {  	v18 =	vld [tilespmem:s1+$0x2670]  }
0x4c: {  	v19 =	vld [tilespmem:s1+$0xE650]  }
0x4d: {  	v20 =	vld [tilespmem:s1+$0x2610]  }
0x4e: {  	v21 =	vld [tilespmem:s1+$0x2600]  }
0x4f: {  	v23 =	vld [tilespmem:s1+$0x8620]  }
0x50: {  	v25 =	vld [tilespmem:s1+$0x2660]  }
0x51: {  	s22 =	sadd.s32 s4, s24;
	v22 =	vsub.bf16 v4, v3;
	v5 =	vsub.bf16 v8, v5  }
0x52: {  	s8 =	simm.f32 $1.000000000e+00;
	p0 =	slt.u32 s22, $0x400;
	s22 =	sadd.s32 $0xFFFFFC00, s22;
	v6 =	vsub.bf16 v12, v6;
	v7 =	vsub.bf16 v13, v7  }
0x53: {  	p1 =	slt.u32 s22, $0x25800;
	s22 =	simm.f32 $1.000000000e+00;
	s8 =	simm.s32 @!p0 $0x0;
	v17 =	vsub.bf16 v20, v17;
	v9 =	vsub.bf16 v18, v9  }
0x54: {  	s22 =	simm.s32 @!p1 $0x0;
	v16 =	vld [tilespmem:s1+$0xE630];
	v4 =	vmov s8;
	v11 =	vsub.bf16 v21, v11;
	v15 =	vsub.bf16 v15, v19  }
0x55: {  	v27 =	vld [tilespmem:s1+$0x8600];
	v3 =	vmov s22;
	v10 =	vsub.bf16 v23, v10;
	v14 =	vsub.bf16 v25, v14  }
0x56: {  	v28 =	vld [tilespmem:s1+$0x14610];
	v24 =	vunpack.i.u.bf16.f32 v22;
	v8 =	vunpack.i.l.bf16.f32 v5;
	v26 =	vunpack.i.u.bf16.f32 v6  }
0x57: {  	v12 =	vld [tilespmem:s1+$0x2630];
	v6 =	vunpack.i.l.bf16.f32 v6;
	v5 =	vunpack.i.u.bf16.f32 v5;
	v19 =	vunpack.i.u.bf16.f32 v17  }
0x58: {  	v30 =	vld [tilespmem:s1+$0x8610];
	v20 =	vunpack.i.u.bf16.f32 v9;
	v17 =	vunpack.i.l.bf16.f32 v17;
	v25 =	vunpack.i.l.bf16.f32 v10  }
0x59: {  	v31 =	vld [tilespmem:s1+$0x8660];
	v29 =	vunpack.i.u.bf16.f32 v15;
	v15 =	vunpack.i.l.bf16.f32 v15;
	v19 =	vmul.f32 v19, v19  }
0x5a: {  	v18 =	vld [tilespmem:s1+$0x14600];
	v9 =	vunpack.i.l.bf16.f32 v9;
	v17 =	vmul.f32 v17, v17;
	v15 =	vmul.f32 v15, v15  }
0x5b: {  	v13 =	vld [tilespmem:s1+$0x14660];
	v10 =	vunpack.i.u.bf16.f32 v10;
	v20 =	vmul.f32 v20, v20;
	v57 =	vmul.f32 v6, v6  }
0x5c: {  	v41 =	vmul.f32 v5, v5;
	v5 =	vmul.f32 v26, v26;
	v12 =	vsub.bf16 v12, v16  }
0x5d: {  	v6 =	vunpack.i.u.bf16.f32 v14;
	v10 =	vmul.f32 v10, v10;
	v25 =	vmul.f32 v25, v25  }
0x5e: {  	v21 =	vld [tilespmem:s1+$0x2640];
	s8 =	simm.s32 $0x80;
	v24 =	vmul.f32 v24, v24;
	v8 =	vmul.f32 v8, v8;
	v23 =	vunpack.i.u.bf16.f32 v12  }
0x5f: {  	v35 =	vld [tilespmem:s8+$0x14630];
	v6 =	vmul.f32 v6, v6;
	v18 =	vsub.bf16 v27, v18;
	v23 =	vmul.f32 v23, v23  }
0x60: {  	v16 =	vld [tilespmem:s1+$0xE640];
	v27 =	vsub.bf16 v30, v28;
	v13 =	vsub.bf16 v31, v13;
	v12 =	vunpack.i.l.bf16.f32 v12  }
0x61: {  	v26 =	vld [tilespmem:s8+$0x8630];
	v28 =	vunpack.i.u.bf16.f32 v18;
	v19 =	vadd.f32 v23, v19;
	v23 =	vmul.f32 v29, v29  }
0x62: {  	v32 =	vld [tilespmem:s1+$0x2620];
	v30 =	vunpack.i.u.bf16.f32 v27;
	v27 =	vunpack.i.l.bf16.f32 v27;
	v12 =	vmul.f32 v12, v12  }
0x63: {  	v33 =	vunpack.i.u.bf16.f32 v13;
	v13 =	vunpack.i.l.bf16.f32 v13;
	v19 =	vadd.f32 v23, v19;
	v23 =	vld [tilespmem:s1+$0xE620]  }
0x64: {  	v39 =	vmul.f32 v13, v13;
	v30 =	vmul.f32 v30, v30;
	v12 =	vadd.f32 v12, v17  }
0x65: {  	v16 =	vsub.bf16 v21, v16;
	v17 =	vunpack.i.l.bf16.f32 v7;
	v21 =	vunpack.i.u.bf16.f32 v7;
	v7 =	vld [tilespmem:s8+$0x14670]  }
0x66: {  	v35 =	vsub.bf16 v26, v35;
	v19 =	vadd.f32 v20, v19;
	v20 =	vunpack.i.l.bf16.f32 v22;
	v22 =	vld [tilespmem:s8+$0x8670]  }
0x67: {  	v34 =	vld [tilespmem:s8+$0x14650];
	v26 =	vmul.f32 v27, v27;
	v29 =	vmul.f32 v9, v9;
	v9 =	vunpack.i.l.bf16.f32 v14  }
0x68: {  	v31 =	vld [tilespmem:s8+$0x14640];
	v17 =	vmul.f32 v17, v17;
	v21 =	vmul.f32 v21, v21;
	v23 =	vsub.bf16 v32, v23  }
0x69: {  	v14 =	vld [tilespmem:s8+$0x8640];
	v40 =	vunpack.i.l.bf16.f32 v16;
	v16 =	vunpack.i.u.bf16.f32 v16;
	v12 =	vadd.f32 v15, v12  }
0x6a: {  	v38 =	vld [tilespmem:s8+$0xE670];
	v36 =	vmul.f32 v20, v20;
	v20 =	vunpack.i.l.bf16.f32 v11;
	v37 =	vunpack.i.l.bf16.f32 v23  }
0x6b: {  	v58 =	vld [tilespmem:s8+$0x14620];
	v20 =	vmul.f32 v20, v20;
	v7 =	vsub.bf16 v22, v7;
	v22 =	vmul.f32 v37, v37  }
0x6c: {  	v59 =	vld [tilespmem:s8+$0x8620];
	v12 =	vadd.f32 v29, v12;
	v11 =	vunpack.i.u.bf16.f32 v11;
	v23 =	vunpack.i.u.bf16.f32 v23  }
0x6d: {  	v60 =	vld [tilespmem:s8+$0x2630];
	v11 =	vmul.f32 v11, v11;
	v20 =	vadd.f32 v22, v20;
	v22 =	vmul.f32 v23, v23  }
0x6e: {  	v40 =	vmul.f32 v40, v40;
	v14 =	vsub.bf16 v14, v31;
	v12 =	vadd.f32 v26, v12;
	v23 =	vld [tilespmem:s8+$0x8650]  }
0x6f: {  	v13 =	vld [tilespmem:s8+$0xE600];
	v16 =	vmul.f32 v16, v16;
	v19 =	vadd.f32 v30, v19;
	v11 =	vadd.f32 v22, v11  }
0x70: {  	v9 =	vmul.f32 v9, v9;
	v30 =	vld [tilespmem:s8+$0xE630];
	v12 =	vadd.f32 v17, v12;
	v20 =	vadd.f32 v40, v20  }
0x71: {  	v18 =	vunpack.i.l.bf16.f32 v18;
	v19 =	vadd.f32 v21, v19;
	v21 =	vld [tilespmem:s8+$0x2670];
	v11 =	vadd.f32 v16, v11  }
0x72: {  	v18 =	vmul.f32 v18, v18;
	v62 =	vadd.f32 v57, v12;
	v22 =	vld [tilespmem:s8+$0x2650];
	v9 =	vadd.f32 v9, v20  }
0x73: {  	v16 =	vld [tilespmem:s8+$0xE610];
	v20 =	vsub.bf16 v23, v34;
	v23 =	vmul.f32 v28, v28;
	v6 =	vadd.f32 v6, v11  }
0x74: {  	v33 =	vmul.f32 v33, v33;
	v28 =	vld [tilespmem:s8+$0xE650];
	v11 =	vadd.f32 v5, v19;
	v18 =	vadd.f32 v18, v9  }
0x75: {  	v19 =	vld [tilespmem:s8+$0x2610];
	v5 =	vunpack.i.u.bf16.f32 v7;
	v9 =	vunpack.i.u.bf16.f32 v20;
	v23 =	vadd.f32 v23, v6  }
0x76: {  	v31 =	vld [tilespmem:s8+$0x2600];
	v6 =	vunpack.i.l.bf16.f32 v14;
	v25 =	vadd.f32 v25, v18;
	v15 =	vadd.f32 v24, v11  }
0x77: {  	v18 =	vunpack.i.l.bf16.f32 v20;
	v20 =	vsub.bf16 v21, v38;
	v21 =	vsub.bf16 v59, v58  }
0x78: {  	v11 =	vunpack.i.u.bf16.f32 v14;
	v24 =	vsub.bf16 v60, v30;
	v23 =	vadd.f32 v10, v23  }
0x79: {  	v42 =	vld [tilespmem:s8+$0xE660];
	v14 =	vsub.bf16 v22, v28;
	v28 =	vunpack.i.u.bf16.f32 v20;
	v25 =	vadd.f32 v8, v25  }
0x7a: {  	v61 =	vld [tilespmem:s8+$0x2640];
	v26 =	vunpack.i.u.bf16.f32 v24;
	v24 =	vunpack.i.l.bf16.f32 v24;
	v19 =	vsub.bf16 v19, v16  }
0x7b: {  	v63 =	vld [tilespmem:s8+$0x8600];
	v20 =	vunpack.i.l.bf16.f32 v20;
	v16 =	vsub.bf16 v31, v13;
	v30 =	vmul.f32 v24, v24  }
0x7c: {  	v10 =	vld [tilespmem:s8+$0x2660];
	v12 =	vmul.f32 v20, v20;
	v32 =	vmul.f32 v28, v28;
	v13 =	vunpack.i.u.bf16.f32 v19  }
0x7d: {  	v29 =	vld [tilespmem:s8+$0x14600];
	v27 =	vunpack.i.u.bf16.f32 v14;
	v19 =	vunpack.i.l.bf16.f32 v19;
	v13 =	vmul.f32 v13, v13  }
0x7e: {  	v14 =	vunpack.i.l.bf16.f32 v14;
	v17 =	vmul.f32 v19, v19;
	v19 =	vmul.f32 v26, v26;
	v26 =	vld [tilespmem:s8+$0xE640]  }
0x7f: {  	v8 =	vld [tilespmem:s8+$0x14660];
	v20 =	vadd.f32 v41, v23;
	v39 =	vadd.f32 v39, v25;
	v25 =	vunpack.i.l.bf16.f32 v35  }
0x80: {  	v23 =	vld [tilespmem:s8+$0x14610];
	v31 =	vmul.f32 v27, v27;
	v14 =	vmul.f32 v14, v14;
	v24 =	vadd.f32 v19, v13  }
0x81: {  	v20 =	vadd.f32 v33, v20;
	v33 =	vld [tilespmem:s8+$0x8610];
	v22 =	vsub.bf16 v10, v42;
	v10 =	vunpack.i.l.bf16.f32 v21  }
0x82: {  	v13 =	vld [tilespmem:s8+$0x8660];
	v31 =	vadd.f32 v31, v24;
	v24 =	vunpack.i.u.bf16.f32 v21;
	v21 =	vadd.f32 v36, v62  }
0x83: {  	v28 =	vld [tilespmem:s8+$0xE620];
	v17 =	vadd.f32 v30, v17;
	v19 =	vunpack.i.l.bf16.f32 v22;
	v30 =	vsub.bf16 v61, v26  }
0x84: {  	s1 =	simm.s32 $0x400;
	v27 =	vld [tilespmem:s8+$0x2620];
	v26 =	vsub.bf16 v63, v29;
	v29 =	vunpack.i.u.bf16.f32 v35;
	v21 =	vadd.f32 v21, v39  }
.LBB2_3:
0x85: {  	s22 =	sshra.s32 s1, $0x2;
	p0 =	sne.s32 s1, $0x7E00;
	s1 =	sadd.s32 $0x200, s1;
	v31 =	vadd.f32 v32, v31;
	v7 =	vunpack.i.l.bf16.f32 v7;
	v15 =	vadd.f32 v15, v20  }
0x86: {  	v32 =	vld [tilespmem:s22+$0x14670];
	v34 =	vunpack.i.u.bf16.f32 v26;
	v35 =	vunpack.i.l.bf16.f32 v26;
	v20 =	vsub.bf16 v33, v23  }
0x87: {  	v13 =	vsub.bf16 v13, v8;
	v8 =	vld [tilespmem:s22+$0x14660];
	v15 =	vadd.f32 v21, v15  }
0x88: {  	v25 =	vmul.f32 v25, v25;
	v26 =	vld [tilespmem:s22+$0x8670];
	v33 =	vunpack.i.u.bf16.f32 v20;
	v36 =	vunpack.i.l.bf16.f32 v20  }
0x89: {  	v38 =	vunpack.i.l.bf16.f32 v13;
	v20 =	vunpack.i.u.bf16.f32 v13;
	v37 =	vld [tilespmem:s22+$0x14640];
	(xrf2) =	vadd.scan.msk.f32 $0xffff, v15  }
0x8a: {  	v23 =	vmul.f32 v18, v18;
	v15 =	vsub.bf16 v27, v28;
	v13 =	vld [tilespmem:s22+$0x8660]  }
0x8b: {  	v22 =	vunpack.i.u.bf16.f32 v22;
	v21 =	vmul.f32 v7, v7;
	v20 =	vmul.f32 v20, v20;
	v18 =	vld [tilespmem:s22+$0x14650]  }
0x8c: {  	v22 =	vmul.f32 v22, v22;
	v28 =	vunpack.i.l.bf16.f32 v16;
	v39 =	vunpack.i.l.bf16.f32 v15;
	v27 =	vld [tilespmem:s22+$0x14630]  }
0x8d: {  	v28 =	vmul.f32 v28, v28;
	v40 =	vld [tilespmem:s22+$0x8640];
	v7 =	vsub.bf16 v26, v32;
	v32 =	vmul.f32 v39, v39  }
0x8e: {  	v16 =	vunpack.i.u.bf16.f32 v16;
	v15 =	vunpack.i.u.bf16.f32 v15;
	v26 =	vmul.f32 v38, v38;
	v39 =	vld [tilespmem:s22+$0xE670]  }
0x8f: {  	v16 =	vmul.f32 v16, v16;
	v15 =	vmul.f32 v15, v15;
	v38 =	vld [tilespmem:s22+$0x14620];
	v28 =	vadd.f32 v32, v28  }
0x90: {  	v41 =	vunpack.i.l.bf16.f32 v30;
	v42 =	vmul.f32 v11, v11;
	v9 =	vmul.f32 v9, v9;
	v32 =	vld [tilespmem:s22+$0xE600]  }
0x91: {  	v24 =	vmul.f32 v24, v24;
	v15 =	vadd.f32 v15, v16;
	v16 =	vmul.f32 v33, v33;
	v11 =	vld [tilespmem:s22+$0x8650]  }
0x92: {  	v30 =	vunpack.i.u.bf16.f32 v30;
	v29 =	vmul.f32 v29, v29;
	v41 =	vmul.f32 v41, v41;
	v33 =	vld [tilespmem:s22+$0x8630]  }
0x93: {  	v30 =	vmul.f32 v30, v30;
	v16 =	vadd.f32 v16, v31;
	v37 =	vsub.bf16 v40, v37;
	v43 =	vld [tilespmem:s22+$0xE660];
	v31, _, _ =	vpop (xrf2)  }
0x94: {  	v19 =	vmul.f32 v19, v19;
	v28 =	vadd.f32 v41, v28;
	v40 =	vld [tilespmem:s22+$0x2650];
	v41 =	vsub.f32 $5.000000000e-01, v31  }
0x95: {  	v15 =	vadd.f32 v30, v15;
	v16 =	vadd.f32 v29, v16;
	v29 =	vmul.f32 v31, v4;
	v44 =	vld [tilespmem:s22+$0xE630]  }
0x96: {  	v31 =	vmul.f32 v34, v34;
	v30 =	vld [tilespmem:s22+$0xE610];
	v11 =	vsub.bf16 v11, v18;
	v18 =	vmul.f32 v35, v35  }
0x97: {  	v15 =	vadd.f32 v22, v15;
	v19 =	vadd.f32 v19, v28;
	v22 =	vmax.f32 v41, $0.0e+00;
	v34 =	vld [tilespmem:s22+$0x2670]  }
0x98: {  	v16 =	vadd.f32 v9, v16;
	v2 =	vadd.f32 v29, v2;
	v9 =	vmul.f32 v22, v3;
	v35 =	vld [tilespmem:s22+$0xE650]  }
0x99: {  	v10 =	vmul.f32 v10, v10;
	v15 =	vadd.f32 v31, v15;
	v18 =	vadd.f32 v18, v19;
	v22 =	vld [tilespmem:s22+$0x2610]  }
0x9a: {  	v28 =	vmul.f32 v5, v5;
	v5 =	vunpack.i.u.bf16.f32 v7;
	v1 =	vadd.f32 v9, v1;
	v19 =	vld [tilespmem:s22+$0x2600]  }
0x9b: {  	v31 =	vunpack.i.l.bf16.f32 v37;
	v9 =	vunpack.i.u.bf16.f32 v11;
	v10 =	vadd.f32 v10, v18;
	v29 =	vld [tilespmem:s22+$0x8620]  }
0x9c: {  	v45 =	vsub.bf16 v33, v27;
	v33 =	vmul.f32 v36, v36;
	v24 =	vadd.f32 v24, v15;
	v41 =	vld [tilespmem:s22+$0x2630]  }
0x9d: {  	v14 =	vadd.f32 v14, v17;
	v15 =	vadd.f32 v28, v16;
	v18 =	vunpack.i.l.bf16.f32 v11;
	v36 =	vld [tilespmem:s22+$0x2660]  }
0x9e: {  	v11 =	vunpack.i.u.bf16.f32 v37;
	v17 =	vsub.bf16 v22, v30;
	v27 =	vld [tilespmem:s22+$0x2620];
	v30 =	vsub.bf16 v34, v39  }
0x9f: {  	v12 =	vadd.f32 v12, v14;
	v14 =	vmul.f32 v6, v6;
	v6 =	vmovc v31;
	v16 =	vsub.bf16 v19, v32;
	v28 =	vld [tilespmem:s22+$0xE620]  }
0xa0: {  	v31 =	vsub.bf16 v40, v35;
	v19 =	vunpack.i.u.bf16.f32 v17;
	v29 =	vsub.bf16 v29, v38  }
0xa1: {  	v12 =	vadd.f32 v33, v12;
	v34 =	vunpack.i.u.bf16.f32 v30;
	v32 =	vsub.bf16 v41, v44  }
0xa2: {  	v35 =	vadd.f32 v14, v10;
	v19 =	vmul.f32 v19, v19;
	v22 =	vsub.bf16 v36, v43  }
0xa3: {  	v14 =	vunpack.i.l.bf16.f32 v17;
	v10 =	vunpack.i.l.bf16.f32 v29;
	v17 =	vunpack.i.u.bf16.f32 v32  }
0xa4: {  	v12 =	vadd.f32 v25, v12;
	v30 =	vunpack.i.l.bf16.f32 v30;
	v32 =	vunpack.i.l.bf16.f32 v32;
	v36 =	vld [tilespmem:s22+$0x14600]  }
0xa5: {  	v25 =	vmul.f32 v14, v14;
	v14 =	vmul.f32 v17, v17;
	v17 =	vunpack.i.u.bf16.f32 v31;
	v37 =	vld [tilespmem:s22+$0xE640]  }
0xa6: {  	v40 =	vadd.f32 v23, v12;
	v38 =	vmul.f32 v32, v32;
	v31 =	vunpack.i.l.bf16.f32 v31;
	v39 =	vld [tilespmem:s22+$0x2640]  }
0xa7: {  	v12 =	vmul.f32 v30, v30;
	v17 =	vmul.f32 v17, v17;
	v32 =	vadd.f32 v14, v19;
	v41 =	vld [tilespmem:s22+$0x8600]  }
.Ltmp0:
0xa8: {  	v30 =	vadd.f32 v42, v24;
	v14 =	vmul.f32 v31, v31;
	v19 =	vunpack.i.l.bf16.f32 v22;
	v23 =	vld [tilespmem:s22+$0x14610];
	(pc) =	sbr.rel @p0 .LBB2_3-.Ltmp0, $4  }
0xa9: {  	v31 =	vadd.f32 v17, v32;
	v32 =	vmul.f32 v34, v34;
	v34 =	vadd.f32 v26, v35;
	v33 =	vld [tilespmem:s22+$0x8610]  }
0xaa: {  	v21 =	vadd.f32 v21, v40;
	v24 =	vunpack.i.u.bf16.f32 v29;
	v20 =	vadd.f32 v20, v30  }
0xab: {  	v17 =	vadd.f32 v38, v25;
	v25 =	vunpack.i.l.bf16.f32 v45;
	v30 =	vsub.bf16 v39, v37  }
0xac: {  	v29 =	vunpack.i.u.bf16.f32 v45;
	v21 =	vadd.f32 v21, v34;
	v26 =	vsub.bf16 v41, v36  }
0xad: {  	v31 =	vadd.f32 v32, v31;
	v7 =	vunpack.i.l.bf16.f32 v7  }
0xae: {  	v8 =	vsub.bf16 v13, v8;
	v25 =	vmul.f32 v25, v25;
	v27 =	vsub.bf16 v27, v28  }
0xaf: {  	v18 =	vmul.f32 v18, v18;
	v22 =	vunpack.i.u.bf16.f32 v22;
	v47 =	vunpack.i.l.bf16.f32 v16  }
0xb0: {  	v16 =	vunpack.i.u.bf16.f32 v16;
	v9 =	vmul.f32 v9, v9;
	v19 =	vmul.f32 v19, v19  }
0xb1: {  	v35 =	vunpack.i.l.bf16.f32 v30;
	v29 =	vmul.f32 v29, v29;
	v10 =	vmul.f32 v10, v10  }
0xb2: {  	v30 =	vunpack.i.u.bf16.f32 v30;
	v6 =	vmul.f32 v6, v6;
	v11 =	vmul.f32 v11, v11  }
0xb3: {  	v5 =	vmul.f32 v5, v5;
	v23 =	vsub.bf16 v33, v23;
	v34 =	vunpack.i.l.bf16.f32 v27  }
0xb4: {  	v33 =	vmul.f32 v47, v47;
	v27 =	vunpack.i.u.bf16.f32 v27;
	v34 =	vmul.f32 v34, v34  }
0xb5: {  	v14 =	vadd.f32 v14, v17;
	v16 =	vmul.f32 v16, v16;
	v27 =	vmul.f32 v27, v27  }
0xb6: {  	v45 =	vunpack.i.u.bf16.f32 v26;
	v48 =	vmul.f32 v35, v35;
	v33 =	vadd.f32 v34, v33  }
0xb7: {  	v13 =	vunpack.i.l.bf16.f32 v26;
	v16 =	vadd.f32 v27, v16;
	v27 =	vmul.f32 v30, v30  }
0xb8: {  	v22 =	vmul.f32 v22, v22;
	v13 =	vmul.f32 v13, v13;
	v30 =	vadd.f32 v48, v33  }
0xb9: {  	v17 =	vmul.f32 v45, v45;
	v26 =	vunpack.i.u.bf16.f32 v23;
	v16 =	vadd.f32 v27, v16  }
0xba: {  	v23 =	vunpack.i.l.bf16.f32 v23;
	v26 =	vmul.f32 v26, v26;
	v19 =	vadd.f32 v19, v30  }
0xbb: {  	v12 =	vadd.f32 v12, v14;
	v16 =	vadd.f32 v22, v16;
	v22 =	vmul.f32 v23, v23  }
0xbc: {  	v7 =	vmul.f32 v7, v7;
	v14 =	vadd.f32 v26, v31;
	v13 =	vadd.f32 v13, v19  }
0xbd: {  	v19 =	vmul.f32 v24, v24;
	v16 =	vadd.f32 v17, v16;
	v12 =	vadd.f32 v22, v12  }
0xbe: {  	v46 =	vunpack.i.u.bf16.f32 v8;
	v14 =	vadd.f32 v29, v14;
	v10 =	vadd.f32 v10, v13  }
0xbf: {  	v8 =	vunpack.i.l.bf16.f32 v8;
	v13 =	vadd.f32 v19, v16;
	v12 =	vadd.f32 v25, v12  }
0xc0: {  	v8 =	vmul.f32 v8, v8;
	v9 =	vadd.f32 v9, v14;
	v6 =	vadd.f32 v6, v10  }
0xc1: {  	v28 =	vmul.f32 v46, v46;
	v10 =	vadd.f32 v18, v12;
	v11 =	vadd.f32 v11, v13  }
0xc2: {  	v5 =	vadd.f32 v5, v9;
	v6 =	vadd.f32 v8, v6  }
0xc3: {  	v8 =	vadd.f32 v28, v11;
	v7 =	vadd.f32 v7, v10  }
0xc4: {  	v9 =	vadd.f32 v15, v20  }
0xc5: {  	v6 =	vadd.f32 v7, v6;
	v5 =	vadd.f32 v5, v8  }
0xc6: {  	v7 =	vadd.f32 v21, v9  }
0xc7: {  	v5 =	vadd.f32 v6, v5  }
0xc8: {  	(xrf2) =	vadd.scan.msk.f32 $0xffff, v7  }
0xc9: {  	(xrf2) =	vadd.scan.msk.f32 $0xffff, v5;
	_ =	sdelay $0x2  }
0xca: {  	s1 =	sadd.s32 $0xC0, s24  }
0xcb: {  	[tilespmem:s16], [sflag:$0x1] =	stream.indirect.gather [hbm4b:s2+s15], $0x80, s1, s15, $0xb8;
	[tilespmem:$0x1A620] =	vst v63  }
0xcc: {  	_ = 	snop  }
0xcd: {  	[tilespmem:s17], [sflag:$0x1] =	stream.indirect.gather [hbm4b:s5+s15], $0x80, s1, s15, $0xb8;
	[tilespmem:$0x1A620] =	vst v63  }
0xce: {  	s22 =	sadd.s32 $0x13C0, s24  }
0xcf: {  	[tilespmem:s18], [sflag:$0x1] =	stream.indirect.gather [hbm4b:s6+s15], $0x80, s22, s15, $0xb8;
	[tilespmem:$0x1A620] =	vst v63  }
0xd0: {  	v5, _, _ =	vpop (xrf2)  }
0xd1: {  	[tilespmem:s19], [sflag:$0x1] =	stream.indirect.gather [hbm4b:s7+s15], $0x80, s22, s15, $0xb8;
	v6, _, _ =	vpop (xrf2);
	[tilespmem:$0x1A620] =	vst v63  }
0xd2: {  	_ =	swait.ge [sflag:s31], $0x2000  }
0xd3: {  	[sflag:s31] =	ssyncset.done $0x0  }
0xd4: {  	[sflag:s31] =	ssyncadd.s32 $0xFFFFE000  }
0xd5: {  	_ =	swait.ge [sflag:s31], $0x2000  }
0xd6: {  	[sflag:s31] =	ssyncset.done $0x0  }
0xd7: {  	[sflag:s31] =	ssyncadd.s32 $0xFFFFE000  }
0xd8: {  	_ =	swait.ge [sflag:s31], $0x2000  }
0xd9: {  	[sflag:s31] =	ssyncset.done $0x0  }
0xda: {  	[sflag:s31] =	ssyncadd.s32 $0xFFFFE000  }
0xdb: {  	_ =	swait.ge [sflag:s31], $0x2000  }
0xdc: {  	[sflag:s31] =	ssyncset.done $0x0  }
0xdd: {  	s1 =	simm.s32 $0x0;
	[sflag:s31] =	ssyncadd.s32 $0xFFFFE000  }
0xde: {  	v7 =	vld [tilespmem:s1+$0x16670]  }
0xdf: {  	v8 =	vld [tilespmem:s1+$0xA670]  }
0xe0: {  	v9 =	vld [tilespmem:s1+$0x16640]  }
0xe1: {  	v10 =	vld [tilespmem:s1+$0x16650]  }
0xe2: {  	v11 =	vld [tilespmem:s1+$0x16630]  }
0xe3: {  	v12 =	vld [tilespmem:s1+$0xA640]  }
0xe4: {  	v13 =	vld [tilespmem:s1+$0x10670]  }
0xe5: {  	v14 =	vld [tilespmem:s1+$0x16620]  }
0xe6: {  	v15 =	vld [tilespmem:s1+$0x10600]  }
0xe7: {  	v20 =	vsub.f32 $5.000000000e-01, v5;
	v16 =	vld [tilespmem:s1+$0xA650]  }
0xe8: {  	v17 =	vld [tilespmem:s1+$0xA630]  }
0xe9: {  	v20 =	vmax.f32 v20, $0.0e+00;
	v19 =	vld [tilespmem:s1+$0x4650]  }
0xea: {  	v24 =	vsub.f32 $5.000000000e-01, v6;
	v20 =	vmul.f32 v20, v3;
	v22 =	vld [tilespmem:s1+$0x10610]  }
0xeb: {  	v5 =	vmul.f32 v5, v4;
	v23 =	vld [tilespmem:s1+$0x4670]  }
0xec: {  	v4 =	vmul.f32 v6, v4;
	v6 =	vadd.f32 v20, v1;
	v20 =	vmax.f32 v24, $0.0e+00;
	v25 =	vld [tilespmem:s1+$0x10650]  }
0xed: {  	v2 =	vadd.f32 v5, v2;
	v3 =	vmul.f32 v20, v3;
	v5 =	vld [tilespmem:s1+$0x4610]  }
0xee: {  	v24 =	vld [tilespmem:s1+$0x4600]  }
0xef: {  	s8 =	sadd.s32 s24, s10;
	v1 =	vadd.f32 v4, v2;
	v4 =	vadd.f32 v3, v6;
	v20 =	vld [tilespmem:s1+$0xA620]  }
0xf0: {  	p0 =	slt.u32 s8, $0x400;
	s8 =	sadd.s32 $0xFFFFFC00, s8;
	s22 =	simm.f32 $1.000000000e+00;
	v7 =	vsub.bf16 v8, v7;
	v9 =	vsub.bf16 v12, v9  }
0xf1: {  	s22 =	simm.s32 @!p0 $0x0;
	p0 =	slt.u32 s8, $0x25800;
	s8 =	simm.f32 $1.000000000e+00;
	v18 =	vld [tilespmem:s1+$0x10660];
	v10 =	vsub.bf16 v16, v10;
	v11 =	vsub.bf16 v17, v11  }
0xf2: {  	s8 =	simm.s32 @!p0 $0x0;
	v21 =	vld [tilespmem:s1+$0x10630];
	v5 =	vsub.bf16 v5, v22;
	v13 =	vsub.bf16 v23, v13  }
0xf3: {  	v3 =	vmov s8;
	v27 =	vld [tilespmem:s1+$0xA600];
	v15 =	vsub.bf16 v24, v15;
	v19 =	vsub.bf16 v19, v25  }
0xf4: {  	v28 =	vld [tilespmem:s1+$0x16610];
	v14 =	vsub.bf16 v20, v14;
	v6 =	vunpack.i.u.bf16.f32 v7;
	v8 =	vunpack.i.l.bf16.f32 v9  }
0xf5: {  	v30 =	vld [tilespmem:s1+$0xA610];
	v26 =	vunpack.i.u.bf16.f32 v10;
	v10 =	vunpack.i.l.bf16.f32 v10;
	v9 =	vunpack.i.u.bf16.f32 v9  }
0xf6: {  	v12 =	vld [tilespmem:s1+$0x4630];
	v23 =	vunpack.i.u.bf16.f32 v5;
	v5 =	vunpack.i.l.bf16.f32 v5;
	v25 =	vunpack.i.l.bf16.f32 v14  }
0xf7: {  	v31 =	vld [tilespmem:s1+$0xA660];
	v29 =	vunpack.i.u.bf16.f32 v19;
	v19 =	vunpack.i.l.bf16.f32 v19;
	v7 =	vunpack.i.l.bf16.f32 v7  }
0xf8: {  	v16 =	vld [tilespmem:s1+$0x4660];
	v37 =	vunpack.i.l.bf16.f32 v15;
	v23 =	vmul.f32 v23, v23;
	v5 =	vmul.f32 v5, v5  }
0xf9: {  	v17 =	vld [tilespmem:s1+$0x16660];
	v15 =	vunpack.i.u.bf16.f32 v15;
	v19 =	vmul.f32 v19, v19;
	v52 =	vmul.f32 v10, v10  }
0xfa: {  	s8 =	simm.s32 $0x80;
	v20 =	vld [tilespmem:s1+$0x10640];
	v14 =	vunpack.i.u.bf16.f32 v14;
	v36 =	vmul.f32 v7, v7;
	v15 =	vmul.f32 v15, v15  }
0xfb: {  	v10 =	vld [tilespmem:s8+$0x16630];
	v41 =	vmul.f32 v9, v9;
	v9 =	vmul.f32 v26, v26;
	v12 =	vsub.bf16 v12, v21  }
0xfc: {  	v2 =	vmov s22;
	v26 =	vld [tilespmem:s8+$0xA630];
	v14 =	vmul.f32 v14, v14;
	v8 =	vmul.f32 v8, v8  }
0xfd: {  	v21 =	vunpack.i.u.bf16.f32 v13;
	v16 =	vsub.bf16 v16, v18;
	v18 =	vld [tilespmem:s1+$0x4640];
	v24 =	vunpack.i.u.bf16.f32 v12  }
0xfe: {  	v22 =	vld [tilespmem:s1+$0x16600];
	v13 =	vunpack.i.l.bf16.f32 v13;
	v12 =	vunpack.i.l.bf16.f32 v12;
	v24 =	vmul.f32 v24, v24  }
0xff: {  	v17 =	vsub.bf16 v31, v17;
	v13 =	vmul.f32 v13, v13;
	v12 =	vmul.f32 v12, v12  }
0x100: {  	v21 =	vmul.f32 v21, v21;
	v23 =	vadd.f32 v24, v23;
	v24 =	vmul.f32 v29, v29  }
0x101: {  	v49 =	vld [tilespmem:s1+$0x4620];
	v44 =	vsub.bf16 v26, v10;
	v29 =	vunpack.i.l.bf16.f32 v16;
	v12 =	vadd.f32 v12, v5  }
0x102: {  	v5 =	vsub.bf16 v18, v20;
	v18 =	vunpack.i.l.bf16.f32 v11;
	v23 =	vadd.f32 v24, v23;
	v24 =	vld [tilespmem:s1+$0x10620]  }
0x103: {  	v51 =	vld [tilespmem:s8+$0x16650];
	v20 =	vsub.bf16 v27, v22;
	v11 =	vunpack.i.u.bf16.f32 v11;
	v27 =	vsub.bf16 v30, v28  }
0x104: {  	v22 =	vld [tilespmem:s8+$0x16670];
	v16 =	vunpack.i.u.bf16.f32 v16;
	v50 =	vmul.f32 v18, v18;
	v18 =	vunpack.i.u.bf16.f32 v17  }
0x105: {  	v17 =	vunpack.i.l.bf16.f32 v17;
	v16 =	vmul.f32 v16, v16;
	v21 =	vadd.f32 v21, v23;
	v23 =	vld [tilespmem:s8+$0xA670]  }
0x106: {  	v39 =	vld [tilespmem:s8+$0x10670];
	v11 =	vmul.f32 v11, v11;
	v29 =	vmul.f32 v29, v29;
	v28 =	vunpack.i.u.bf16.f32 v20  }
0x107: {  	v31 =	vld [tilespmem:s8+$0x16640];
	v30 =	vunpack.i.u.bf16.f32 v27;
	v27 =	vunpack.i.l.bf16.f32 v27;
	v24 =	vsub.bf16 v49, v24  }
0x108: {  	v53 =	vmul.f32 v18, v18;
	v18 =	vld [tilespmem:s8+$0xA640];
	v40 =	vunpack.i.l.bf16.f32 v5;
	v5 =	vunpack.i.u.bf16.f32 v5  }
0x109: {  	v54 =	vld [tilespmem:s8+$0x16620];
	v12 =	vadd.f32 v19, v12;
	v30 =	vmul.f32 v30, v30;
	v38 =	vunpack.i.l.bf16.f32 v24  }
0x10a: {  	v55 =	vld [tilespmem:s8+$0x10600];
	v7 =	vsub.bf16 v23, v22;
	v22 =	vmul.f32 v37, v37;
	v23 =	vmul.f32 v38, v38  }
0x10b: {  	v56 =	vld [tilespmem:s8+$0x10610];
	v10 =	vmul.f32 v27, v27;
	v12 =	vadd.f32 v13, v12;
	v24 =	vunpack.i.u.bf16.f32 v24  }
0x10c: {  	v21 =	vadd.f32 v30, v21;
	v22 =	vadd.f32 v23, v22;
	v23 =	vmul.f32 v24, v24;
	v24 =	vld [tilespmem:s8+$0xA650]  }
0x10d: {  	v43 =	vld [tilespmem:s8+$0x4630];
	v40 =	vmul.f32 v40, v40;
	v12 =	vadd.f32 v10, v12;
	v31 =	vsub.bf16 v18, v31  }
0x10e: {  	v5 =	vmul.f32 v5, v5;
	v30 =	vld [tilespmem:s8+$0x10630];
	v11 =	vadd.f32 v11, v21;
	v15 =	vadd.f32 v23, v15  }
0x10f: {  	v20 =	vunpack.i.l.bf16.f32 v20;
	v12 =	vadd.f32 v50, v12;
	v23 =	vld [tilespmem:s8+$0x4650];
	v22 =	vadd.f32 v40, v22  }
0x110: {  	v11 =	vadd.f32 v9, v11;
	v5 =	vadd.f32 v5, v15;
	v15 =	vmul.f32 v20, v20;
	v20 =	vld [tilespmem:s8+$0x4670]  }
0x111: {  	v17 =	vmul.f32 v17, v17;
	v18 =	vadd.f32 v29, v22;
	v21 =	vsub.bf16 v24, v51;
	v24 =	vld [tilespmem:s8+$0x10650]  }
0x112: {  	v61 =	vadd.f32 v52, v12;
	v22 =	vmul.f32 v28, v28;
	v5 =	vadd.f32 v16, v5;
	v16 =	vld [tilespmem:s8+$0x4610]  }
0x113: {  	v28 =	vmul.f32 v6, v6;
	v29 =	vld [tilespmem:s8+$0xA620];
	v15 =	vadd.f32 v15, v18;
	v18 =	vmul.f32 v25, v25  }
0x114: {  	v63 =	vadd.f32 v36, v61;
	v6 =	vunpack.i.l.bf16.f32 v31;
	v25 =	vld [tilespmem:s8+$0x4600];
	v22 =	vadd.f32 v22, v5  }
0x115: {  	v42 =	vld [tilespmem:s8+$0x10660];
	v9 =	vunpack.i.u.bf16.f32 v21;
	v57 =	vadd.f32 v18, v15;
	v15 =	vadd.f32 v28, v11  }
0x116: {  	v5 =	vunpack.i.u.bf16.f32 v7;
	v20 =	vsub.bf16 v20, v39;
	v26 =	vadd.f32 v14, v22;
	v14 =	vld [tilespmem:s8+$0x4660]  }
0x117: {  	v18 =	vunpack.i.l.bf16.f32 v21;
	v21 =	vsub.bf16 v23, v24;
	v19 =	vsub.bf16 v16, v56  }
0x118: {  	v11 =	vunpack.i.u.bf16.f32 v31;
	v23 =	vsub.bf16 v29, v54;
	v24 =	vsub.bf16 v43, v30  }
0x119: {  	v28 =	vadd.f32 v8, v57;
	v16 =	vsub.bf16 v25, v55;
	v13 =	vunpack.i.u.bf16.f32 v19  }
0x11a: {  	v58 =	vld [tilespmem:s8+$0x10640];
	v25 =	vunpack.i.u.bf16.f32 v20;
	v20 =	vunpack.i.l.bf16.f32 v20;
	v13 =	vmul.f32 v13, v13  }
0x11b: {  	v60 =	vld [tilespmem:s8+$0x4640];
	v22 =	vsub.bf16 v14, v42;
	v14 =	vunpack.i.l.bf16.f32 v19;
	v19 =	vunpack.i.u.bf16.f32 v24  }
0x11c: {  	v62 =	vld [tilespmem:s8+$0xA600];
	v10 =	vunpack.i.l.bf16.f32 v23;
	v30 =	vmul.f32 v14, v14;
	v14 =	vmul.f32 v19, v19  }
0x11d: {  	v29 =	vld [tilespmem:s8+$0x16600];
	v12 =	vmul.f32 v20, v20;
	v24 =	vunpack.i.l.bf16.f32 v24;
	v19 =	vunpack.i.u.bf16.f32 v21  }
0x11e: {  	v33 =	vld [tilespmem:s8+$0xA610];
	v59 =	vmul.f32 v24, v24;
	v31 =	vmul.f32 v19, v19;
	v24 =	vadd.f32 v14, v13  }
0x11f: {  	v8 =	vld [tilespmem:s8+$0x16660];
	v20 =	vadd.f32 v41, v26;
	v32 =	vmul.f32 v25, v25;
	v25 =	vunpack.i.l.bf16.f32 v44  }
0x120: {  	v21 =	vunpack.i.l.bf16.f32 v21;
	v31 =	vadd.f32 v31, v24;
	v24 =	vunpack.i.u.bf16.f32 v23;
	v23 =	vld [tilespmem:s8+$0x16610]  }
0x121: {  	v20 =	vadd.f32 v53, v20;
	v13 =	vld [tilespmem:s8+$0xA660];
	v14 =	vmul.f32 v21, v21;
	v21 =	vadd.f32 v17, v28  }
0x122: {  	v27 =	vld [tilespmem:s8+$0x4620];
	v26 =	vsub.bf16 v62, v29;
	v29 =	vunpack.i.u.bf16.f32 v44;
	v17 =	vadd.f32 v59, v30  }
0x123: {  	s1 =	simm.s32 $0x400;
	v19 =	vunpack.i.l.bf16.f32 v22;
	v28 =	vld [tilespmem:s8+$0x10620];
	v30 =	vsub.bf16 v60, v58;
	v21 =	vadd.f32 v63, v21  }
.LBB2_5:
0x124: {  	s22 =	sshra.s32 s1, $0x2;
	p0 =	sne.s32 s1, $0x7E00;
	s1 =	sadd.s32 $0x200, s1;
	v31 =	vadd.f32 v32, v31;
	v7 =	vunpack.i.l.bf16.f32 v7;
	v15 =	vadd.f32 v15, v20  }
0x125: {  	v32 =	vld [tilespmem:s22+$0x16670];
	v34 =	vunpack.i.u.bf16.f32 v26;
	v35 =	vunpack.i.l.bf16.f32 v26;
	v20 =	vsub.bf16 v33, v23  }
0x126: {  	v13 =	vsub.bf16 v13, v8;
	v8 =	vld [tilespmem:s22+$0x16660];
	v15 =	vadd.f32 v21, v15  }
0x127: {  	v25 =	vmul.f32 v25, v25;
	v26 =	vld [tilespmem:s22+$0xA670];
	v33 =	vunpack.i.u.bf16.f32 v20;
	v36 =	vunpack.i.l.bf16.f32 v20  }
0x128: {  	v38 =	vunpack.i.l.bf16.f32 v13;
	v20 =	vunpack.i.u.bf16.f32 v13;
	v37 =	vld [tilespmem:s22+$0x16640];
	(xrf2) =	vadd.scan.msk.f32 $0xffff, v15  }
0x129: {  	v23 =	vmul.f32 v18, v18;
	v15 =	vsub.bf16 v27, v28;
	v13 =	vld [tilespmem:s22+$0xA660]  }
0x12a: {  	v22 =	vunpack.i.u.bf16.f32 v22;
	v21 =	vmul.f32 v7, v7;
	v20 =	vmul.f32 v20, v20;
	v18 =	vld [tilespmem:s22+$0x16650]  }
0x12b: {  	v22 =	vmul.f32 v22, v22;
	v28 =	vunpack.i.l.bf16.f32 v16;
	v39 =	vunpack.i.l.bf16.f32 v15;
	v27 =	vld [tilespmem:s22+$0x16630]  }
0x12c: {  	v28 =	vmul.f32 v28, v28;
	v40 =	vld [tilespmem:s22+$0xA640];
	v7 =	vsub.bf16 v26, v32;
	v32 =	vmul.f32 v39, v39  }
0x12d: {  	v16 =	vunpack.i.u.bf16.f32 v16;
	v15 =	vunpack.i.u.bf16.f32 v15;
	v26 =	vmul.f32 v38, v38;
	v39 =	vld [tilespmem:s22+$0x10670]  }
0x12e: {  	v16 =	vmul.f32 v16, v16;
	v15 =	vmul.f32 v15, v15;
	v38 =	vld [tilespmem:s22+$0x16620];
	v28 =	vadd.f32 v32, v28  }
0x12f: {  	v41 =	vunpack.i.l.bf16.f32 v30;
	v42 =	vmul.f32 v11, v11;
	v9 =	vmul.f32 v9, v9;
	v32 =	vld [tilespmem:s22+$0x10600]  }
0x130: {  	v24 =	vmul.f32 v24, v24;
	v15 =	vadd.f32 v15, v16;
	v16 =	vmul.f32 v33, v33;
	v11 =	vld [tilespmem:s22+$0xA650]  }
0x131: {  	v30 =	vunpack.i.u.bf16.f32 v30;
	v29 =	vmul.f32 v29, v29;
	v41 =	vmul.f32 v41, v41;
	v33 =	vld [tilespmem:s22+$0xA630]  }
0x132: {  	v30 =	vmul.f32 v30, v30;
	v16 =	vadd.f32 v16, v31;
	v37 =	vsub.bf16 v40, v37;
	v43 =	vld [tilespmem:s22+$0x10660];
	v31, _, _ =	vpop (xrf2)  }
0x133: {  	v19 =	vmul.f32 v19, v19;
	v28 =	vadd.f32 v41, v28;
	v40 =	vld [tilespmem:s22+$0x4650];
	v41 =	vsub.f32 $5.000000000e-01, v31  }
0x134: {  	v15 =	vadd.f32 v30, v15;
	v16 =	vadd.f32 v29, v16;
	v29 =	vmul.f32 v31, v2;
	v44 =	vld [tilespmem:s22+$0x10630]  }
0x135: {  	v31 =	vmul.f32 v34, v34;
	v30 =	vld [tilespmem:s22+$0x10610];
	v11 =	vsub.bf16 v11, v18;
	v18 =	vmul.f32 v35, v35  }
0x136: {  	v15 =	vadd.f32 v22, v15;
	v19 =	vadd.f32 v19, v28;
	v22 =	vmax.f32 v41, $0.0e+00;
	v34 =	vld [tilespmem:s22+$0x4670]  }
0x137: {  	v16 =	vadd.f32 v9, v16;
	v1 =	vadd.f32 v29, v1;
	v9 =	vmul.f32 v22, v3;
	v35 =	vld [tilespmem:s22+$0x10650]  }
0x138: {  	v10 =	vmul.f32 v10, v10;
	v15 =	vadd.f32 v31, v15;
	v18 =	vadd.f32 v18, v19;
	v22 =	vld [tilespmem:s22+$0x4610]  }
0x139: {  	v28 =	vmul.f32 v5, v5;
	v5 =	vunpack.i.u.bf16.f32 v7;
	v4 =	vadd.f32 v9, v4;
	v19 =	vld [tilespmem:s22+$0x4600]  }
0x13a: {  	v31 =	vunpack.i.l.bf16.f32 v37;
	v9 =	vunpack.i.u.bf16.f32 v11;
	v10 =	vadd.f32 v10, v18;
	v29 =	vld [tilespmem:s22+$0xA620]  }
0x13b: {  	v45 =	vsub.bf16 v33, v27;
	v33 =	vmul.f32 v36, v36;
	v24 =	vadd.f32 v24, v15;
	v41 =	vld [tilespmem:s22+$0x4630]  }
0x13c: {  	v14 =	vadd.f32 v14, v17;
	v15 =	vadd.f32 v28, v16;
	v18 =	vunpack.i.l.bf16.f32 v11;
	v36 =	vld [tilespmem:s22+$0x4660]  }
0x13d: {  	v11 =	vunpack.i.u.bf16.f32 v37;
	v17 =	vsub.bf16 v22, v30;
	v27 =	vld [tilespmem:s22+$0x4620];
	v30 =	vsub.bf16 v34, v39  }
0x13e: {  	v12 =	vadd.f32 v12, v14;
	v14 =	vmul.f32 v6, v6;
	v6 =	vmovc v31;
	v16 =	vsub.bf16 v19, v32;
	v28 =	vld [tilespmem:s22+$0x10620]  }
0x13f: {  	v31 =	vsub.bf16 v40, v35;
	v19 =	vunpack.i.u.bf16.f32 v17;
	v29 =	vsub.bf16 v29, v38  }
0x140: {  	v12 =	vadd.f32 v33, v12;
	v34 =	vunpack.i.u.bf16.f32 v30;
	v32 =	vsub.bf16 v41, v44  }
0x141: {  	v35 =	vadd.f32 v14, v10;
	v19 =	vmul.f32 v19, v19;
	v22 =	vsub.bf16 v36, v43  }
0x142: {  	v14 =	vunpack.i.l.bf16.f32 v17;
	v10 =	vunpack.i.l.bf16.f32 v29;
	v17 =	vunpack.i.u.bf16.f32 v32  }
0x143: {  	v12 =	vadd.f32 v25, v12;
	v30 =	vunpack.i.l.bf16.f32 v30;
	v32 =	vunpack.i.l.bf16.f32 v32;
	v36 =	vld [tilespmem:s22+$0x16600]  }
0x144: {  	v25 =	vmul.f32 v14, v14;
	v14 =	vmul.f32 v17, v17;
	v17 =	vunpack.i.u.bf16.f32 v31;
	v37 =	vld [tilespmem:s22+$0x10640]  }
0x145: {  	v40 =	vadd.f32 v23, v12;
	v38 =	vmul.f32 v32, v32;
	v31 =	vunpack.i.l.bf16.f32 v31;
	v39 =	vld [tilespmem:s22+$0x4640]  }
0x146: {  	v12 =	vmul.f32 v30, v30;
	v17 =	vmul.f32 v17, v17;
	v32 =	vadd.f32 v14, v19;
	v41 =	vld [tilespmem:s22+$0xA600]  }
.Ltmp1:
0x147: {  	v30 =	vadd.f32 v42, v24;
	v14 =	vmul.f32 v31, v31;
	v19 =	vunpack.i.l.bf16.f32 v22;
	v23 =	vld [tilespmem:s22+$0x16610];
	(pc) =	sbr.rel @p0 .LBB2_5-.Ltmp1, $4  }
0x148: {  	v31 =	vadd.f32 v17, v32;
	v32 =	vmul.f32 v34, v34;
	v34 =	vadd.f32 v26, v35;
	v33 =	vld [tilespmem:s22+$0xA610]  }
0x149: {  	v21 =	vadd.f32 v21, v40;
	v24 =	vunpack.i.u.bf16.f32 v29;
	v20 =	vadd.f32 v20, v30  }
0x14a: {  	v17 =	vadd.f32 v38, v25;
	v25 =	vunpack.i.l.bf16.f32 v45;
	v30 =	vsub.bf16 v39, v37  }
0x14b: {  	v29 =	vunpack.i.u.bf16.f32 v45;
	v21 =	vadd.f32 v21, v34;
	v26 =	vsub.bf16 v41, v36  }
0x14c: {  	v31 =	vadd.f32 v32, v31;
	v7 =	vunpack.i.l.bf16.f32 v7  }
0x14d: {  	v8 =	vsub.bf16 v13, v8;
	v25 =	vmul.f32 v25, v25;
	v27 =	vsub.bf16 v27, v28  }
0x14e: {  	v18 =	vmul.f32 v18, v18;
	v22 =	vunpack.i.u.bf16.f32 v22;
	v49 =	vunpack.i.l.bf16.f32 v16  }
0x14f: {  	v16 =	vunpack.i.u.bf16.f32 v16;
	v9 =	vmul.f32 v9, v9;
	v19 =	vmul.f32 v19, v19  }
0x150: {  	v35 =	vunpack.i.l.bf16.f32 v30;
	v29 =	vmul.f32 v29, v29;
	v10 =	vmul.f32 v10, v10  }
0x151: {  	v30 =	vunpack.i.u.bf16.f32 v30;
	v6 =	vmul.f32 v6, v6;
	v11 =	vmul.f32 v11, v11  }
0x152: {  	v5 =	vmul.f32 v5, v5;
	v23 =	vsub.bf16 v33, v23;
	v34 =	vunpack.i.l.bf16.f32 v27  }
0x153: {  	v33 =	vmul.f32 v49, v49;
	v27 =	vunpack.i.u.bf16.f32 v27;
	v34 =	vmul.f32 v34, v34  }
0x154: {  	v14 =	vadd.f32 v14, v17;
	v16 =	vmul.f32 v16, v16;
	v27 =	vmul.f32 v27, v27  }
0x155: {  	v47 =	vunpack.i.u.bf16.f32 v26;
	v50 =	vmul.f32 v35, v35;
	v33 =	vadd.f32 v34, v33  }
0x156: {  	v13 =	vunpack.i.l.bf16.f32 v26;
	v16 =	vadd.f32 v27, v16;
	v27 =	vmul.f32 v30, v30  }
0x157: {  	v22 =	vmul.f32 v22, v22;
	v13 =	vmul.f32 v13, v13;
	v30 =	vadd.f32 v50, v33  }
0x158: {  	v17 =	vmul.f32 v47, v47;
	v26 =	vunpack.i.u.bf16.f32 v23;
	v16 =	vadd.f32 v27, v16  }
0x159: {  	v23 =	vunpack.i.l.bf16.f32 v23;
	v26 =	vmul.f32 v26, v26;
	v19 =	vadd.f32 v19, v30  }
0x15a: {  	v12 =	vadd.f32 v12, v14;
	v16 =	vadd.f32 v22, v16;
	v22 =	vmul.f32 v23, v23  }
0x15b: {  	v7 =	vmul.f32 v7, v7;
	v14 =	vadd.f32 v26, v31;
	v13 =	vadd.f32 v13, v19  }
0x15c: {  	v19 =	vmul.f32 v24, v24;
	v16 =	vadd.f32 v17, v16;
	v12 =	vadd.f32 v22, v12  }
0x15d: {  	v48 =	vunpack.i.u.bf16.f32 v8;
	v14 =	vadd.f32 v29, v14;
	v10 =	vadd.f32 v10, v13  }
0x15e: {  	v8 =	vunpack.i.l.bf16.f32 v8;
	v13 =	vadd.f32 v19, v16;
	v12 =	vadd.f32 v25, v12  }
0x15f: {  	v8 =	vmul.f32 v8, v8;
	v9 =	vadd.f32 v9, v14;
	v6 =	vadd.f32 v6, v10  }
0x160: {  	v28 =	vmul.f32 v48, v48;
	v10 =	vadd.f32 v18, v12;
	v11 =	vadd.f32 v11, v13  }
0x161: {  	v5 =	vadd.f32 v5, v9;
	v6 =	vadd.f32 v8, v6  }
0x162: {  	v8 =	vadd.f32 v28, v11;
	v7 =	vadd.f32 v7, v10  }
0x163: {  	v9 =	vadd.f32 v15, v20  }
0x164: {  	v6 =	vadd.f32 v7, v6;
	v5 =	vadd.f32 v5, v8  }
0x165: {  	v7 =	vadd.f32 v21, v9  }
0x166: {  	v5 =	vadd.f32 v6, v5  }
0x167: {  	(xrf2) =	vadd.scan.msk.f32 $0xffff, v7  }
0x168: {  	(xrf2) =	vadd.scan.msk.f32 $0xffff, v5;
	_ =	sdelay $0x1  }
0x169: {  	p0 =	seq.s32 s21, $0x18  }
0x16a: {  	s1 =	sadd.s32 @!p0 $0x100, s24;
	s8 =	simm.s32 @!p0 $0x40;
	s22 =	simm.s32 @!p0 $0x4600  }
0x16b: {  	[tilespmem:s22], [sflag:$0x2] =	stream.indirect.gather @!p0 [hbm4b:s2+s8], $0x80, s1, s8, $0xb8;
	[tilespmem:$0x1A620] =	vst v63  }
0x16c: {  	s22 =	simm.s32 @!p0 $0xA600  }
0x16d: {  	[tilespmem:s22], [sflag:$0x2] =	stream.indirect.gather @!p0 [hbm4b:s5+s8], $0x80, s1, s8, $0xb8;
	[tilespmem:$0x1A620] =	vst v63  }
0x16e: {  	s1 =	sadd.s32 @!p0 $0x1400, s24;
	s22 =	simm.s32 @!p0 $0x10600  }
0x16f: {  	[tilespmem:s22], [sflag:$0x2] =	stream.indirect.gather @!p0 [hbm4b:s6+s8], $0x80, s1, s8, $0xb8;
	[tilespmem:$0x1A620] =	vst v63  }
0x170: {  	s22 =	simm.s32 @!p0 $0x16600;
	v5, _, _ =	vpop (xrf2)  }
0x171: {  	[tilespmem:s22], [sflag:$0x2] =	stream.indirect.gather @!p0 [hbm4b:s7+s8], $0x80, s1, s8, $0xb8;
	v6, _, _ =	vpop (xrf2);
	[tilespmem:$0x1A620] =	vst v63  }
0x172: {  	_ =	swait.ge [sflag:s0], $0x2000  }
0x173: {  	[sflag:s0] =	ssyncset.done $0x0  }
0x174: {  	[sflag:s0] =	ssyncadd.s32 $0xFFFFE000  }
0x175: {  	_ =	swait.ge [sflag:s0], $0x2000  }
0x176: {  	[sflag:s0] =	ssyncset.done $0x0  }
0x177: {  	[sflag:s0] =	ssyncadd.s32 $0xFFFFE000  }
0x178: {  	_ =	swait.ge [sflag:s0], $0x2000  }
0x179: {  	[sflag:s0] =	ssyncset.done $0x0  }
0x17a: {  	[sflag:s0] =	ssyncadd.s32 $0xFFFFE000  }
0x17b: {  	_ =	swait.ge [sflag:s0], $0x2000  }
0x17c: {  	[sflag:s0] =	ssyncset.done $0x0  }
0x17d: {  	s24 =	simm.s32 $0x0;
	[sflag:s0] =	ssyncadd.s32 $0xFFFFE000  }
0x17e: {  	v7 =	vld [tilespmem:s24+$0x18670]  }
0x17f: {  	v8 =	vld [tilespmem:s24+$0xC670]  }
0x180: {  	v9 =	vld [tilespmem:s24+$0x18640]  }
0x181: {  	v10 =	vld [tilespmem:s24+$0x18650]  }
0x182: {  	v11 =	vld [tilespmem:s24+$0x18630]  }
0x183: {  	v12 =	vld [tilespmem:s24+$0xC640]  }
0x184: {  	v13 =	vld [tilespmem:s24+$0x12670]  }
0x185: {  	v14 =	vld [tilespmem:s24+$0x18620]  }
0x186: {  	v15 =	vld [tilespmem:s24+$0x12600]  }
0x187: {  	v16 =	vld [tilespmem:s24+$0xC650]  }
0x188: {  	v17 =	vld [tilespmem:s24+$0xC630]  }
0x189: {  	v18 =	vld [tilespmem:s24+$0x12660]  }
0x18a: {  	v19 =	vsub.f32 $5.000000000e-01, v5;
	v5 =	vmul.f32 v5, v2;
	v20 =	vld [tilespmem:s24+$0x6650]  }
0x18b: {  	v22 =	vsub.f32 $5.000000000e-01, v6;
	v23 =	vld [tilespmem:s24+$0x12610]  }
0x18c: {  	v19 =	vmax.f32 v19, $0.0e+00;
	v1 =	vadd.f32 v5, v1;
	v24 =	vld [tilespmem:s24+$0x6670]  }
0x18d: {  	v2 =	vmul.f32 v6, v2;
	v19 =	vmul.f32 v19, v3;
	v5 =	vmax.f32 v22, $0.0e+00;
	v6 =	vld [tilespmem:s24+$0x12650]  }
0x18e: {  	v3 =	vmul.f32 v5, v3;
	v5 =	vld [tilespmem:s24+$0x6610]  }
0x18f: {  	v4 =	vadd.f32 v19, v4;
	v19 =	vld [tilespmem:s24+$0x6600]  }
0x190: {  	v22 =	vld [tilespmem:s24+$0xC620]  }
0x191: {  	v1 =	vadd.f32 v2, v1;
	v2 =	vadd.f32 v3, v4;
	v25 =	vld [tilespmem:s24+$0x6660]  }
0x192: {  	s23 =	sadd.s32 s4, s23;
	v7 =	vsub.bf16 v8, v7;
	v9 =	vsub.bf16 v12, v9  }
0x193: {  	p0 =	slt.u32 s23, $0x400;
	s8 =	sadd.s32 $0xFFFFFC00, s23;
	s22 =	simm.f32 $1.000000000e+00;
	v10 =	vsub.bf16 v16, v10;
	v11 =	vsub.bf16 v17, v11  }
0x194: {  	p1 =	slt.u32 s8, $0x25800;
	s8 =	simm.f32 $1.000000000e+00;
	s22 =	simm.s32 @!p0 $0x0;
	v21 =	vld [tilespmem:s24+$0x12630];
	v5 =	vsub.bf16 v5, v23;
	v13 =	vsub.bf16 v24, v13  }
0x195: {  	s8 =	simm.s32 @!p1 $0x0;
	v3 =	vmov s22;
	v12 =	vld [tilespmem:s24+$0x6630];
	v15 =	vsub.bf16 v19, v15;
	v6 =	vsub.bf16 v20, v6  }
0x196: {  	v4 =	vmov s8;
	v14 =	vsub.bf16 v22, v14;
	v18 =	vsub.bf16 v25, v18  }
0x197: {  	v16 =	vunpack.i.u.bf16.f32 v7;
	v8 =	vunpack.i.l.bf16.f32 v9;
	v26 =	vunpack.i.u.bf16.f32 v10  }
0x198: {  	v27 =	vld [tilespmem:s24+$0xC600];
	v10 =	vunpack.i.l.bf16.f32 v10;
	v9 =	vunpack.i.u.bf16.f32 v9;
	v20 =	vunpack.i.u.bf16.f32 v5  }
0x199: {  	v28 =	vld [tilespmem:s24+$0x18610];
	v22 =	vunpack.i.u.bf16.f32 v13;
	v5 =	vunpack.i.l.bf16.f32 v5;
	v25 =	vunpack.i.l.bf16.f32 v14  }
0x19a: {  	v31 =	vld [tilespmem:s24+$0xC660];
	v13 =	vunpack.i.l.bf16.f32 v13;
	v29 =	vunpack.i.u.bf16.f32 v6;
	v12 =	vsub.bf16 v12, v21  }
0x19b: {  	v19 =	vld [tilespmem:s24+$0x18600];
	v6 =	vunpack.i.l.bf16.f32 v6;
	v7 =	vunpack.i.l.bf16.f32 v7;
	v20 =	vmul.f32 v20, v20  }
0x19c: {  	v23 =	vld [tilespmem:s24+$0x6640];
	v5 =	vmul.f32 v5, v5;
	v13 =	vmul.f32 v13, v13;
	v24 =	vunpack.i.u.bf16.f32 v12  }
0x19d: {  	v37 =	vunpack.i.l.bf16.f32 v15;
	v22 =	vmul.f32 v22, v22;
	v21 =	vld [tilespmem:s24+$0x12640];
	v24 =	vmul.f32 v24, v24  }
0x19e: {  	v17 =	vld [tilespmem:s24+$0x18660];
	v15 =	vunpack.i.u.bf16.f32 v15;
	v54 =	vmul.f32 v10, v10;
	v36 =	vmul.f32 v7, v7  }
0x19f: {  	v30 =	vld [tilespmem:s24+$0xC610];
	v12 =	vunpack.i.l.bf16.f32 v12;
	v20 =	vadd.f32 v24, v20;
	v24 =	vmul.f32 v29, v29  }
0x1a0: {  	v51 =	vld [tilespmem:s24+$0x6620];
	v14 =	vunpack.i.u.bf16.f32 v14;
	v15 =	vmul.f32 v15, v15;
	v12 =	vmul.f32 v12, v12  }
0x1a1: {  	v41 =	vmul.f32 v9, v9;
	v19 =	vsub.bf16 v27, v19;
	v20 =	vadd.f32 v24, v20;
	v24 =	vld [tilespmem:s24+$0x12620];
	s24 =	simm.s32 $0x80  }
0x1a2: {  	v9 =	vmul.f32 v26, v26;
	v12 =	vadd.f32 v12, v5;
	v5 =	vsub.bf16 v23, v21;
	v23 =	vld [tilespmem:s24+$0x18670]  }
0x1a3: {  	v14 =	vmul.f32 v14, v14;
	v25 =	vmul.f32 v25, v25;
	v17 =	vsub.bf16 v31, v17;
	v31 =	vld [tilespmem:s24+$0x18640]  }
0x1a4: {  	v27 =	vsub.bf16 v30, v28;
	v28 =	vunpack.i.u.bf16.f32 v19;
	v21 =	vunpack.i.l.bf16.f32 v11;
	v53 =	vld [tilespmem:s24+$0x18650]  }
0x1a5: {  	v19 =	vunpack.i.l.bf16.f32 v19;
	v52 =	vmul.f32 v21, v21;
	v21 =	vunpack.i.u.bf16.f32 v17;
	v10 =	vld [tilespmem:s24+$0x18630]  }
0x1a6: {  	v30 =	vunpack.i.u.bf16.f32 v27;
	v27 =	vunpack.i.l.bf16.f32 v27;
	v55 =	vmul.f32 v21, v21;
	v21 =	vld [tilespmem:s24+$0xC640]  }
0x1a7: {  	v30 =	vmul.f32 v30, v30;
	v29 =	vmul.f32 v6, v6;
	v20 =	vadd.f32 v22, v20;
	v22 =	vld [tilespmem:s24+$0xC670]  }
0x1a8: {  	v6 =	vunpack.i.l.bf16.f32 v18;
	v11 =	vunpack.i.u.bf16.f32 v11;
	v18 =	vunpack.i.u.bf16.f32 v18;
	v39 =	vld [tilespmem:s24+$0x12670]  }
0x1a9: {  	v18 =	vmul.f32 v18, v18;
	v12 =	vadd.f32 v29, v12;
	v56 =	vld [tilespmem:s24+$0x18620];
	v24 =	vsub.bf16 v51, v24  }
0x1aa: {  	v17 =	vunpack.i.l.bf16.f32 v17;
	v11 =	vmul.f32 v11, v11;
	v6 =	vmul.f32 v6, v6;
	v26 =	vld [tilespmem:s24+$0xC630]  }
0x1ab: {  	v57 =	vmul.f32 v17, v17;
	v29 =	vld [tilespmem:s24+$0x18600];
	v12 =	vadd.f32 v13, v12;
	v38 =	vunpack.i.l.bf16.f32 v24  }
0x1ac: {  	v62 =	vld [tilespmem:s24+$0xC600];
	v7 =	vsub.bf16 v22, v23;
	v22 =	vmul.f32 v37, v37;
	v23 =	vmul.f32 v38, v38  }
0x1ad: {  	v40 =	vld [tilespmem:s24+$0x12600];
	v20 =	vadd.f32 v30, v20;
	v21 =	vsub.bf16 v21, v31;
	v24 =	vunpack.i.u.bf16.f32 v24  }
0x1ae: {  	v43 =	vld [tilespmem:s24+$0x6650];
	v17 =	vadd.f32 v23, v22;
	v22 =	vmul.f32 v24, v24;
	v24 =	vunpack.i.l.bf16.f32 v5  }
0x1af: {  	v11 =	vadd.f32 v11, v20;
	v23 =	vld [tilespmem:s24+$0xC650];
	v5 =	vunpack.i.u.bf16.f32 v5;
	v24 =	vmul.f32 v24, v24  }
0x1b0: {  	v30 =	vld [tilespmem:s24+$0xC620];
	v58 =	vsub.bf16 v26, v10;
	v5 =	vmul.f32 v5, v5;
	v15 =	vadd.f32 v22, v15  }
0x1b1: {  	v20 =	vld [tilespmem:s24+$0x6670];
	v10 =	vmul.f32 v27, v27;
	v33 =	vsub.bf16 v62, v29;
	v17 =	vadd.f32 v24, v17  }
0x1b2: {  	v11 =	vadd.f32 v9, v11;
	v22 =	vmul.f32 v28, v28;
	v28 =	vld [tilespmem:s24+$0x6600];
	v5 =	vadd.f32 v5, v15  }
0x1b3: {  	v19 =	vmul.f32 v19, v19;
	v12 =	vadd.f32 v10, v12;
	v15 =	vld [tilespmem:s24+$0x12610];
	v6 =	vadd.f32 v6, v17  }
0x1b4: {  	v16 =	vmul.f32 v16, v16;
	v17 =	vsub.bf16 v23, v53;
	v23 =	vld [tilespmem:s24+$0x6610];
	v5 =	vadd.f32 v18, v5  }
0x1b5: {  	v8 =	vmul.f32 v8, v8;
	v12 =	vadd.f32 v52, v12;
	v24 =	vld [tilespmem:s24+$0x12630];
	v19 =	vadd.f32 v19, v6  }
0x1b6: {  	v29 =	vunpack.i.u.bf16.f32 v58;
	v20 =	vsub.bf16 v20, v39;
	v18 =	vld [tilespmem:s24+$0x12650];
	v22 =	vadd.f32 v22, v5  }
0x1b7: {  	v6 =	vunpack.i.l.bf16.f32 v21;
	v9 =	vunpack.i.u.bf16.f32 v17;
	v19 =	vadd.f32 v25, v19;
	v25 =	vld [tilespmem:s24+$0x6630]  }
0x1b8: {  	v42 =	vld [tilespmem:s24+$0x12660];
	v17 =	vunpack.i.l.bf16.f32 v17;
	v5 =	vunpack.i.u.bf16.f32 v7;
	v26 =	vadd.f32 v14, v22  }
0x1b9: {  	v14 =	vld [tilespmem:s24+$0x6660];
	v22 =	vadd.f32 v16, v11;
	v16 =	vsub.bf16 v23, v15;
	v11 =	vunpack.i.u.bf16.f32 v21  }
0x1ba: {  	v15 =	vsub.bf16 v28, v40;
	v23 =	vsub.bf16 v30, v56;
	v28 =	vunpack.i.u.bf16.f32 v20  }
0x1bb: {  	v20 =	vunpack.i.l.bf16.f32 v20;
	v18 =	vsub.bf16 v43, v18;
	v19 =	vadd.f32 v8, v19  }
0x1bc: {  	v31 =	vmul.f32 v28, v28;
	v13 =	vunpack.i.u.bf16.f32 v16;
	v24 =	vsub.bf16 v25, v24  }
0x1bd: {  	v10 =	vunpack.i.l.bf16.f32 v23;
	v23 =	vunpack.i.u.bf16.f32 v23;
	v13 =	vmul.f32 v13, v13  }
0x1be: {  	v59 =	vld [tilespmem:s24+$0x12640];
	v21 =	vsub.bf16 v14, v42;
	v14 =	vunpack.i.l.bf16.f32 v16;
	v16 =	vunpack.i.u.bf16.f32 v24  }
0x1bf: {  	v61 =	vld [tilespmem:s24+$0x6640];
	v24 =	vunpack.i.l.bf16.f32 v24;
	v30 =	vmul.f32 v14, v14;
	v14 =	vmul.f32 v16, v16  }
0x1c0: {  	v32 =	vld [tilespmem:s24+$0xC610];
	v16 =	vunpack.i.u.bf16.f32 v18;
	v60 =	vmul.f32 v24, v24;
	v24 =	vadd.f32 v54, v12  }
0x1c1: {  	v8 =	vld [tilespmem:s24+$0x18660];
	v18 =	vunpack.i.l.bf16.f32 v18;
	v12 =	vmul.f32 v20, v20;
	v20 =	vadd.f32 v41, v26  }
0x1c2: {  	v16 =	vmul.f32 v16, v16;
	v25 =	vadd.f32 v14, v13;
	v63 =	vadd.f32 v36, v24;
	v24 =	vld [tilespmem:s24+$0x18610]  }
0x1c3: {  	v19 =	vadd.f32 v57, v19;
	v13 =	vld [tilespmem:s24+$0xC660];
	v14 =	vmul.f32 v18, v18;
	v26 =	vadd.f32 v55, v20  }
0x1c4: {  	v27 =	vld [tilespmem:s24+$0x6620];
	v18 =	vunpack.i.l.bf16.f32 v21;
	v25 =	vadd.f32 v16, v25;
	v16 =	vadd.f32 v60, v30  }
0x1c5: {  	s1 =	simm.s32 $0x400;
	v28 =	vld [tilespmem:s24+$0x12620];
	v20 =	vunpack.i.l.bf16.f32 v58;
	v30 =	vsub.bf16 v61, v59;
	v19 =	vadd.f32 v63, v19  }
.LBB2_7:
0x1c6: {  	s22 =	sshra.s32 s1, $0x2;
	p0 =	sne.s32 s1, $0x7E00;
	s1 =	sadd.s32 $0x200, s1;
	v31 =	vadd.f32 v31, v25;
	v7 =	vunpack.i.l.bf16.f32 v7;
	v22 =	vadd.f32 v22, v26  }
0x1c7: {  	v26 =	vld [tilespmem:s22+$0x18670];
	v34 =	vunpack.i.u.bf16.f32 v33;
	v33 =	vunpack.i.l.bf16.f32 v33;
	v24 =	vsub.bf16 v32, v24  }
0x1c8: {  	v13 =	vsub.bf16 v13, v8;
	v8 =	vld [tilespmem:s22+$0x18660];
	v19 =	vadd.f32 v19, v22  }
0x1c9: {  	v25 =	vmul.f32 v20, v20;
	v22 =	vld [tilespmem:s22+$0xC670];
	v32 =	vunpack.i.u.bf16.f32 v24;
	v35 =	vunpack.i.l.bf16.f32 v24  }
0x1ca: {  	v20 =	vunpack.i.u.bf16.f32 v13;
	v37 =	vunpack.i.l.bf16.f32 v13;
	v36 =	vld [tilespmem:s22+$0x18640];
	(xrf2) =	vadd.scan.msk.f32 $0xffff, v19  }
0x1cb: {  	v27 =	vsub.bf16 v27, v28;
	v24 =	vmul.f32 v17, v17;
	v13 =	vld [tilespmem:s22+$0xC660]  }
0x1cc: {  	v21 =	vunpack.i.u.bf16.f32 v21;
	v19 =	vmul.f32 v20, v20;
	v20 =	vmul.f32 v7, v7;
	v17 =	vld [tilespmem:s22+$0x18650]  }
0x1cd: {  	v38 =	vunpack.i.l.bf16.f32 v15;
	v21 =	vmul.f32 v21, v21;
	v39 =	vunpack.i.l.bf16.f32 v27;
	v28 =	vld [tilespmem:s22+$0x18630]  }
0x1ce: {  	v40 =	vld [tilespmem:s22+$0xC640];
	v7 =	vsub.bf16 v22, v26;
	v22 =	vmul.f32 v38, v38;
	v38 =	vmul.f32 v39, v39  }
0x1cf: {  	v15 =	vunpack.i.u.bf16.f32 v15;
	v27 =	vunpack.i.u.bf16.f32 v27;
	v26 =	vmul.f32 v37, v37;
	v39 =	vld [tilespmem:s22+$0x12670]  }
0x1d0: {  	v15 =	vmul.f32 v15, v15;
	v27 =	vmul.f32 v27, v27;
	v37 =	vld [tilespmem:s22+$0x18620];
	v22 =	vadd.f32 v38, v22  }
0x1d1: {  	v41 =	vunpack.i.l.bf16.f32 v30;
	v42 =	vmul.f32 v11, v11;
	v9 =	vmul.f32 v9, v9;
	v38 =	vld [tilespmem:s22+$0x12600]  }
0x1d2: {  	v23 =	vmul.f32 v23, v23;
	v15 =	vadd.f32 v27, v15;
	v27 =	vmul.f32 v32, v32;
	v11 =	vld [tilespmem:s22+$0xC650]  }
0x1d3: {  	v30 =	vunpack.i.u.bf16.f32 v30;
	v29 =	vmul.f32 v29, v29;
	v41 =	vmul.f32 v41, v41;
	v32 =	vld [tilespmem:s22+$0xC630]  }
0x1d4: {  	v30 =	vmul.f32 v30, v30;
	v27 =	vadd.f32 v27, v31;
	v36 =	vsub.bf16 v40, v36;
	v43 =	vld [tilespmem:s22+$0x12660];
	v31, _, _ =	vpop (xrf2)  }
0x1d5: {  	v18 =	vmul.f32 v18, v18;
	v22 =	vadd.f32 v41, v22;
	v40 =	vld [tilespmem:s22+$0x6650];
	v41 =	vsub.f32 $5.000000000e-01, v31  }
0x1d6: {  	v15 =	vadd.f32 v30, v15;
	v27 =	vadd.f32 v29, v27;
	v29 =	vmul.f32 v31, v3;
	v44 =	vld [tilespmem:s22+$0x12630]  }
0x1d7: {  	v31 =	vmul.f32 v34, v34;
	v30 =	vld [tilespmem:s22+$0x12610];
	v11 =	vsub.bf16 v11, v17;
	v17 =	vmul.f32 v33, v33  }
0x1d8: {  	v15 =	vadd.f32 v21, v15;
	v18 =	vadd.f32 v18, v22;
	v21 =	vmax.f32 v41, $0.0e+00;
	v33 =	vld [tilespmem:s22+$0x6670]  }
0x1d9: {  	v22 =	vadd.f32 v9, v27;
	v1 =	vadd.f32 v29, v1;
	v9 =	vmul.f32 v21, v4;
	v34 =	vld [tilespmem:s22+$0x12650]  }
0x1da: {  	v10 =	vmul.f32 v10, v10;
	v15 =	vadd.f32 v31, v15;
	v17 =	vadd.f32 v17, v18;
	v21 =	vld [tilespmem:s22+$0x6610]  }
0x1db: {  	v27 =	vmul.f32 v5, v5;
	v5 =	vunpack.i.u.bf16.f32 v7;
	v2 =	vadd.f32 v9, v2;
	v18 =	vld [tilespmem:s22+$0x6600]  }
0x1dc: {  	v31 =	vunpack.i.l.bf16.f32 v36;
	v9 =	vunpack.i.u.bf16.f32 v11;
	v10 =	vadd.f32 v10, v17;
	v29 =	vld [tilespmem:s22+$0xC620]  }
0x1dd: {  	v45 =	vsub.bf16 v32, v28;
	v32 =	vmul.f32 v35, v35;
	v23 =	vadd.f32 v23, v15;
	v41 =	vld [tilespmem:s22+$0x6630]  }
0x1de: {  	v14 =	vadd.f32 v14, v16;
	v22 =	vadd.f32 v27, v22;
	v17 =	vunpack.i.l.bf16.f32 v11;
	v35 =	vld [tilespmem:s22+$0x6660]  }
0x1df: {  	v11 =	vunpack.i.u.bf16.f32 v36;
	v16 =	vsub.bf16 v21, v30;
	v27 =	vld [tilespmem:s22+$0x6620];
	v30 =	vsub.bf16 v33, v39  }
0x1e0: {  	v12 =	vadd.f32 v12, v14;
	v14 =	vmul.f32 v6, v6;
	v6 =	vmovc v31;
	v15 =	vsub.bf16 v18, v38;
	v28 =	vld [tilespmem:s22+$0x12620]  }
0x1e1: {  	v31 =	vsub.bf16 v40, v34;
	v18 =	vunpack.i.u.bf16.f32 v16;
	v29 =	vsub.bf16 v29, v37  }
0x1e2: {  	v12 =	vadd.f32 v32, v12;
	v34 =	vunpack.i.u.bf16.f32 v30;
	v33 =	vsub.bf16 v41, v44  }
0x1e3: {  	v18 =	vmul.f32 v18, v18;
	v21 =	vsub.bf16 v35, v43;
	v35 =	vadd.f32 v14, v10  }
0x1e4: {  	v14 =	vunpack.i.l.bf16.f32 v16;
	v10 =	vunpack.i.l.bf16.f32 v29;
	v16 =	vunpack.i.u.bf16.f32 v33  }
0x1e5: {  	v12 =	vadd.f32 v25, v12;
	v30 =	vunpack.i.l.bf16.f32 v30;
	v32 =	vunpack.i.l.bf16.f32 v33;
	v33 =	vld [tilespmem:s22+$0x18600]  }
0x1e6: {  	v36 =	vmul.f32 v14, v14;
	v14 =	vmul.f32 v16, v16;
	v16 =	vunpack.i.u.bf16.f32 v31;
	v37 =	vld [tilespmem:s22+$0x12640]  }
0x1e7: {  	v40 =	vadd.f32 v24, v12;
	v25 =	vunpack.i.l.bf16.f32 v31;
	v38 =	vmul.f32 v32, v32;
	v39 =	vld [tilespmem:s22+$0x6640]  }
0x1e8: {  	v12 =	vmul.f32 v30, v30;
	v16 =	vmul.f32 v16, v16;
	v31 =	vadd.f32 v14, v18;
	v41 =	vld [tilespmem:s22+$0xC600]  }
.Ltmp2:
0x1e9: {  	v30 =	vadd.f32 v42, v23;
	v14 =	vmul.f32 v25, v25;
	v18 =	vunpack.i.l.bf16.f32 v21;
	v24 =	vld [tilespmem:s22+$0x18610];
	(pc) =	sbr.rel @p0 .LBB2_7-.Ltmp2, $4  }
0x1ea: {  	v25 =	vadd.f32 v16, v31;
	v31 =	vmul.f32 v34, v34;
	v34 =	vadd.f32 v26, v35;
	v32 =	vld [tilespmem:s22+$0xC610]  }
0x1eb: {  	v23 =	vunpack.i.u.bf16.f32 v29;
	v26 =	vadd.f32 v19, v30;
	v19 =	vadd.f32 v20, v40  }
0x1ec: {  	v16 =	vadd.f32 v38, v36;
	v20 =	vunpack.i.l.bf16.f32 v45;
	v30 =	vsub.bf16 v39, v37  }
0x1ed: {  	v29 =	vunpack.i.u.bf16.f32 v45;
	v19 =	vadd.f32 v19, v34;
	v33 =	vsub.bf16 v41, v33  }
0x1ee: {  	v25 =	vadd.f32 v31, v25;
	v7 =	vunpack.i.l.bf16.f32 v7;
	v22 =	vadd.f32 v22, v26  }
0x1ef: {  	v8 =	vsub.bf16 v13, v8;
	v20 =	vmul.f32 v20, v20;
	v27 =	vsub.bf16 v27, v28  }
0x1f0: {  	v17 =	vmul.f32 v17, v17;
	v21 =	vunpack.i.u.bf16.f32 v21;
	v43 =	vunpack.i.l.bf16.f32 v15  }
0x1f1: {  	v45 =	vunpack.i.u.bf16.f32 v15;
	v9 =	vmul.f32 v9, v9;
	v18 =	vmul.f32 v18, v18  }
0x1f2: {  	v46 =	vunpack.i.l.bf16.f32 v30;
	v29 =	vmul.f32 v29, v29;
	v10 =	vmul.f32 v10, v10  }
0x1f3: {  	v47 =	vunpack.i.u.bf16.f32 v30;
	v54 =	vmul.f32 v23, v23;
	v6 =	vmul.f32 v6, v6  }
0x1f4: {  	v24 =	vsub.bf16 v32, v24;
	v38 =	vunpack.i.u.bf16.f32 v33;
	v32 =	vmul.f32 v43, v43  }
0x1f5: {  	v15 =	vmul.f32 v45, v45;
	v44 =	vunpack.i.l.bf16.f32 v27;
	v27 =	vunpack.i.u.bf16.f32 v27  }
0x1f6: {  	v39 =	vunpack.i.l.bf16.f32 v33;
	v33 =	vmul.f32 v44, v44;
	v27 =	vmul.f32 v27, v27  }
0x1f7: {  	v14 =	vadd.f32 v14, v16;
	v11 =	vmul.f32 v11, v11;
	v48 =	vmul.f32 v47, v47  }
0x1f8: {  	v32 =	vadd.f32 v33, v32;
	v33 =	vmul.f32 v46, v46;
	v15 =	vadd.f32 v27, v15  }
0x1f9: {  	v21 =	vmul.f32 v21, v21;
	v13 =	vmul.f32 v39, v39;
	v40 =	vunpack.i.u.bf16.f32 v24  }
0x1fa: {  	v24 =	vunpack.i.l.bf16.f32 v24;
	v50 =	vadd.f32 v33, v32;
	v15 =	vadd.f32 v48, v15  }
0x1fb: {  	v12 =	vadd.f32 v12, v14;
	v49 =	vmul.f32 v40, v40;
	v52 =	vmul.f32 v24, v24  }
0x1fc: {  	v51 =	vmul.f32 v38, v38;
	v18 =	vadd.f32 v18, v50;
	v15 =	vadd.f32 v21, v15  }
0x1fd: {  	v5 =	vmul.f32 v5, v5;
	v53 =	vadd.f32 v49, v25;
	v12 =	vadd.f32 v52, v12  }
0x1fe: {  	v7 =	vmul.f32 v7, v7;
	v13 =	vadd.f32 v13, v18;
	v15 =	vadd.f32 v51, v15  }
0x1ff: {  	v41 =	vunpack.i.u.bf16.f32 v8;
	v14 =	vadd.f32 v29, v53;
	v12 =	vadd.f32 v20, v12  }
0x200: {  	v8 =	vunpack.i.l.bf16.f32 v8;
	v10 =	vadd.f32 v10, v13;
	v55 =	vadd.f32 v54, v15  }
0x201: {  	v42 =	vmul.f32 v41, v41;
	v9 =	vadd.f32 v9, v14;
	v56 =	vadd.f32 v17, v12  }
0x202: {  	v8 =	vmul.f32 v8, v8;
	v6 =	vadd.f32 v6, v10;
	v11 =	vadd.f32 v11, v55  }
0x203: {  	v5 =	vadd.f32 v5, v9;
	v7 =	vadd.f32 v7, v56  }
0x204: {  	v6 =	vadd.f32 v8, v6;
	v57 =	vadd.f32 v42, v11  }
0x205: {  	v58 =	vadd.f32 v19, v22  }
0x206: {  	v6 =	vadd.f32 v7, v6;
	v5 =	vadd.f32 v5, v57  }
0x207: {  	(xrf2) =	vadd.scan.msk.f32 $0xffff, v58  }
0x208: {  	v5 =	vadd.f32 v6, v5;
	_ =	sdelay $0x1  }
0x209: {  	(xrf2) =	vadd.scan.msk.f32 $0xffff, v5;
	_ =	sdelay $0x6  }
0x20a: {  	v59, _, _ =	vpop (xrf2)  }
0x20b: {  	v60 =	vsub.f32 $5.000000000e-01, v59;
	_ =	sdelay $0x1  }
0x20c: {  	s21 =	sadd.s32 $0x1, s21;
	v6 =	vmax.f32 v60, $0.0e+00;
	v61, _, _ =	vpop (xrf2)  }
0x20d: {  	p0 =	sne.s32 s21, $0x19;
	v6 =	vmul.f32 v6, v4;
	v62 =	vsub.f32 $5.000000000e-01, v61  }
.Ltmp3:
0x20e: {  	v5 =	vmul.f32 v59, v3;
	(pc) =	sbr.rel @p0 .LBB2_2-.Ltmp3, $3  }
0x20f: {  	v6 =	vadd.f32 v6, v2;
	v63 =	vmax.f32 v62, $0.0e+00  }
0x210: {  	v1 =	vadd.f32 v5, v1;
	v2 =	vmul.f32 v61, v3;
	v3 =	vmul.f32 v63, v4;
	_ =	sdelay $0x1  }
0x211: {  	v2 =	vadd.f32 v2, v1;
	v1 =	vadd.f32 v3, v6  }
0x212: {  	_ =	swait.ge [sflag:s30], $0x2000  }
0x213: {  	[sflag:s30] =	ssyncset.done $0x0  }
0x214: {  	[sflag:s30] =	ssyncadd.s32 $0xFFFFE000  }
0x215: {  	_ =	swait.ge [sflag:s30], $0x2000  }
0x216: {  	[sflag:s30] =	ssyncset.done $0x0  }
0x217: {  	[sflag:s30] =	ssyncadd.s32 $0xFFFFE000  }
0x218: {  	_ =	swait.ge [sflag:s30], $0x2000  }
0x219: {  	[sflag:s30] =	ssyncset.done $0x0  }
0x21a: {  	[sflag:s30] =	ssyncadd.s32 $0xFFFFE000  }
0x21b: {  	_ =	swait.ge [sflag:s30], $0x2000  }
0x21c: {  	[sflag:s30] =	ssyncset.done $0x0  }
0x21d: {  	s1 =	simm.s32 $0x0;
	[sflag:s30] =	ssyncadd.s32 $0xFFFFE000  }
0x21e: {  	v3 =	vld [tilespmem:s1+$0x14670]  }
0x21f: {  	v4 =	vld [tilespmem:s1+$0x8670]  }
0x220: {  	v5 =	vld [tilespmem:s1+$0x14640]  }
0x221: {  	v6 =	vld [tilespmem:s1+$0x14650]  }
0x222: {  	v7 =	vld [tilespmem:s1+$0x14630]  }
0x223: {  	v8 =	vld [tilespmem:s1+$0x8640]  }
0x224: {  	v9 =	vld [tilespmem:s1+$0xE670]  }
0x225: {  	v10 =	vld [tilespmem:s1+$0x14620]  }
0x226: {  	v11 =	vld [tilespmem:s1+$0xE600]  }
0x227: {  	v12 =	vld [tilespmem:s1+$0x8650]  }
0x228: {  	v13 =	vld [tilespmem:s1+$0x8630]  }
0x229: {  	v14 =	vld [tilespmem:s1+$0xE660]  }
0x22a: {  	v17 =	vld [tilespmem:s1+$0xE610]  }
0x22b: {  	v18 =	vld [tilespmem:s1+$0x2670]  }
0x22c: {  	v20 =	vld [tilespmem:s1+$0x2610]  }
0x22d: {  	v21 =	vld [tilespmem:s1+$0x2600]  }
0x22e: {  	v23 =	vld [tilespmem:s1+$0x2660]  }
0x22f: {  	v15 =	vld [tilespmem:s1+$0x2650];
	v3 =	vsub.bf16 v4, v3  }
0x230: {  	v19 =	vld [tilespmem:s1+$0xE650];
	v5 =	vsub.bf16 v8, v5;
	v8 =	vsub.bf16 v12, v6  }
0x231: {  	v16 =	vld [tilespmem:s1+$0xE630];
	v7 =	vsub.bf16 v13, v7;
	v17 =	vsub.bf16 v20, v17  }
0x232: {  	v25 =	vld [tilespmem:s1+$0x8600];
	v9 =	vsub.bf16 v18, v9;
	v11 =	vsub.bf16 v21, v11  }
0x233: {  	v4 =	vld [tilespmem:s1+$0x8620];
	v14 =	vsub.bf16 v23, v14;
	v22 =	vunpack.i.u.bf16.f32 v3;
	v6 =	vunpack.i.l.bf16.f32 v5  }
0x234: {  	v12 =	vld [tilespmem:s1+$0x2630];
	v24 =	vunpack.i.u.bf16.f32 v8;
	v8 =	vunpack.i.l.bf16.f32 v8;
	v18 =	vunpack.i.u.bf16.f32 v5  }
0x235: {  	v26 =	vld [tilespmem:s1+$0x14610];
	v5 =	vsub.bf16 v15, v19;
	v19 =	vunpack.i.u.bf16.f32 v17;
	v17 =	vunpack.i.l.bf16.f32 v17  }
0x236: {  	v29 =	vld [tilespmem:s1+$0x8660];
	v30 =	vunpack.i.l.bf16.f32 v14;
	v34 =	vunpack.i.l.bf16.f32 v11;
	v19 =	vmul.f32 v19, v19  }
0x237: {  	v13 =	vld [tilespmem:s1+$0x14660];
	v11 =	vunpack.i.u.bf16.f32 v11;
	v17 =	vmul.f32 v17, v17;
	v33 =	vmul.f32 v8, v8  }
0x238: {  	v15 =	vld [tilespmem:s1+$0x14600];
	v3 =	vunpack.i.l.bf16.f32 v3;
	v11 =	vmul.f32 v11, v11;
	v18 =	vmul.f32 v18, v18  }
0x239: {  	s21 =	simm.s32 $0x80;
	v28 =	vld [tilespmem:s1+$0x8610];
	v24 =	vmul.f32 v24, v24;
	v4 =	vsub.bf16 v4, v10;
	v10 =	vsub.bf16 v12, v16  }
0x23a: {  	v39 =	vld [tilespmem:s21+$0x8630];
	v22 =	vmul.f32 v22, v22;
	v27 =	vunpack.i.u.bf16.f32 v5;
	v5 =	vunpack.i.l.bf16.f32 v5  }
0x23b: {  	v20 =	vld [tilespmem:s1+$0x2640];
	v16 =	vunpack.i.u.bf16.f32 v9;
	v9 =	vunpack.i.l.bf16.f32 v9;
	v21 =	vunpack.i.u.bf16.f32 v10  }
0x23c: {  	v8 =	vld [tilespmem:s21+$0x14630];
	v13 =	vsub.bf16 v29, v13;
	v16 =	vmul.f32 v16, v16;
	v21 =	vmul.f32 v21, v21  }
0x23d: {  	v12 =	vld [tilespmem:s1+$0xE640];
	v23 =	vunpack.i.l.bf16.f32 v4;
	v10 =	vunpack.i.l.bf16.f32 v10;
	v15 =	vsub.bf16 v25, v15  }
0x23e: {  	v32 =	vld [tilespmem:s21+$0x14650];
	v25 =	vsub.bf16 v28, v26;
	v19 =	vadd.f32 v21, v19;
	v21 =	vmul.f32 v27, v27  }
0x23f: {  	v31 =	vunpack.i.u.bf16.f32 v13;
	v27 =	vmul.f32 v9, v9;
	v9 =	vmul.f32 v5, v5;
	v5 =	vld [tilespmem:s1+$0x2620]  }
0x240: {  	v13 =	vunpack.i.l.bf16.f32 v13;
	v10 =	vmul.f32 v10, v10;
	v19 =	vadd.f32 v21, v19;
	v21 =	vld [tilespmem:s1+$0xE620]  }
0x241: {  	v37 =	vld [tilespmem:s21+$0xE670];
	v4 =	vunpack.i.u.bf16.f32 v4;
	v57 =	vmul.f32 v13, v13;
	v60 =	vsub.bf16 v39, v8  }
0x242: {  	v28 =	vunpack.i.u.bf16.f32 v25;
	v10 =	vadd.f32 v10, v17;
	v12 =	vsub.bf16 v20, v12;
	v20 =	vld [tilespmem:s21+$0x14670]  }
0x243: {  	v25 =	vunpack.i.l.bf16.f32 v25;
	v17 =	vunpack.i.l.bf16.f32 v7;
	v16 =	vadd.f32 v16, v19;
	v19 =	vld [tilespmem:s21+$0x8670]  }
0x244: {  	v56 =	vld [tilespmem:s21+$0x14620];
	v7 =	vunpack.i.u.bf16.f32 v7;
	v28 =	vmul.f32 v28, v28;
	v10 =	vadd.f32 v9, v10  }
0x245: {  	v41 =	vld [tilespmem:s21+$0x2650];
	v8 =	vmul.f32 v25, v25;
	v17 =	vmul.f32 v17, v17;
	v21 =	vsub.bf16 v5, v21  }
0x246: {  	v58 =	vld [tilespmem:s21+$0x8620];
	v10 =	vadd.f32 v27, v10;
	v5 =	vunpack.i.u.bf16.f32 v14;
	v14 =	vmul.f32 v31, v31  }
0x247: {  	v29 =	vld [tilespmem:s21+$0x14640];
	v31 =	vmul.f32 v3, v3;
	v36 =	vmul.f32 v5, v5;
	v35 =	vunpack.i.l.bf16.f32 v21  }
0x248: {  	v3 =	vld [tilespmem:s21+$0x8640];
	v5 =	vsub.bf16 v19, v20;
	v19 =	vmul.f32 v34, v34;
	v20 =	vmul.f32 v35, v35  }
0x249: {  	v59 =	vld [tilespmem:s21+$0x2630];
	v7 =	vmul.f32 v7, v7;
	v38 =	vunpack.i.l.bf16.f32 v12;
	v21 =	vunpack.i.u.bf16.f32 v21  }
0x24a: {  	v61 =	vld [tilespmem:s21+$0x14600];
	v10 =	vadd.f32 v8, v10;
	v19 =	vadd.f32 v20, v19;
	v20 =	vmul.f32 v21, v21  }
0x24b: {  	v63 =	vld [tilespmem:s21+$0x8600];
	v12 =	vunpack.i.u.bf16.f32 v12;
	v38 =	vmul.f32 v38, v38;
	v16 =	vadd.f32 v28, v16  }
0x24c: {  	v13 =	vld [tilespmem:s21+$0xE600];
	v12 =	vmul.f32 v12, v12;
	v10 =	vadd.f32 v17, v10;
	v11 =	vadd.f32 v20, v11  }
0x24d: {  	v21 =	vld [tilespmem:s21+$0x8650];
	v29 =	vsub.bf16 v3, v29;
	v19 =	vadd.f32 v38, v19;
	v20 =	vmul.f32 v30, v30  }
0x24e: {  	v30 =	vmul.f32 v4, v4;
	v4 =	vadd.f32 v7, v16;
	v3 =	vadd.f32 v12, v11;
	v11 =	vld [tilespmem:s21+$0xE610]  }
0x24f: {  	v26 =	vunpack.i.u.bf16.f32 v15;
	v15 =	vunpack.i.l.bf16.f32 v15;
	v33 =	vadd.f32 v33, v10;
	v12 =	vld [tilespmem:s21+$0x2670]  }
0x250: {  	v7 =	vmul.f32 v15, v15;
	v15 =	vadd.f32 v20, v19;
	v20 =	vadd.f32 v24, v4;
	v24 =	vld [tilespmem:s21+$0x2610]  }
0x251: {  	v33 =	vadd.f32 v31, v33;
	v31 =	vsub.bf16 v63, v61;
	v19 =	vmul.f32 v26, v26;
	v26 =	vld [tilespmem:s21+$0x2600]  }
0x252: {  	v6 =	vmul.f32 v6, v6;
	v28 =	vld [tilespmem:s21+$0xE630];
	v16 =	vsub.bf16 v21, v32;
	v3 =	vadd.f32 v36, v3  }
0x253: {  	v23 =	vmul.f32 v23, v23;
	v21 =	vld [tilespmem:s21+$0xE650];
	v15 =	vadd.f32 v7, v15;
	v20 =	vadd.f32 v22, v20  }
0x254: {  	v9 =	vunpack.i.u.bf16.f32 v29;
	v22 =	vsub.bf16 v58, v56;
	v19 =	vadd.f32 v19, v3  }
0x255: {  	v7 =	vunpack.i.u.bf16.f32 v16;
	v23 =	vadd.f32 v23, v15;
	v11 =	vsub.bf16 v24, v11  }
0x256: {  	v15 =	vunpack.i.l.bf16.f32 v16;
	v12 =	vsub.bf16 v12, v37;
	v13 =	vsub.bf16 v26, v13  }
0x257: {  	v8 =	vunpack.i.l.bf16.f32 v22;
	v24 =	vsub.bf16 v59, v28;
	v25 =	vadd.f32 v30, v19  }
0x258: {  	v21 =	vsub.bf16 v41, v21;
	v27 =	vadd.f32 v6, v23;
	v16 =	vunpack.i.u.bf16.f32 v11  }
0x259: {  	v40 =	vld [tilespmem:s21+$0xE660];
	v11 =	vunpack.i.l.bf16.f32 v11;
	v23 =	vunpack.i.u.bf16.f32 v24;
	v16 =	vmul.f32 v16, v16  }
0x25a: {  	v62 =	vld [tilespmem:s21+$0x2640];
	v26 =	vunpack.i.u.bf16.f32 v12;
	v17 =	vmul.f32 v11, v11;
	v11 =	vmul.f32 v23, v23  }
0x25b: {  	v19 =	vld [tilespmem:s21+$0x2660];
	v24 =	vunpack.i.l.bf16.f32 v24;
	v12 =	vunpack.i.l.bf16.f32 v12;
	v23 =	vunpack.i.u.bf16.f32 v21  }
0x25c: {  	v28 =	vld [tilespmem:s21+$0xE640];
	v30 =	vmul.f32 v24, v24;
	v23 =	vmul.f32 v23, v23;
	v24 =	vadd.f32 v11, v16  }
0x25d: {  	v6 =	vld [tilespmem:s21+$0x14660];
	v21 =	vunpack.i.l.bf16.f32 v21;
	v10 =	vmul.f32 v12, v12;
	v18 =	vadd.f32 v18, v25  }
0x25e: {  	v12 =	vmul.f32 v21, v21;
	v21 =	vunpack.i.u.bf16.f32 v22;
	v22 =	vld [tilespmem:s21+$0x14610];
	v23 =	vadd.f32 v23, v24  }
0x25f: {  	v4 =	vunpack.i.l.bf16.f32 v29;
	v24 =	vadd.f32 v14, v18;
	v14 =	vadd.f32 v30, v17;
	v30 =	vld [tilespmem:s21+$0x8610]  }
0x260: {  	v3 =	vunpack.i.u.bf16.f32 v5;
	v35 =	vadd.f32 v57, v27;
	v11 =	vld [tilespmem:s21+$0x8660];
	v19 =	vsub.bf16 v19, v40  }
0x261: {  	v25 =	vld [tilespmem:s21+$0x2620];
	v29 =	vmul.f32 v26, v26;
	v27 =	vunpack.i.u.bf16.f32 v60;
	v28 =	vsub.bf16 v62, v28  }
0x262: {  	s1 =	simm.s32 $0x400;
	v26 =	vld [tilespmem:s21+$0xE620];
	v18 =	vunpack.i.l.bf16.f32 v60;
	v17 =	vadd.f32 v33, v35;
	v16 =	vunpack.i.l.bf16.f32 v19  }
.LBB2_10:
0x263: {  	s21 =	sshra.s32 s1, $0x2;
	p0 =	sne.s32 s1, $0x7E00;
	s1 =	sadd.s32 $0x200, s1;
	v29 =	vadd.f32 v29, v23;
	v5 =	vunpack.i.l.bf16.f32 v5;
	v20 =	vadd.f32 v20, v24  }
0x264: {  	v24 =	vld [tilespmem:s21+$0x14670];
	v32 =	vunpack.i.u.bf16.f32 v31;
	v31 =	vunpack.i.l.bf16.f32 v31;
	v22 =	vsub.bf16 v30, v22  }
0x265: {  	v11 =	vsub.bf16 v11, v6;
	v6 =	vld [tilespmem:s21+$0x14660];
	v17 =	vadd.f32 v17, v20  }
0x266: {  	v23 =	vmul.f32 v18, v18;
	v20 =	vld [tilespmem:s21+$0x8670];
	v30 =	vunpack.i.u.bf16.f32 v22;
	v33 =	vunpack.i.l.bf16.f32 v22  }
0x267: {  	v18 =	vunpack.i.u.bf16.f32 v11;
	v35 =	vunpack.i.l.bf16.f32 v11;
	v34 =	vld [tilespmem:s21+$0x14640];
	(xrf2) =	vadd.scan.msk.f32 $0xffff, v17  }
0x268: {  	v25 =	vsub.bf16 v25, v26;
	v22 =	vmul.f32 v15, v15;
	v11 =	vld [tilespmem:s21+$0x8660]  }
0x269: {  	v19 =	vunpack.i.u.bf16.f32 v19;
	v17 =	vmul.f32 v18, v18;
	v18 =	vmul.f32 v5, v5;
	v15 =	vld [tilespmem:s21+$0x14650]  }
0x26a: {  	v36 =	vunpack.i.l.bf16.f32 v13;
	v19 =	vmul.f32 v19, v19;
	v37 =	vunpack.i.l.bf16.f32 v25;
	v26 =	vld [tilespmem:s21+$0x14630]  }
0x26b: {  	v38 =	vld [tilespmem:s21+$0x8640];
	v5 =	vsub.bf16 v20, v24;
	v20 =	vmul.f32 v36, v36;
	v36 =	vmul.f32 v37, v37  }
0x26c: {  	v13 =	vunpack.i.u.bf16.f32 v13;
	v25 =	vunpack.i.u.bf16.f32 v25;
	v24 =	vmul.f32 v35, v35;
	v37 =	vld [tilespmem:s21+$0xE670]  }
0x26d: {  	v13 =	vmul.f32 v13, v13;
	v25 =	vmul.f32 v25, v25;
	v35 =	vld [tilespmem:s21+$0x14620];
	v20 =	vadd.f32 v36, v20  }
0x26e: {  	v39 =	vunpack.i.l.bf16.f32 v28;
	v40 =	vmul.f32 v9, v9;
	v7 =	vmul.f32 v7, v7;
	v36 =	vld [tilespmem:s21+$0xE600]  }
0x26f: {  	v21 =	vmul.f32 v21, v21;
	v13 =	vadd.f32 v25, v13;
	v25 =	vmul.f32 v30, v30;
	v9 =	vld [tilespmem:s21+$0x8650]  }
0x270: {  	v28 =	vunpack.i.u.bf16.f32 v28;
	v27 =	vmul.f32 v27, v27;
	v39 =	vmul.f32 v39, v39;
	v30 =	vld [tilespmem:s21+$0x8630]  }
0x271: {  	v28 =	vmul.f32 v28, v28;
	v25 =	vadd.f32 v25, v29;
	v34 =	vsub.bf16 v38, v34;
	v41 =	vld [tilespmem:s21+$0xE660];
	v29, _, _ =	vpop (xrf2)  }
0x272: {  	v16 =	vmul.f32 v16, v16;
	v20 =	vadd.f32 v39, v20;
	v38 =	vld [tilespmem:s21+$0x2650];
	v39 =	vsub.f32 $5.000000000e-01, v29  }
0x273: {  	v13 =	vadd.f32 v28, v13;
	v25 =	vadd.f32 v27, v25;
	v27 =	vmul.f32 $0.0e+00, v29;
	v42 =	vld [tilespmem:s21+$0xE630]  }
0x274: {  	v29 =	vmul.f32 v32, v32;
	v28 =	vld [tilespmem:s21+$0xE610];
	v9 =	vsub.bf16 v9, v15;
	v15 =	vmul.f32 v31, v31  }
0x275: {  	v13 =	vadd.f32 v19, v13;
	v16 =	vadd.f32 v16, v20;
	v19 =	vmax.f32 v39, $0.0e+00;
	v31 =	vld [tilespmem:s21+$0x2670]  }
0x276: {  	v20 =	vadd.f32 v7, v25;
	v2 =	vadd.f32 v27, v2;
	v7 =	vmul.f32 v19, v0;
	v32 =	vld [tilespmem:s21+$0xE650]  }
0x277: {  	v8 =	vmul.f32 v8, v8;
	v13 =	vadd.f32 v29, v13;
	v15 =	vadd.f32 v15, v16;
	v19 =	vld [tilespmem:s21+$0x2610]  }
0x278: {  	v25 =	vmul.f32 v3, v3;
	v3 =	vunpack.i.u.bf16.f32 v5;
	v1 =	vadd.f32 v7, v1;
	v16 =	vld [tilespmem:s21+$0x2600]  }
0x279: {  	v29 =	vunpack.i.l.bf16.f32 v34;
	v7 =	vunpack.i.u.bf16.f32 v9;
	v8 =	vadd.f32 v8, v15;
	v27 =	vld [tilespmem:s21+$0x8620]  }
0x27a: {  	v43 =	vsub.bf16 v30, v26;
	v30 =	vmul.f32 v33, v33;
	v21 =	vadd.f32 v21, v13;
	v39 =	vld [tilespmem:s21+$0x2630]  }
0x27b: {  	v12 =	vadd.f32 v12, v14;
	v20 =	vadd.f32 v25, v20;
	v15 =	vunpack.i.l.bf16.f32 v9;
	v33 =	vld [tilespmem:s21+$0x2660]  }
0x27c: {  	v9 =	vunpack.i.u.bf16.f32 v34;
	v14 =	vsub.bf16 v19, v28;
	v25 =	vld [tilespmem:s21+$0x2620];
	v28 =	vsub.bf16 v31, v37  }
0x27d: {  	v10 =	vadd.f32 v10, v12;
	v12 =	vmul.f32 v4, v4;
	v4 =	vmovc v29;
	v13 =	vsub.bf16 v16, v36;
	v26 =	vld [tilespmem:s21+$0xE620]  }
0x27e: {  	v29 =	vsub.bf16 v38, v32;
	v16 =	vunpack.i.u.bf16.f32 v14;
	v27 =	vsub.bf16 v27, v35  }
0x27f: {  	v10 =	vadd.f32 v30, v10;
	v32 =	vunpack.i.u.bf16.f32 v28;
	v31 =	vsub.bf16 v39, v42  }
0x280: {  	v16 =	vmul.f32 v16, v16;
	v19 =	vsub.bf16 v33, v41;
	v33 =	vadd.f32 v12, v8  }
0x281: {  	v12 =	vunpack.i.l.bf16.f32 v14;
	v8 =	vunpack.i.l.bf16.f32 v27;
	v14 =	vunpack.i.u.bf16.f32 v31  }
0x282: {  	v10 =	vadd.f32 v23, v10;
	v28 =	vunpack.i.l.bf16.f32 v28;
	v30 =	vunpack.i.l.bf16.f32 v31;
	v31 =	vld [tilespmem:s21+$0x14600]  }
0x283: {  	v34 =	vmul.f32 v12, v12;
	v12 =	vmul.f32 v14, v14;
	v14 =	vunpack.i.u.bf16.f32 v29;
	v35 =	vld [tilespmem:s21+$0xE640]  }
0x284: {  	v38 =	vadd.f32 v22, v10;
	v23 =	vunpack.i.l.bf16.f32 v29;
	v36 =	vmul.f32 v30, v30;
	v37 =	vld [tilespmem:s21+$0x2640]  }
0x285: {  	v10 =	vmul.f32 v28, v28;
	v14 =	vmul.f32 v14, v14;
	v29 =	vadd.f32 v12, v16;
	v39 =	vld [tilespmem:s21+$0x8600]  }
.Ltmp4:
0x286: {  	v28 =	vadd.f32 v40, v21;
	v12 =	vmul.f32 v23, v23;
	v16 =	vunpack.i.l.bf16.f32 v19;
	v22 =	vld [tilespmem:s21+$0x14610];
	(pc) =	sbr.rel @p0 .LBB2_10-.Ltmp4, $4  }
0x287: {  	v23 =	vadd.f32 v14, v29;
	v29 =	vmul.f32 v32, v32;
	v32 =	vadd.f32 v24, v33;
	v30 =	vld [tilespmem:s21+$0x8610]  }
0x288: {  	v21 =	vunpack.i.u.bf16.f32 v27;
	v24 =	vadd.f32 v17, v28;
	v17 =	vadd.f32 v18, v38  }
0x289: {  	v14 =	vadd.f32 v36, v34;
	v18 =	vunpack.i.l.bf16.f32 v43;
	v28 =	vsub.bf16 v37, v35  }
0x28a: {  	v27 =	vunpack.i.u.bf16.f32 v43;
	v17 =	vadd.f32 v17, v32;
	v31 =	vsub.bf16 v39, v31  }
0x28b: {  	v23 =	vadd.f32 v29, v23;
	v5 =	vunpack.i.l.bf16.f32 v5;
	v20 =	vadd.f32 v20, v24  }
0x28c: {  	v6 =	vsub.bf16 v11, v6;
	v18 =	vmul.f32 v18, v18;
	v25 =	vsub.bf16 v25, v26  }
0x28d: {  	v15 =	vmul.f32 v15, v15;
	v19 =	vunpack.i.u.bf16.f32 v19;
	v43 =	vunpack.i.l.bf16.f32 v13  }
0x28e: {  	v45 =	vunpack.i.u.bf16.f32 v13;
	v7 =	vmul.f32 v7, v7;
	v16 =	vmul.f32 v16, v16  }
0x28f: {  	v46 =	vunpack.i.l.bf16.f32 v28;
	v27 =	vmul.f32 v27, v27;
	v8 =	vmul.f32 v8, v8  }
0x290: {  	v47 =	vunpack.i.u.bf16.f32 v28;
	v54 =	vmul.f32 v21, v21;
	v4 =	vmul.f32 v4, v4  }
0x291: {  	v22 =	vsub.bf16 v30, v22;
	v38 =	vunpack.i.u.bf16.f32 v31;
	v30 =	vmul.f32 v43, v43  }
0x292: {  	v13 =	vmul.f32 v45, v45;
	v44 =	vunpack.i.l.bf16.f32 v25;
	v25 =	vunpack.i.u.bf16.f32 v25  }
0x293: {  	v39 =	vunpack.i.l.bf16.f32 v31;
	v31 =	vmul.f32 v44, v44;
	v25 =	vmul.f32 v25, v25  }
0x294: {  	v12 =	vadd.f32 v12, v14;
	v9 =	vmul.f32 v9, v9;
	v48 =	vmul.f32 v47, v47  }
0x295: {  	v30 =	vadd.f32 v31, v30;
	v31 =	vmul.f32 v46, v46;
	v13 =	vadd.f32 v25, v13  }
0x296: {  	v19 =	vmul.f32 v19, v19;
	v11 =	vmul.f32 v39, v39;
	v40 =	vunpack.i.u.bf16.f32 v22  }
0x297: {  	v22 =	vunpack.i.l.bf16.f32 v22;
	v50 =	vadd.f32 v31, v30;
	v13 =	vadd.f32 v48, v13  }
0x298: {  	v10 =	vadd.f32 v10, v12;
	v49 =	vmul.f32 v40, v40;
	v52 =	vmul.f32 v22, v22  }
0x299: {  	v51 =	vmul.f32 v38, v38;
	v16 =	vadd.f32 v16, v50;
	v13 =	vadd.f32 v19, v13  }
0x29a: {  	v3 =	vmul.f32 v3, v3;
	v53 =	vadd.f32 v49, v23;
	v10 =	vadd.f32 v52, v10  }
0x29b: {  	v5 =	vmul.f32 v5, v5;
	v11 =	vadd.f32 v11, v16;
	v13 =	vadd.f32 v51, v13  }
0x29c: {  	v41 =	vunpack.i.u.bf16.f32 v6;
	v12 =	vadd.f32 v27, v53;
	v10 =	vadd.f32 v18, v10  }
0x29d: {  	v6 =	vunpack.i.l.bf16.f32 v6;
	v8 =	vadd.f32 v8, v11;
	v55 =	vadd.f32 v54, v13  }
0x29e: {  	v42 =	vmul.f32 v41, v41;
	v7 =	vadd.f32 v7, v12;
	v56 =	vadd.f32 v15, v10  }
0x29f: {  	v6 =	vmul.f32 v6, v6;
	v4 =	vadd.f32 v4, v8;
	v9 =	vadd.f32 v9, v55  }
0x2a0: {  	v3 =	vadd.f32 v3, v7;
	v5 =	vadd.f32 v5, v56  }
0x2a1: {  	v4 =	vadd.f32 v6, v4;
	v57 =	vadd.f32 v42, v9  }
0x2a2: {  	v58 =	vadd.f32 v17, v20  }
0x2a3: {  	v4 =	vadd.f32 v5, v4;
	v3 =	vadd.f32 v3, v57;
	_ =	sdelay $0x1  }
0x2a4: {  	(xrf2) =	vadd.scan.msk.f32 $0xffff, v58;
	v3 =	vadd.f32 v4, v3;
	_ =	sdelay $0x1  }
0x2a5: {  	(xrf2) =	vadd.scan.msk.f32 $0xffff, v3;
	_ =	sdelay $0x7  }
0x2a6: {  	v3, _, _ =	vpop (xrf2)  }
0x2a7: {  	v59 =	vsub.f32 $5.000000000e-01, v3  }
0x2a8: {  	v60, _, _ =	vpop (xrf2)  }
0x2a9: {  	v3 =	vmul.f32 $0.0e+00, v3;
	v4 =	vmax.f32 v59, $0.0e+00;
	v61 =	vsub.f32 $5.000000000e-01, v60  }
0x2aa: {  	v4 =	vmul.f32 v4, v0  }
0x2ab: {  	v2 =	vadd.f32 v3, v2;
	v3 =	vmul.f32 $0.0e+00, v60;
	v62 =	vmax.f32 v61, $0.0e+00  }
0x2ac: {  	v1 =	vadd.f32 v4, v1;
	v63 =	vmul.f32 v62, v0  }
0x2ad: {  	v2 =	vadd.f32 v3, v2  }
0x2ae: {  	s20 =	sadd.s32 $0x1, s20;
	v1 =	vadd.f32 v63, v1  }
0x2af: {  	p0 =	sne.s32 s20, s12;
	[tilespmem:$0x1A600] =	vst v2  }
.Ltmp5:
0x2b0: {  	s1 =	simm.s32 $0x1A600;
	[tilespmem:$0x1A610] =	vst v1;
	(pc) =	sbr.rel @p0 .LBB2_1-.Ltmp5, $4  }
0x2b1: {  	[hbm4b:s11+s3] =	stream.linear.scatter [tilespmem:s1], [sflag:$0x4], $0x20, $0x38;
	[tilespmem:$0x1A620] =	vst v63  }
0x2b2: {  	_ =	swait.ge [sflag:s13], $0x20  }
0x2b3: {  	[sflag:s13] =	ssyncset.done $0x0  }
0x2b4: {  	[sflag:s13] =	ssyncadd.s32 $0xFFFFFFE0  }
0x2b5: {  	_ =	sfence.sel $0x180000  }
0x2b6: {  	[bflag:$0x0] =	sbarrier.arrive $0xFFFF  }
0x2b7: {  	_ =	strace $0x90000047  }
0x2b8: {  	s0 =	stileid.u32;
	[bflag:$0x2] =	sbarrier.arrive $0xFFFF  }
0x2b9: {  	p0 =	sne.s32 s0, $0x0;
	s0 =	rddreg [dreg:$0x1]  }
0x2ba: {  	s0 =	sadd.s32 @!p0 $0x100000, s0  }
0x2bb: {  	[sflag:s0] =	ssyncadd.tile.s32 @!p0 $0x1;
	_ =	shalt  }
.Lfunc_end2:
_tile_overlayer_lowered:
.L_overlay_start_2:
0x2bc: {  	(tag) =	ssettag $0x2  }
0x2bd: {  	s0 =	rddreg [dreg:$0x0];
	s2 =	stileid.u32  }
0x2be: {  	s1 =	rddreg [dreg:$0x1];
	p0 =	sne.s32 s2, $0x0  }
0x2bf: {  	s3 =	rddreg [dreg:$0x2];
	[bflag:$0x3] =	sbarrier.arrive $0xFFFF;
	s2 =	simm.s32 @!p0 $0x1C04  }
0x2c0: {  	[timem:s3], [sflag:s2] =	dma.local @!p0 [hbm:s0], s1  }
0x2c1: {  	s0 =	simm.s32 @!p0 $0x4  }
0x2c2: {  	_ =	swait.ge @!p0 [sflag:s0], s1  }
0x2c3: {  	s1 =	ssub.s32 @!p0 $0x0, s1;
	[sflag:s0] =	ssyncset.done @!p0 $0x0  }
0x2c4: {  	[sflag:s0] =	ssyncadd.s32 @!p0 s1  }
0x2c5: {  	[bflag:$0x3] =	sbarrier.arrive $0xFFFF  }
0x2c6: {  	_ =	shalt  }

</sc_bundles>
